<compile_context>
chip_gen: v7x
topology: tpu7x:2x2x1
jax: 0.10.2.dev20260603
libtpu: 0.0.44.dev20260713+nightly
codegen_flags: <defaults>
</compile_context>

<pallas_src>
import functools

import jax
import jax.numpy as jnp
from jax import lax
from jax.experimental import pallas as pl
from jax.experimental.pallas import tpu as pltpu
from jax.experimental.pallas import tpu_sc as plsc

KNB = 20
NPTS = 2048
NBATCH = 8
RBLK = 1024
NPB = 128
NBLK = NPTS // NPB
EPS = 1e-5


def _lrelu(t):
    return jnp.where(t > 0, t, 0.2 * t)


def _nt(a, b):
    return lax.dot_general(a, b, (((1,), (1,)), ((), ())),
                           preferred_element_type=jnp.float32,
                           precision=lax.Precision.HIGHEST)


def _cast16(t):
    return t.astype(jnp.bfloat16)


def _nt_bf16(a, b):
    return lax.dot_general(a.astype(jnp.bfloat16), b.astype(jnp.bfloat16),
                           (((1,), (1,)), ((), ())),
                           preferred_element_type=jnp.float32)



def _knn_body(xb_ref, xa_ref, out_ref, pair_ref):
    b = pl.program_id(0)
    xb = xb_ref[0]
    xa = xa_ref[0]
    xxa = _nt(jnp.ones((1, xa.shape[1]), jnp.float32), xa * xa)
    xxb = jnp.sum(xb * xb, axis=1, keepdims=True)
    g = _nt_bf16(xb, xa)
    pair_ref[...] = 2.0 * g - xxb - xxa
    iota = lax.broadcasted_iota(jnp.int32, (RBLK, NPTS), 1)
    kio = lax.broadcasted_iota(jnp.int32, (RBLK, KNB), 1)

    def body(i, _):
        p = pair_ref[...]
        vmax = jnp.max(p, axis=1, keepdims=True)
        cand = jnp.where(p == vmax, iota, NPTS)
        amin = jnp.min(cand, axis=1, keepdims=True)
        out_ref[0] = jnp.where(kio == i,
                               jnp.broadcast_to(amin + b * NPTS, (RBLK, KNB)),
                               out_ref[0])
        pair_ref[...] = jnp.where(iota == amin, -jnp.inf, p)
        return 0

    lax.fori_loop(0, KNB, body, 0, unroll=2)


def _knn_topk(xt):
    B, N, C = xt.shape
    grid = (B, N // RBLK)
    return pl.pallas_call(
        _knn_body,
        grid=grid,
        in_specs=[
            pl.BlockSpec((1, RBLK, C), lambda b, r: (b, r, 0)),
            pl.BlockSpec((1, N, C), lambda b, r: (b, 0, 0)),
        ],
        out_specs=pl.BlockSpec((1, RBLK, KNB), lambda b, r: (b, r, 0)),
        out_shape=jax.ShapeDtypeStruct((B, N, KNB), jnp.int32),
        scratch_shapes=[pltpu.VMEM((RBLK, NPTS), jnp.float32)],
    )(xt, xt)



def _bmm_body(h_ref, w_ref, o_ref):
    o_ref[0] = _nt_bf16(h_ref[0], w_ref[...])


def _bmm(h, w):
    B, N, Cin = h.shape
    Cout = w.shape[0]
    return pl.pallas_call(
        _bmm_body,
        grid=(B,),
        in_specs=[
            pl.BlockSpec((1, N, Cin), lambda b: (b, 0, 0)),
            pl.BlockSpec((Cout, Cin), lambda b: (0, 0)),
        ],
        out_specs=pl.BlockSpec((1, N, Cout), lambda b: (b, 0, 0)),
        out_shape=jax.ShapeDtypeStruct((B, N, Cout), jnp.float32),
    )(h, w)



def _sc_gather(table, idx):
    R, C = table.shape
    (M,) = idx.shape
    info = plsc.get_sparse_core_info()
    nw = info.num_cores * info.num_subcores
    m_per_w = M // nw
    ch = 256
    n_ch = m_per_w // ch
    assert m_per_w % ch == 0 and n_ch % 2 == 0
    mesh = plsc.VectorSubcoreMesh(core_axis_name="c", subcore_axis_name="s")

    @functools.partial(
        pl.kernel, mesh=mesh,
        out_type=jax.ShapeDtypeStruct((M, C), jnp.float32),
        scratch_types=[
            pltpu.VMEM((ch,), jnp.int32),
            pltpu.VMEM((ch,), jnp.int32),
            pltpu.VMEM((ch, C), jnp.float32),
            pltpu.VMEM((ch, C), jnp.float32),
            pltpu.SemaphoreType.DMA,
            pltpu.SemaphoreType.DMA,
        ],
    )
    def k(table_hbm, idx_hbm, out_hbm, idx0, idx1, rows0, rows1, s0, s1):
        wid = lax.axis_index("s") * info.num_cores + lax.axis_index("c")
        base = wid * m_per_w

        def issue(j, idx_v, rows_v, sem):
            off = base + j * ch
            pltpu.sync_copy(idx_hbm.at[pl.ds(off, ch)], idx_v)
            pltpu.async_copy(table_hbm.at[idx_v], rows_v, sem)

        def drain(j, idx_v, rows_v, sem):
            pltpu.make_async_copy(table_hbm.at[idx_v], rows_v, sem).wait()
            pltpu.sync_copy(rows_v, out_hbm.at[pl.ds(base + j * ch, ch)])

        issue(0, idx0, rows0, s0)

        def step2(jj, _):
            j = jj * 2
            issue(j + 1, idx1, rows1, s1)
            drain(j, idx0, rows0, s0)

            @pl.when(jj + 1 < n_ch // 2)
            def _():
                issue(j + 2, idx0, rows0, s0)

            drain(j + 1, idx1, rows1, s1)
            return 0

        lax.fori_loop(0, n_ch // 2, step2, 0)

    return k(table, idx)



def _acc_rows(out_ref, s, ss):
    rio = lax.broadcasted_iota(jnp.int32, out_ref.shape, 0)
    upd = jnp.where(rio == 0, jnp.broadcast_to(s, out_ref.shape), 0.0)
    upd = upd + jnp.where(rio == 1, jnp.broadcast_to(ss, out_ref.shape), 0.0)
    out_ref[...] += upd


def _h1pre(nbr_ref, z_ref, w1_ref):
    cv = z_ref.shape[-1]
    nb = nbr_ref[0, 0][:, :cv]
    ctr = jnp.broadcast_to(z_ref[0, 0][:, None, :], (NPB, KNB, cv))
    ctr = ctr.reshape(NPB * KNB, cv)
    d16 = _cast16(nb - ctr)
    c16 = _cast16(ctr)
    parts = [d16, c16]
    if 2 * cv < 128:
        parts.append(jnp.zeros((NPB * KNB, 128 - 2 * cv), d16.dtype))
    feat = jnp.concatenate(parts, axis=1)
    return _nt_bf16(feat, w1_ref[...])


def _ec_stats1_body(nbr_ref, z_ref, w1_ref, out_ref):
    @pl.when(jnp.logical_and(pl.program_id(0) == 0, pl.program_id(1) == 0))
    def _():
        out_ref[...] = jnp.zeros_like(out_ref)

    hh = _h1pre(nbr_ref, z_ref, w1_ref)
    s = jnp.sum(hh, axis=0, keepdims=True)
    ss = jnp.sum(hh * hh, axis=0, keepdims=True)
    _acc_rows(out_ref, s, ss)


def _ec_stats2_body(nbr_ref, z_ref, w1_ref, sc1_ref, w2_ref, out_ref):
    @pl.when(jnp.logical_and(pl.program_id(0) == 0, pl.program_id(1) == 0))
    def _():
        out_ref[...] = jnp.zeros_like(out_ref)

    hh = _h1pre(nbr_ref, z_ref, w1_ref)
    h1 = _lrelu(hh * sc1_ref[0:1, :] + sc1_ref[1:2, :])
    g = _nt_bf16(h1, w2_ref[...])
    s = jnp.sum(g, axis=0, keepdims=True)
    ss = jnp.sum(g * g, axis=0, keepdims=True)
    _acc_rows(out_ref, s, ss)


def _ec_apply_body(nbr_ref, z_ref, w1_ref, sc1_ref, w2_ref, sc2_ref, out_ref,
                   *, dup_out):
    c2 = w2_ref.shape[0]
    hh = _h1pre(nbr_ref, z_ref, w1_ref)
    h1 = _lrelu(hh * sc1_ref[0:1, :] + sc1_ref[1:2, :])
    g = _nt_bf16(h1, w2_ref[...])
    t = _lrelu(g * sc2_ref[0:1, :] + sc2_ref[1:2, :])
    m = jnp.max(t.reshape(NPB, KNB, c2), axis=1)
    if dup_out:
        m = jnp.concatenate([m, m], axis=1)
    out_ref[0, 0] = m


def _ec_grid_call(body, nbr4, z4, extras, out_shape, out_spec):
    B = z4.shape[0]
    c1 = z4.shape[-1]
    cg = nbr4.shape[-1]
    in_specs = [
        pl.BlockSpec((1, 1, NPB * KNB, cg), lambda b, r: (b, r, 0, 0)),
        pl.BlockSpec((1, 1, NPB, c1), lambda b, r: (b, r, 0, 0)),
    ]
    args = [nbr4, z4]
    for e in extras:
        in_specs.append(
            pl.BlockSpec(e.shape, (lambda nd: lambda b, r: (0,) * nd)(e.ndim)))
        args.append(e)
    return pl.pallas_call(
        body,
        grid=(B, NBLK),
        in_specs=in_specs,
        out_specs=out_spec,
        out_shape=out_shape,
    )(*args)


def _stats_to_scale(st, g, b, cnt):
    mean = st[0] / cnt
    var = st[1] / cnt - mean * mean
    s = g / jnp.sqrt(var + EPS)
    o = b - mean * s
    pad = jnp.zeros((6, s.shape[0]), jnp.float32)
    return jnp.concatenate([s[None, :], o[None, :], pad], axis=0)


def _edge_conv(xr, gidx_flat, w1p, w2, g1, b1, g2, b2, dup_out=False):
    B, N, cv = xr.shape
    c1 = w1p.shape[0]
    c2 = w2.shape[0]
    xp = xr if cv == 128 else jnp.pad(xr, ((0, 0), (0, 0), (0, 128 - cv)))
    nbr = _sc_gather(xp.reshape(B * N, 128), gidx_flat)
    nbr4 = nbr.reshape(B, NBLK, NPB * KNB, 128)
    z4 = xr.reshape(B, NBLK, NPB, cv)
    cnt = B * N * KNB
    st1 = _ec_grid_call(
        _ec_stats1_body, nbr4, z4, [w1p],
        jax.ShapeDtypeStruct((8, c1), jnp.float32),
        pl.BlockSpec((8, c1), lambda b, r: (0, 0)))
    sc1 = _stats_to_scale(st1, g1, b1, cnt)
    st2 = _ec_grid_call(
        _ec_stats2_body, nbr4, z4, [w1p, sc1, w2],
        jax.ShapeDtypeStruct((8, c2), jnp.float32),
        pl.BlockSpec((8, c2), lambda b, r: (0, 0)))
    sc2 = _stats_to_scale(st2, g2, b2, cnt)
    c_out = 2 * c2 if dup_out else c2
    out = _ec_grid_call(
        functools.partial(_ec_apply_body, dup_out=dup_out), nbr4, z4,
        [w1p, sc1, w2, sc2],
        jax.ShapeDtypeStruct((B, NBLK, NPB, c_out), jnp.float32),
        pl.BlockSpec((1, 1, NPB, c_out), lambda b, r: (b, r, 0, 0)))
    return out.reshape(B, N, c_out)



def _lin_stats_body(h_ref, w_ref, out_ref):
    @pl.when(pl.program_id(0) == 0)
    def _():
        out_ref[...] = jnp.zeros_like(out_ref)

    pre = _nt_bf16(h_ref[0], w_ref[...])
    s = jnp.sum(pre, axis=0, keepdims=True)
    ss = jnp.sum(pre * pre, axis=0, keepdims=True)
    _acc_rows(out_ref, s, ss)


def _lin_stats(h, w):
    B, N, cin = h.shape
    cout = w.shape[0]
    return pl.pallas_call(
        _lin_stats_body,
        grid=(B,),
        in_specs=[
            pl.BlockSpec((1, N, cin), lambda b: (b, 0, 0)),
            pl.BlockSpec((cout, cin), lambda b: (0, 0)),
        ],
        out_specs=pl.BlockSpec((8, cout), lambda b: (0, 0)),
        out_shape=jax.ShapeDtypeStruct((8, cout), jnp.float32),
    )(h, w)


def _lin_max_body(h_ref, w_ref, sc_ref, out_ref):
    b = pl.program_id(0)
    pre = _nt_bf16(h_ref[0], w_ref[...])
    act = _lrelu(pre * sc_ref[0:1, :] + sc_ref[1:2, :])
    row = jnp.max(act, axis=0, keepdims=True)
    rio = lax.broadcasted_iota(jnp.int32, out_ref.shape, 0)
    out_ref[...] = jnp.where(rio == b, jnp.broadcast_to(row, out_ref.shape),
                             out_ref[...])


def _lin_max(h, w, sc):
    B, N, cin = h.shape
    cout = w.shape[0]
    return pl.pallas_call(
        _lin_max_body,
        grid=(B,),
        in_specs=[
            pl.BlockSpec((1, N, cin), lambda b: (b, 0, 0)),
            pl.BlockSpec((cout, cin), lambda b: (0, 0)),
            pl.BlockSpec((8, cout), lambda b: (0, 0)),
        ],
        out_specs=pl.BlockSpec((B, cout), lambda b: (0, 0)),
        out_shape=jax.ShapeDtypeStruct((B, cout), jnp.float32),
    )(h, w, sc)



def _head_body(v_ref, w2_ref, gb2_ref, w3_ref, gb3_ref, w4_ref, b4_ref,
               cls_ref, xv_ref):
    def bn_batch(h, gb):
        m = jnp.mean(h, axis=0, keepdims=True)
        var = jnp.mean(h * h, axis=0, keepdims=True) - m * m
        return (h - m) / jnp.sqrt(var + EPS) * gb[0:1, :] + gb[1:2, :]

    h = _lrelu(bn_batch(_nt_bf16(v_ref[...], w2_ref[...]), gb2_ref))
    xv = _lrelu(bn_batch(_nt_bf16(h, w3_ref[...]) + gb3_ref[2:3, :], gb3_ref))
    xv_ref[...] = xv
    cls_ref[...] = _nt_bf16(xv, w4_ref[...]) + b4_ref[0:1, :]


def _head(vector, w2, g2, b2, w3, b3lin, g3, b3, w4, b4):
    B = vector.shape[0]
    gb2 = jnp.concatenate([g2[None], b2[None]], axis=0)
    gb3 = jnp.concatenate([g3[None], b3[None], b3lin[None]], axis=0)
    full = lambda shape: pl.BlockSpec(shape, lambda: tuple(0 for _ in shape))
    return pl.pallas_call(
        _head_body,
        in_specs=[full(vector.shape), full(w2.shape), full(gb2.shape),
                  full(w3.shape), full(gb3.shape), full(w4.shape),
                  full((1, b4.shape[0]))],
        out_specs=[full((B, w4.shape[0])), full((B, w3.shape[0]))],
        out_shape=[jax.ShapeDtypeStruct((B, w4.shape[0]), jnp.float32),
                   jax.ShapeDtypeStruct((B, w3.shape[0]), jnp.float32)],
    )(vector, w2, gb2, w3, gb3, w4, b4[None, :])



def _xv_row(xv_ref, wv_ref, b):
    crows = _nt_bf16(xv_ref[...], wv_ref[...])
    rio = lax.broadcasted_iota(jnp.int32, crows.shape, 0)
    return jnp.sum(jnp.where(rio == b, crows, 0.0), axis=0, keepdims=True)


def _seg_stats_body(h1_ref, h2_ref, xv_ref, wa_ref, wb_ref, wv_ref, out_ref):
    @pl.when(pl.program_id(0) == 0)
    def _():
        out_ref[...] = jnp.zeros_like(out_ref)

    crow = _xv_row(xv_ref, wv_ref, pl.program_id(0))
    pre = _nt_bf16(h1_ref[0], wa_ref[...]) + _nt_bf16(h2_ref[0], wb_ref[...]) + crow
    s = jnp.sum(pre, axis=0, keepdims=True)
    ss = jnp.sum(pre * pre, axis=0, keepdims=True)
    _acc_rows(out_ref, s, ss)


def _seg_apply_body(h1_ref, h2_ref, xv_ref, wa_ref, wb_ref, wv_ref, sc_ref,
                    out_ref):
    crow = _xv_row(xv_ref, wv_ref, pl.program_id(0))
    pre = _nt_bf16(h1_ref[0], wa_ref[...]) + _nt_bf16(h2_ref[0], wb_ref[...]) + crow
    out_ref[0] = _lrelu(pre * sc_ref[0:1, :] + sc_ref[1:2, :])


def _seg_call(body, h1, h2, xv, wa, wb, wv, sc=None):
    B, N, ca = h1.shape
    cout = wa.shape[0]
    in_specs = [
        pl.BlockSpec((1, N, ca), lambda b: (b, 0, 0)),
        pl.BlockSpec((1, N, h2.shape[2]), lambda b: (b, 0, 0)),
        pl.BlockSpec(xv.shape, lambda b: (0, 0)),
        pl.BlockSpec(wa.shape, lambda b: (0, 0)),
        pl.BlockSpec(wb.shape, lambda b: (0, 0)),
        pl.BlockSpec(wv.shape, lambda b: (0, 0)),
    ]
    args = [h1, h2, xv, wa, wb, wv]
    if sc is None:
        out_spec = pl.BlockSpec((8, cout), lambda b: (0, 0))
        out_shape = jax.ShapeDtypeStruct((8, cout), jnp.float32)
    else:
        in_specs.append(pl.BlockSpec((8, cout), lambda b: (0, 0)))
        args.append(sc)
        out_spec = pl.BlockSpec((1, N, cout), lambda b: (b, 0, 0))
        out_shape = jax.ShapeDtypeStruct((B, N, cout), jnp.float32)
    return pl.pallas_call(
        body,
        grid=(B,),
        in_specs=in_specs,
        out_specs=out_spec,
        out_shape=out_shape,
    )(*args)



def kernel(x, params):
    p = params
    B, _, N = x.shape
    xt = jnp.transpose(x, (0, 2, 1))
    xt8 = jnp.pad(xt, ((0, 0), (0, 0), (0, 5)))
    xt64 = jnp.pad(xt, ((0, 0), (0, 0), (0, 61)))

    w1 = p['ec0_w1']
    w1p0 = jnp.pad(jnp.concatenate([
        jnp.pad(w1[:, :3], ((0, 0), (0, 5))),
        jnp.pad(w1[:, 3:], ((0, 0), (0, 5)))], axis=1),
        ((0, 0), (0, 112)))
    gidx0 = _knn_topk(xt64).reshape(-1)
    x0cat = _edge_conv(xt8, gidx0, w1p0, p['ec0_w2'],
                       p['ec0_g1'], p['ec0_b1'], p['ec0_g2'], p['ec0_b2'],
                       dup_out=True)

    pn0_wp = jnp.pad(p['pn0_w'], ((0, 0), (0, 64)))
    st = _lin_stats(x0cat, pn0_wp)
    sc = _stats_to_scale(st, p['pn0_g'], p['pn0_b'], B * N)
    x_t0 = _lin_max(x0cat, pn0_wp, sc)

    gidx1 = _knn_topk(x0cat).reshape(-1)
    x1 = _edge_conv(x0cat, gidx1, p['ec1_w1'], p['ec1_w2'],
                    p['ec1_g1'], p['ec1_b1'], p['ec1_g2'], p['ec1_b2'])

    st = _lin_stats(x1, p['pn1_w'])
    sc = _stats_to_scale(st, p['pn1_g'], p['pn1_b'], B * N)
    x_t1 = _lin_max(x1, p['pn1_w'], sc)

    vector = jnp.concatenate([x_t0, x_t1], axis=1)
    logits_cls, x_vec = _head(vector, p['lin2_w'], p['bn2_g'], p['bn2_b'],
                              p['lin3_w'], p['lin3_b'], p['bn3_g'], p['bn3_b'],
                              p['lin4_w'], p['lin4_b'])

    w5 = p['pn5_w']
    w5v, w5a = w5[:, :256], w5[:, 256:]
    zb5 = jnp.zeros((128, 128), jnp.float32)
    st = _seg_call(_seg_stats_body, x1, x0cat, x_vec, w5a, zb5, w5v)
    sc5 = _stats_to_scale(st, p['pn5_g'], p['pn5_b'], B * N)
    h5 = _seg_call(_seg_apply_body, x1, x0cat, x_vec, w5a, zb5, w5v, sc5)

    w6 = p['pn6_w']
    w6a = w6[:, :128]
    w6bp = jnp.pad(w6[:, 128:], ((0, 0), (0, 64)))
    zv6 = jnp.zeros((128, x_vec.shape[1]), jnp.float32)
    st = _seg_call(_seg_stats_body, h5, x0cat, x_vec, w6a, w6bp, zv6)
    sc6 = _stats_to_scale(st, p['pn6_g'], p['pn6_b'], B * N)
    h6 = _seg_call(_seg_apply_body, h5, x0cat, x_vec, w6a, w6bp, zv6, sc6)

    w7 = jnp.pad(p['conv7_w'], ((0, 6), (0, 0)))
    seg8 = _bmm(h6, w7)
    logits_seg = jnp.transpose(seg8[:, :, :2], (0, 2, 1))

    return logits_cls, logits_seg, x, x

# --- scband reference (transcript-rebuilt; emitter-appended) ---
"""Pipeline reference for scband-dgcnn-scan-61950608277553 (READ-ONLY COPY).

The authoritative reference and input builder live on the scoring server;
editing this copy changes nothing except your own understanding.
"""

import jax, jax.numpy as jnp
import numpy as np

K = 20
EMB = 1024
B, N = 8, 2048

def lrelu(x):
    return jnp.where(x > 0, x, 0.2 * x)

def bn(h, g, b, axes):
    m = jnp.mean(h, axis=axes, keepdims=True)
    v = jnp.var(h, axis=axes, keepdims=True)
    shp = [1] * h.ndim
    shp[1] = -1
    return (h - m) / jnp.sqrt(v + 1e-5) * g.reshape(shp) + b.reshape(shp)

def knn(x, k):
    inner = -2.0 * jnp.einsum('bcn,bcm->bnm', x, x)
    xx = jnp.sum(x * x, axis=1)
    pair = -xx[:, :, None] - inner - xx[:, None, :]
    _, idx = jax.lax.top_k(pair, k)
    return idx

def graph_feature(x, idx):
    xt = jnp.transpose(x, (0, 2, 1))
    nbr = jax.vmap(lambda f, i: f[i])(xt, idx)
    center = jnp.broadcast_to(xt[:, :, None, :], nbr.shape)
    feat = jnp.concatenate([nbr - center, center], axis=-1)
    return jnp.transpose(feat, (0, 3, 1, 2))

def edge_conv(x, k, layers):
    idx = knn(x, k)
    h = graph_feature(x, idx)
    for (W, g, b) in layers:
        h = jnp.einsum('oc,bcnk->bonk', W, h)
        h = lrelu(bn(h, g, b, (0, 2, 3)))
    return jnp.max(h, axis=-1)

def mlp1d(h, W, g, b):
    h = jnp.einsum('oc,bcn->bon', W, h)
    return lrelu(bn(h, g, b, (0, 2)))

def init_params(key):
    ks = jax.random.split(key, 40)
    c = iter(range(40))
    def w(shape):
        return jax.random.normal(ks[next(c)], shape, dtype=jnp.float32) * 0.05
    def gb(ch):
        return jnp.ones((ch,), jnp.float32), jnp.zeros((ch,), jnp.float32)
    p = {}
    p['ec0_w1'] = w((64, 6)); p['ec0_g1'], p['ec0_b1'] = gb(64)
    p['ec0_w2'] = w((64, 64)); p['ec0_g2'], p['ec0_b2'] = gb(64)
    p['pn0_w'] = w((EMB, 64)); p['pn0_g'], p['pn0_b'] = gb(EMB)
    p['ec1_w1'] = w((128, 256)); p['ec1_g1'], p['ec1_b1'] = gb(128)
    p['ec1_w2'] = w((128, 128)); p['ec1_g2'], p['ec1_b2'] = gb(128)
    p['pn1_w'] = w((EMB, 128)); p['pn1_g'], p['pn1_b'] = gb(EMB)
    p['lin2_w'] = w((512, EMB * 2)); p['bn2_g'], p['bn2_b'] = gb(512)
    p['lin3_w'] = w((256, 512)); p['lin3_b'] = jnp.zeros((256,), jnp.float32)
    p['bn3_g'], p['bn3_b'] = gb(256)
    p['lin4_w'] = w((15, 256)); p['lin4_b'] = jnp.zeros((15,), jnp.float32)
    p['pn5_w'] = w((128, 384)); p['pn5_g'], p['pn5_b'] = gb(128)
    p['pn6_w'] = w((128, 192)); p['pn6_g'], p['pn6_b'] = gb(128)
    p['conv7_w'] = w((2, 128))
    return p

def forward(x, p):
    node0 = x
    x0 = edge_conv(x, K, [(p['ec0_w1'], p['ec0_g1'], p['ec0_b1']),
                          (p['ec0_w2'], p['ec0_g2'], p['ec0_b2'])])
    x_t0 = jnp.max(mlp1d(x0, p['pn0_w'], p['pn0_g'], p['pn0_b']), axis=-1)
    node1_feats = jnp.concatenate([x0, x0], axis=1)
    x1 = edge_conv(node1_feats, K, [(p['ec1_w1'], p['ec1_g1'], p['ec1_b1']),
                                    (p['ec1_w2'], p['ec1_g2'], p['ec1_b2'])])
    x_t1 = jnp.max(mlp1d(x1, p['pn1_w'], p['pn1_g'], p['pn1_b']), axis=-1)
    vector = jnp.concatenate([x_t0, x_t1], axis=1)
    h = lrelu(bn(vector @ p['lin2_w'].T, p['bn2_g'], p['bn2_b'], (0,)))
    x_vec = lrelu(bn(h @ p['lin3_w'].T + p['lin3_b'], p['bn3_g'], p['bn3_b'], (0,)))
    logits_cls = x_vec @ p['lin4_w'].T + p['lin4_b']
    n = x1.shape[-1]
    h2 = jnp.broadcast_to(x_vec[:, :, None], (x_vec.shape[0], x_vec.shape[1], n))
    h2 = jnp.concatenate([h2, x1], axis=1)
    h2 = mlp1d(h2, p['pn5_w'], p['pn5_g'], p['pn5_b'])
    h2 = jnp.concatenate([h2, x0], axis=1)
    h2 = mlp1d(h2, p['pn6_w'], p['pn6_g'], p['pn6_b'])
    logits_seg = jnp.einsum('oc,bcn->bon', p['conv7_w'], h2)
    return logits_cls, logits_seg, node0, node0

def setup_inputs(seed: int = 0):
    key = jax.random.key(seed)
    kx, kp = jax.random.split(key)
    x = jax.random.normal(kx, (B, 3, N), dtype=jnp.float32)
    params = init_params(kp)
    return {"x": x, "params": params}

def reference(x, params):
    # returns (logits_cls, logits_seg, node1, node1_static); ret1 is None in torch (pool=None) and omitted
    return forward(x, params)

if __name__ == "__main__":
    import jax
    _d = setup_inputs()
    print(jax.jit(kernel)(*tuple(_d.values())))

</pallas_src>

<mosaic_0001>
#map = affine_map<(d0, d1) -> (0, 0)>
#map1 = affine_map<(d0, d1) -> (0)>
module attributes {stable_mosaic.version = 14 : i64} {
  func.func @k(%arg0: i32, %arg1: i32, %arg2: memref<16384x128xf32, #tpu.memory_space<hbm>>, %arg3: memref<327680xi32, #tpu.memory_space<hbm>>, %arg4: memref<327680x128xf32, #tpu.memory_space<hbm>>, %arg5: memref<256xi32, #tpu.memory_space<vmem>>, %arg6: memref<256xi32, #tpu.memory_space<vmem>>, %arg7: memref<256x128xf32, #tpu.memory_space<vmem>>, %arg8: memref<256x128xf32, #tpu.memory_space<vmem>>, %arg9: memref<!tpu.dma_semaphore, #tpu.memory_space<semaphore_mem>>, %arg10: memref<!tpu.dma_semaphore, #tpu.memory_space<semaphore_mem>>) attributes {dimension_semantics = [#tpu.dimension_semantics<core_parallel>, #tpu.dimension_semantics<subcore_parallel>], iteration_bounds = array<i64: 2, 16>, scalar_prefetch = 0 : i64, scratch_operands = 6 : i64, tpu.core_type = #tpu.core_type<sc_vector_subcore>, window_params = [{transform_indices = #map}, {transform_indices = #map1}, {transform_indices = #map}]} {
    %mul3A = arith.constant 2 : i32
    %mul3A_0 = arith.muli %arg1, %mul3A : i32
    %add3A = arith.addi %mul3A_0, %arg0 : i32
    %mul3A_1 = arith.constant 10240 : i32
    %mul3A_2 = arith.muli %add3A, %mul3A_1 : i32
    %add3A_3 = arith.constant 0 : i32
    %add3A_4 = arith.addi %mul3A_2, %add3A_3 : i32
    "tpu.region"() ({
      %run_scoped3A = tpu.sem_alloc : memref<!tpu.dma_semaphore, #tpu.memory_space<semaphore_mem>>
      %dma_start3A_13 = tpu.memref_slice %arg3[%add3A_4] : memref<327680xi32, #tpu.memory_space<hbm>> -> memref<256xi32, #tpu.memory_space<hbm>>
      %dma_start3A_14 = tpu.memref_slice %arg3[%add3A_4] : memref<327680xi32, #tpu.memory_space<hbm>> -> memref<256xi32, #tpu.memory_space<hbm>>
      tpu.enqueue_dma source(%dma_start3A_14 : memref<256xi32, #tpu.memory_space<hbm>>) target(%arg5 : memref<256xi32, #tpu.memory_space<vmem>>) target_semaphore(%run_scoped3A : memref<!tpu.dma_semaphore, #tpu.memory_space<semaphore_mem>>)
      %dma_wait3A = tpu.memref_slice %arg3[%add3A_4] : memref<327680xi32, #tpu.memory_space<hbm>> -> memref<256xi32, #tpu.memory_space<hbm>>
      %dma_wait3A_15 = tpu.memref_slice %arg3[%add3A_4] : memref<327680xi32, #tpu.memory_space<hbm>> -> memref<256xi32, #tpu.memory_space<hbm>>
      tpu.wait_dma2 semaphore(%run_scoped3A : memref<!tpu.dma_semaphore, #tpu.memory_space<semaphore_mem>>) src(%dma_wait3A_15 : memref<256xi32, #tpu.memory_space<hbm>>) dst(%arg5 : memref<256xi32, #tpu.memory_space<vmem>>)
      tpu.yield
    }) : () -> ()
    %dma_start3A = arith.constant 0 : i32
    %dma_start3A_5 = arith.constant 0 : i32
    %dma_start3A_6 = tpu.memref_slice %arg2[%dma_start3A, %dma_start3A_5] : memref<16384x128xf32, #tpu.memory_space<hbm>> -> memref<16384x128xf32, #tpu.memory_space<hbm>>
    tpu.enqueue_indirect_dma source(%dma_start3A_6 : memref<16384x128xf32, #tpu.memory_space<hbm>>) target(%arg7 : memref<256x128xf32, #tpu.memory_space<vmem>>) offsets(%arg5 : memref<256xi32, #tpu.memory_space<vmem>>) semaphore(%arg9 : memref<!tpu.dma_semaphore, #tpu.memory_space<semaphore_mem>>)
    %scan3A = arith.constant 0 : i32
    %scan3A_7 = arith.constant 0 : i32
    %scan3A_8 = arith.constant 20 : i32
    %scan3A_9 = arith.addi %scan3A_7, %scan3A_8 : i32
    %scan3A_10 = arith.constant 1 : i32
    %scan3A_11 = scf.for %scan3A_13 = %scan3A_7 to %scan3A_9 step %scan3A_10 iter_args(%scan3A_14 = %scan3A) -> (i32)  : i32 {
      %mul3A_15 = arith.constant 2 : i32
      %mul3A_16 = arith.muli %scan3A_13, %mul3A_15 : i32
      %add3A_17 = arith.constant 1 : i32
      %add3A_18 = arith.addi %mul3A_16, %add3A_17 : i32
      %mul3A_19 = arith.constant 256 : i32
      %mul3A_20 = arith.muli %add3A_18, %mul3A_19 : i32
      %add3A_21 = arith.addi %mul3A_2, %mul3A_20 : i32
      "tpu.region"() ({
        %run_scoped3A = tpu.sem_alloc : memref<!tpu.dma_semaphore, #tpu.memory_space<semaphore_mem>>
        %dma_start3A_43 = tpu.memref_slice %arg3[%add3A_21] : memref<327680xi32, #tpu.memory_space<hbm>> -> memref<256xi32, #tpu.memory_space<hbm>>
        %dma_start3A_44 = tpu.memref_slice %arg3[%add3A_21] : memref<327680xi32, #tpu.memory_space<hbm>> -> memref<256xi32, #tpu.memory_space<hbm>>
        tpu.enqueue_dma source(%dma_start3A_44 : memref<256xi32, #tpu.memory_space<hbm>>) target(%arg6 : memref<256xi32, #tpu.memory_space<vmem>>) target_semaphore(%run_scoped3A : memref<!tpu.dma_semaphore, #tpu.memory_space<semaphore_mem>>)
        %dma_wait3A_45 = tpu.memref_slice %arg3[%add3A_21] : memref<327680xi32, #tpu.memory_space<hbm>> -> memref<256xi32, #tpu.memory_space<hbm>>
        %dma_wait3A_46 = tpu.memref_slice %arg3[%add3A_21] : memref<327680xi32, #tpu.memory_space<hbm>> -> memref<256xi32, #tpu.memory_space<hbm>>
        tpu.wait_dma2 semaphore(%run_scoped3A : memref<!tpu.dma_semaphore, #tpu.memory_space<semaphore_mem>>) src(%dma_wait3A_46 : memref<256xi32, #tpu.memory_space<hbm>>) dst(%arg6 : memref<256xi32, #tpu.memory_space<vmem>>)
        tpu.yield
      }) : () -> ()
      %dma_start3A_22 = arith.constant 0 : i32
      %dma_start3A_23 = arith.constant 0 : i32
      %dma_start3A_24 = tpu.memref_slice %arg2[%dma_start3A_22, %dma_start3A_23] : memref<16384x128xf32, #tpu.memory_space<hbm>> -> memref<16384x128xf32, #tpu.memory_space<hbm>>
      tpu.enqueue_indirect_dma source(%dma_start3A_24 : memref<16384x128xf32, #tpu.memory_space<hbm>>) target(%arg8 : memref<256x128xf32, #tpu.memory_space<vmem>>) offsets(%arg6 : memref<256xi32, #tpu.memory_space<vmem>>) semaphore(%arg10 : memref<!tpu.dma_semaphore, #tpu.memory_space<semaphore_mem>>)
      %dma_wait3A = arith.constant 0 : i32
      %dma_wait3A_25 = arith.constant 0 : i32
      %dma_wait3A_26 = tpu.memref_slice %arg2[%dma_wait3A, %dma_wait3A_25] : memref<16384x128xf32, #tpu.memory_space<hbm>> -> memref<16384x128xf32, #tpu.memory_space<hbm>>
      tpu.wait_indirect_dma semaphore(%arg9 : memref<!tpu.dma_semaphore, #tpu.memory_space<semaphore_mem>>) src(%dma_wait3A_26 : memref<16384x128xf32, #tpu.memory_space<hbm>>) dst(%arg7 : memref<256x128xf32, #tpu.memory_space<vmem>>)
      %mul3A_27 = arith.constant 256 : i32
      %mul3A_28 = arith.muli %mul3A_16, %mul3A_27 : i32
      %add3A_29 = arith.addi %mul3A_2, %mul3A_28 : i32
      "tpu.region"() ({
        %run_scoped3A = tpu.sem_alloc : memref<!tpu.dma_semaphore, #tpu.memory_space<semaphore_mem>>
        %dma_start3A_43 = arith.constant 0 : i32
        %dma_start3A_44 = tpu.memref_slice %arg4[%add3A_29, %dma_start3A_43] : memref<327680x128xf32, #tpu.memory_space<hbm>> -> memref<256x128xf32, #tpu.memory_space<hbm>>
        %dma_start3A_45 = arith.constant 0 : i32
        %dma_start3A_46 = tpu.memref_slice %arg4[%add3A_29, %dma_start3A_45] : memref<327680x128xf32, #tpu.memory_space<hbm>> -> memref<256x128xf32, #tpu.memory_space<hbm>>
        tpu.enqueue_dma source(%arg7 : memref<256x128xf32, #tpu.memory_space<vmem>>) target(%dma_start3A_46 : memref<256x128xf32, #tpu.memory_space<hbm>>) target_semaphore(%run_scoped3A : memref<!tpu.dma_semaphore, #tpu.memory_space<semaphore_mem>>)
        %dma_wait3A_47 = arith.constant 0 : i32
        %dma_wait3A_48 = tpu.memref_slice %arg4[%add3A_29, %dma_wait3A_47] : memref<327680x128xf32, #tpu.memory_space<hbm>> -> memref<256x128xf32, #tpu.memory_space<hbm>>
        %dma_wait3A_49 = arith.constant 0 : i32
        %dma_wait3A_50 = tpu.memref_slice %arg4[%add3A_29, %dma_wait3A_49] : memref<327680x128xf32, #tpu.memory_space<hbm>> -> memref<256x128xf32, #tpu.memory_space<hbm>>
        tpu.wait_dma2 semaphore(%run_scoped3A : memref<!tpu.dma_semaphore, #tpu.memory_space<semaphore_mem>>) src(%arg7 : memref<256x128xf32, #tpu.memory_space<vmem>>) dst(%dma_wait3A_50 : memref<256x128xf32, #tpu.memory_space<hbm>>)
        tpu.yield
      }) : () -> ()
      %add3A_30 = arith.constant 1 : i32
      %add3A_31 = arith.addi %scan3A_13, %add3A_30 : i32
      %lt3A = arith.constant 20 : i32
      %lt3A_32 = arith.cmpi slt, %add3A_31, %lt3A : i32
      %convert_element_type3A = arith.extui %lt3A_32 : i1 to i32
      %cond3A = arith.constant 0 : i32
      %cond3A_33 = arith.cmpi ne, %convert_element_type3A, %cond3A : i32
      scf.if %cond3A_33 {
        %add3A_43 = arith.constant 2 : i32
        %add3A_44 = arith.addi %mul3A_16, %add3A_43 : i32
        %mul3A_45 = arith.constant 256 : i32
        %mul3A_46 = arith.muli %add3A_44, %mul3A_45 : i32
        %add3A_47 = arith.addi %mul3A_2, %mul3A_46 : i32
        "tpu.region"() ({
          %run_scoped3A = tpu.sem_alloc : memref<!tpu.dma_semaphore, #tpu.memory_space<semaphore_mem>>
          %dma_start3A_51 = tpu.memref_slice %arg3[%add3A_47] : memref<327680xi32, #tpu.memory_space<hbm>> -> memref<256xi32, #tpu.memory_space<hbm>>
          %dma_start3A_52 = tpu.memref_slice %arg3[%add3A_47] : memref<327680xi32, #tpu.memory_space<hbm>> -> memref<256xi32, #tpu.memory_space<hbm>>
          tpu.enqueue_dma source(%dma_start3A_52 : memref<256xi32, #tpu.memory_space<hbm>>) target(%arg5 : memref<256xi32, #tpu.memory_space<vmem>>) target_semaphore(%run_scoped3A : memref<!tpu.dma_semaphore, #tpu.memory_space<semaphore_mem>>)
          %dma_wait3A_53 = tpu.memref_slice %arg3[%add3A_47] : memref<327680xi32, #tpu.memory_space<hbm>> -> memref<256xi32, #tpu.memory_space<hbm>>
          %dma_wait3A_54 = tpu.memref_slice %arg3[%add3A_47] : memref<327680xi32, #tpu.memory_space<hbm>> -> memref<256xi32, #tpu.memory_space<hbm>>
          tpu.wait_dma2 semaphore(%run_scoped3A : memref<!tpu.dma_semaphore, #tpu.memory_space<semaphore_mem>>) src(%dma_wait3A_54 : memref<256xi32, #tpu.memory_space<hbm>>) dst(%arg5 : memref<256xi32, #tpu.memory_space<vmem>>)
          tpu.yield
        }) : () -> ()
        %dma_start3A_48 = arith.constant 0 : i32
        %dma_start3A_49 = arith.constant 0 : i32
        %dma_start3A_50 = tpu.memref_slice %arg2[%dma_start3A_48, %dma_start3A_49] : memref<16384x128xf32, #tpu.memory_space<hbm>> -> memref<16384x128xf32, #tpu.memory_space<hbm>>
        tpu.enqueue_indirect_dma source(%dma_start3A_50 : memref<16384x128xf32, #tpu.memory_space<hbm>>) target(%arg7 : memref<256x128xf32, #tpu.memory_space<vmem>>) offsets(%arg5 : memref<256xi32, #tpu.memory_space<vmem>>) semaphore(%arg9 : memref<!tpu.dma_semaphore, #tpu.memory_space<semaphore_mem>>)
      } else {
      }
      %add3A_34 = arith.constant 1 : i32
      %add3A_35 = arith.addi %mul3A_16, %add3A_34 : i32
      %dma_wait3A_36 = arith.constant 0 : i32
      %dma_wait3A_37 = arith.constant 0 : i32
      %dma_wait3A_38 = tpu.memref_slice %arg2[%dma_wait3A_36, %dma_wait3A_37] : memref<16384x128xf32, #tpu.memory_space<hbm>> -> memref<16384x128xf32, #tpu.memory_space<hbm>>
      tpu.wait_indirect_dma semaphore(%arg10 : memref<!tpu.dma_semaphore, #tpu.memory_space<semaphore_mem>>) src(%dma_wait3A_38 : memref<16384x128xf32, #tpu.memory_space<hbm>>) dst(%arg8 : memref<256x128xf32, #tpu.memory_space<vmem>>)
      %mul3A_39 = arith.constant 256 : i32
      %mul3A_40 = arith.muli %add3A_35, %mul3A_39 : i32
      %add3A_41 = arith.addi %mul3A_2, %mul3A_40 : i32
      "tpu.region"() ({
        %run_scoped3A = tpu.sem_alloc : memref<!tpu.dma_semaphore, #tpu.memory_space<semaphore_mem>>
        %dma_start3A_43 = arith.constant 0 : i32
        %dma_start3A_44 = tpu.memref_slice %arg4[%add3A_41, %dma_start3A_43] : memref<327680x128xf32, #tpu.memory_space<hbm>> -> memref<256x128xf32, #tpu.memory_space<hbm>>
        %dma_start3A_45 = arith.constant 0 : i32
        %dma_start3A_46 = tpu.memref_slice %arg4[%add3A_41, %dma_start3A_45] : memref<327680x128xf32, #tpu.memory_space<hbm>> -> memref<256x128xf32, #tpu.memory_space<hbm>>
        tpu.enqueue_dma source(%arg8 : memref<256x128xf32, #tpu.memory_space<vmem>>) target(%dma_start3A_46 : memref<256x128xf32, #tpu.memory_space<hbm>>) target_semaphore(%run_scoped3A : memref<!tpu.dma_semaphore, #tpu.memory_space<semaphore_mem>>)
        %dma_wait3A_47 = arith.constant 0 : i32
        %dma_wait3A_48 = tpu.memref_slice %arg4[%add3A_41, %dma_wait3A_47] : memref<327680x128xf32, #tpu.memory_space<hbm>> -> memref<256x128xf32, #tpu.memory_space<hbm>>
        %dma_wait3A_49 = arith.constant 0 : i32
        %dma_wait3A_50 = tpu.memref_slice %arg4[%add3A_41, %dma_wait3A_49] : memref<327680x128xf32, #tpu.memory_space<hbm>> -> memref<256x128xf32, #tpu.memory_space<hbm>>
        tpu.wait_dma2 semaphore(%run_scoped3A : memref<!tpu.dma_semaphore, #tpu.memory_space<semaphore_mem>>) src(%arg8 : memref<256x128xf32, #tpu.memory_space<vmem>>) dst(%dma_wait3A_50 : memref<256x128xf32, #tpu.memory_space<hbm>>)
        tpu.yield
      }) : () -> ()
      %scan3A_42 = arith.constant 0 : i32
      scf.yield %scan3A_42 : i32
    }
    %scan3A_12 = arith.constant 20 : i32
    return
  }
}

#map = affine_map<(d0, d1) -> (0, 0)>
#map1 = affine_map<(d0, d1) -> (0)>
module attributes {stable_mosaic.version = 14 : i64} {
  func.func @k(%arg0: i32, %arg1: i32, %arg2: memref<16384x128xf32, #tpu.memory_space<hbm>>, %arg3: memref<327680xi32, #tpu.memory_space<hbm>>, %arg4: memref<327680x128xf32, #tpu.memory_space<hbm>>, %arg5: memref<256xi32, #tpu.memory_space<vmem>>, %arg6: memref<256xi32, #tpu.memory_space<vmem>>, %arg7: memref<256x128xf32, #tpu.memory_space<vmem>>, %arg8: memref<256x128xf32, #tpu.memory_space<vmem>>, %arg9: memref<!tpu.dma_semaphore, #tpu.memory_space<semaphore_mem>>, %arg10: memref<!tpu.dma_semaphore, #tpu.memory_space<semaphore_mem>>) attributes {dimension_semantics = [#tpu.dimension_semantics<core_parallel>, #tpu.dimension_semantics<subcore_parallel>], iteration_bounds = array<i64: 2, 16>, scalar_prefetch = 0 : i64, scratch_operands = 6 : i64, tpu.core_type = #tpu.core_type<sc_vector_subcore>, window_params = [{transform_indices = #map}, {transform_indices = #map1}, {transform_indices = #map}]} {
    %mul3A = arith.constant 2 : i32
    %mul3A_0 = arith.muli %arg1, %mul3A : i32
    %add3A = arith.addi %mul3A_0, %arg0 : i32
    %mul3A_1 = arith.constant 10240 : i32
    %mul3A_2 = arith.muli %add3A, %mul3A_1 : i32
    %add3A_3 = arith.constant 0 : i32
    %add3A_4 = arith.addi %mul3A_2, %add3A_3 : i32
    "tpu.region"() ({
      %run_scoped3A = tpu.sem_alloc : memref<!tpu.dma_semaphore, #tpu.memory_space<semaphore_mem>>
      %dma_start3A_13 = tpu.memref_slice %arg3[%add3A_4] : memref<327680xi32, #tpu.memory_space<hbm>> -> memref<256xi32, #tpu.memory_space<hbm>>
      %dma_start3A_14 = tpu.memref_slice %arg3[%add3A_4] : memref<327680xi32, #tpu.memory_space<hbm>> -> memref<256xi32, #tpu.memory_space<hbm>>
      tpu.enqueue_dma source(%dma_start3A_14 : memref<256xi32, #tpu.memory_space<hbm>>) target(%arg5 : memref<256xi32, #tpu.memory_space<vmem>>) target_semaphore(%run_scoped3A : memref<!tpu.dma_semaphore, #tpu.memory_space<semaphore_mem>>)
      %dma_wait3A = tpu.memref_slice %arg3[%add3A_4] : memref<327680xi32, #tpu.memory_space<hbm>> -> memref<256xi32, #tpu.memory_space<hbm>>
      %dma_wait3A_15 = tpu.memref_slice %arg3[%add3A_4] : memref<327680xi32, #tpu.memory_space<hbm>> -> memref<256xi32, #tpu.memory_space<hbm>>
      tpu.wait_dma2 semaphore(%run_scoped3A : memref<!tpu.dma_semaphore, #tpu.memory_space<semaphore_mem>>) src(%dma_wait3A_15 : memref<256xi32, #tpu.memory_space<hbm>>) dst(%arg5 : memref<256xi32, #tpu.memory_space<vmem>>)
      tpu.yield
    }) : () -> ()
    %dma_start3A = arith.constant 0 : i32
    %dma_start3A_5 = arith.constant 0 : i32
    %dma_start3A_6 = tpu.memref_slice %arg2[%dma_start3A, %dma_start3A_5] : memref<16384x128xf32, #tpu.memory_space<hbm>> -> memref<16384x128xf32, #tpu.memory_space<hbm>>
    tpu.enqueue_indirect_dma source(%dma_start3A_6 : memref<16384x128xf32, #tpu.memory_space<hbm>>) target(%arg7 : memref<256x128xf32, #tpu.memory_space<vmem>>) offsets(%arg5 : memref<256xi32, #tpu.memory_space<vmem>>) semaphore(%arg9 : memref<!tpu.dma_semaphore, #tpu.memory_space<semaphore_mem>>)
    %scan3A = arith.constant 0 : i32
    %scan3A_7 = arith.constant 0 : i32
    %scan3A_8 = arith.constant 20 : i32
    %scan3A_9 = arith.addi %scan3A_7, %scan3A_8 : i32
    %scan3A_10 = arith.constant 1 : i32
    %scan3A_11 = scf.for %scan3A_13 = %scan3A_7 to %scan3A_9 step %scan3A_10 iter_args(%scan3A_14 = %scan3A) -> (i32)  : i32 {
      %mul3A_15 = arith.constant 2 : i32
      %mul3A_16 = arith.muli %scan3A_13, %mul3A_15 : i32
      %add3A_17 = arith.constant 1 : i32
      %add3A_18 = arith.addi %mul3A_16, %add3A_17 : i32
      %mul3A_19 = arith.constant 256 : i32
      %mul3A_20 = arith.muli %add3A_18, %mul3A_19 : i32
      %add3A_21 = arith.addi %mul3A_2, %mul3A_20 : i32
      "tpu.region"() ({
        %run_scoped3A = tpu.sem_alloc : memref<!tpu.dma_semaphore, #tpu.memory_space<semaphore_mem>>
        %dma_start3A_43 = tpu.memref_slice %arg3[%add3A_21] : memref<327680xi32, #tpu.memory_space<hbm>> -> memref<256xi32, #tpu.memory_space<hbm>>
        %dma_start3A_44 = tpu.memref_slice %arg3[%add3A_21] : memref<327680xi32, #tpu.memory_space<hbm>> -> memref<256xi32, #tpu.memory_space<hbm>>
        tpu.enqueue_dma source(%dma_start3A_44 : memref<256xi32, #tpu.memory_space<hbm>>) target(%arg6 : memref<256xi32, #tpu.memory_space<vmem>>) target_semaphore(%run_scoped3A : memref<!tpu.dma_semaphore, #tpu.memory_space<semaphore_mem>>)
        %dma_wait3A_45 = tpu.memref_slice %arg3[%add3A_21] : memref<327680xi32, #tpu.memory_space<hbm>> -> memref<256xi32, #tpu.memory_space<hbm>>
        %dma_wait3A_46 = tpu.memref_slice %arg3[%add3A_21] : memref<327680xi32, #tpu.memory_space<hbm>> -> memref<256xi32, #tpu.memory_space<hbm>>
        tpu.wait_dma2 semaphore(%run_scoped3A : memref<!tpu.dma_semaphore, #tpu.memory_space<semaphore_mem>>) src(%dma_wait3A_46 : memref<256xi32, #tpu.memory_space<hbm>>) dst(%arg6 : memref<256xi32, #tpu.memory_space<vmem>>)
        tpu.yield
      }) : () -> ()
      %dma_start3A_22 = arith.constant 0 : i32
      %dma_start3A_23 = arith.constant 0 : i32
      %dma_start3A_24 = tpu.memref_slice %arg2[%dma_start3A_22, %dma_start3A_23] : memref<16384x128xf32, #tpu.memory_space<hbm>> -> memref<16384x128xf32, #tpu.memory_space<hbm>>
      tpu.enqueue_indirect_dma source(%dma_start3A_24 : memref<16384x128xf32, #tpu.memory_space<hbm>>) target(%arg8 : memref<256x128xf32, #tpu.memory_space<vmem>>) offsets(%arg6 : memref<256xi32, #tpu.memory_space<vmem>>) semaphore(%arg10 : memref<!tpu.dma_semaphore, #tpu.memory_space<semaphore_mem>>)
      %dma_wait3A = arith.constant 0 : i32
      %dma_wait3A_25 = arith.constant 0 : i32
      %dma_wait3A_26 = tpu.memref_slice %arg2[%dma_wait3A, %dma_wait3A_25] : memref<16384x128xf32, #tpu.memory_space<hbm>> -> memref<16384x128xf32, #tpu.memory_space<hbm>>
      tpu.wait_indirect_dma semaphore(%arg9 : memref<!tpu.dma_semaphore, #tpu.memory_space<semaphore_mem>>) src(%dma_wait3A_26 : memref<16384x128xf32, #tpu.memory_space<hbm>>) dst(%arg7 : memref<256x128xf32, #tpu.memory_space<vmem>>)
      %mul3A_27 = arith.constant 256 : i32
      %mul3A_28 = arith.muli %mul3A_16, %mul3A_27 : i32
      %add3A_29 = arith.addi %mul3A_2, %mul3A_28 : i32
      "tpu.region"() ({
        %run_scoped3A = tpu.sem_alloc : memref<!tpu.dma_semaphore, #tpu.memory_space<semaphore_mem>>
        %dma_start3A_43 = arith.constant 0 : i32
        %dma_start3A_44 = tpu.memref_slice %arg4[%add3A_29, %dma_start3A_43] : memref<327680x128xf32, #tpu.memory_space<hbm>> -> memref<256x128xf32, #tpu.memory_space<hbm>>
        %dma_start3A_45 = arith.constant 0 : i32
        %dma_start3A_46 = tpu.memref_slice %arg4[%add3A_29, %dma_start3A_45] : memref<327680x128xf32, #tpu.memory_space<hbm>> -> memref<256x128xf32, #tpu.memory_space<hbm>>
        tpu.enqueue_dma source(%arg7 : memref<256x128xf32, #tpu.memory_space<vmem>>) target(%dma_start3A_46 : memref<256x128xf32, #tpu.memory_space<hbm>>) target_semaphore(%run_scoped3A : memref<!tpu.dma_semaphore, #tpu.memory_space<semaphore_mem>>)
        %dma_wait3A_47 = arith.constant 0 : i32
        %dma_wait3A_48 = tpu.memref_slice %arg4[%add3A_29, %dma_wait3A_47] : memref<327680x128xf32, #tpu.memory_space<hbm>> -> memref<256x128xf32, #tpu.memory_space<hbm>>
        %dma_wait3A_49 = arith.constant 0 : i32
        %dma_wait3A_50 = tpu.memref_slice %arg4[%add3A_29, %dma_wait3A_49] : memref<327680x128xf32, #tpu.memory_space<hbm>> -> memref<256x128xf32, #tpu.memory_space<hbm>>
        tpu.wait_dma2 semaphore(%run_scoped3A : memref<!tpu.dma_semaphore, #tpu.memory_space<semaphore_mem>>) src(%arg7 : memref<256x128xf32, #tpu.memory_space<vmem>>) dst(%dma_wait3A_50 : memref<256x128xf32, #tpu.memory_space<hbm>>)
        tpu.yield
      }) : () -> ()
      %add3A_30 = arith.constant 1 : i32
      %add3A_31 = arith.addi %scan3A_13, %add3A_30 : i32
      %lt3A = arith.constant 20 : i32
      %lt3A_32 = arith.cmpi slt, %add3A_31, %lt3A : i32
      %convert_element_type3A = arith.extui %lt3A_32 : i1 to i32
      %cond3A = arith.constant 0 : i32
      %cond3A_33 = arith.cmpi ne, %convert_element_type3A, %cond3A : i32
      scf.if %cond3A_33 {
        %add3A_43 = arith.constant 2 : i32
        %add3A_44 = arith.addi %mul3A_16, %add3A_43 : i32
        %mul3A_45 = arith.constant 256 : i32
        %mul3A_46 = arith.muli %add3A_44, %mul3A_45 : i32
        %add3A_47 = arith.addi %mul3A_2, %mul3A_46 : i32
        "tpu.region"() ({
          %run_scoped3A = tpu.sem_alloc : memref<!tpu.dma_semaphore, #tpu.memory_space<semaphore_mem>>
          %dma_start3A_51 = tpu.memref_slice %arg3[%add3A_47] : memref<327680xi32, #tpu.memory_space<hbm>> -> memref<256xi32, #tpu.memory_space<hbm>>
          %dma_start3A_52 = tpu.memref_slice %arg3[%add3A_47] : memref<327680xi32, #tpu.memory_space<hbm>> -> memref<256xi32, #tpu.memory_space<hbm>>
          tpu.enqueue_dma source(%dma_start3A_52 : memref<256xi32, #tpu.memory_space<hbm>>) target(%arg5 : memref<256xi32, #tpu.memory_space<vmem>>) target_semaphore(%run_scoped3A : memref<!tpu.dma_semaphore, #tpu.memory_space<semaphore_mem>>)
          %dma_wait3A_53 = tpu.memref_slice %arg3[%add3A_47] : memref<327680xi32, #tpu.memory_space<hbm>> -> memref<256xi32, #tpu.memory_space<hbm>>
          %dma_wait3A_54 = tpu.memref_slice %arg3[%add3A_47] : memref<327680xi32, #tpu.memory_space<hbm>> -> memref<256xi32, #tpu.memory_space<hbm>>
          tpu.wait_dma2 semaphore(%run_scoped3A : memref<!tpu.dma_semaphore, #tpu.memory_space<semaphore_mem>>) src(%dma_wait3A_54 : memref<256xi32, #tpu.memory_space<hbm>>) dst(%arg5 : memref<256xi32, #tpu.memory_space<vmem>>)
          tpu.yield
        }) : () -> ()
        %dma_start3A_48 = arith.constant 0 : i32
        %dma_start3A_49 = arith.constant 0 : i32
        %dma_start3A_50 = tpu.memref_slice %arg2[%dma_start3A_48, %dma_start3A_49] : memref<16384x128xf32, #tpu.memory_space<hbm>> -> memref<16384x128xf32, #tpu.memory_space<hbm>>
        tpu.enqueue_indirect_dma source(%dma_start3A_50 : memref<16384x128xf32, #tpu.memory_space<hbm>>) target(%arg7 : memref<256x128xf32, #tpu.memory_space<vmem>>) offsets(%arg5 : memref<256xi32, #tpu.memory_space<vmem>>) semaphore(%arg9 : memref<!tpu.dma_semaphore, #tpu.memory_space<semaphore_mem>>)
      } else {
      }
      %add3A_34 = arith.constant 1 : i32
      %add3A_35 = arith.addi %mul3A_16, %add3A_34 : i32
      %dma_wait3A_36 = arith.constant 0 : i32
      %dma_wait3A_37 = arith.constant 0 : i32
      %dma_wait3A_38 = tpu.memref_slice %arg2[%dma_wait3A_36, %dma_wait3A_37] : memref<16384x128xf32, #tpu.memory_space<hbm>> -> memref<16384x128xf32, #tpu.memory_space<hbm>>
      tpu.wait_indirect_dma semaphore(%arg10 : memref<!tpu.dma_semaphore, #tpu.memory_space<semaphore_mem>>) src(%dma_wait3A_38 : memref<16384x128xf32, #tpu.memory_space<hbm>>) dst(%arg8 : memref<256x128xf32, #tpu.memory_space<vmem>>)
      %mul3A_39 = arith.constant 256 : i32
      %mul3A_40 = arith.muli %add3A_35, %mul3A_39 : i32
      %add3A_41 = arith.addi %mul3A_2, %mul3A_40 : i32
      "tpu.region"() ({
        %run_scoped3A = tpu.sem_alloc : memref<!tpu.dma_semaphore, #tpu.memory_space<semaphore_mem>>
        %dma_start3A_43 = arith.constant 0 : i32
        %dma_start3A_44 = tpu.memref_slice %arg4[%add3A_41, %dma_start3A_43] : memref<327680x128xf32, #tpu.memory_space<hbm>> -> memref<256x128xf32, #tpu.memory_space<hbm>>
        %dma_start3A_45 = arith.constant 0 : i32
        %dma_start3A_46 = tpu.memref_slice %arg4[%add3A_41, %dma_start3A_45] : memref<327680x128xf32, #tpu.memory_space<hbm>> -> memref<256x128xf32, #tpu.memory_space<hbm>>
        tpu.enqueue_dma source(%arg8 : memref<256x128xf32, #tpu.memory_space<vmem>>) target(%dma_start3A_46 : memref<256x128xf32, #tpu.memory_space<hbm>>) target_semaphore(%run_scoped3A : memref<!tpu.dma_semaphore, #tpu.memory_space<semaphore_mem>>)
        %dma_wait3A_47 = arith.constant 0 : i32
        %dma_wait3A_48 = tpu.memref_slice %arg4[%add3A_41, %dma_wait3A_47] : memref<327680x128xf32, #tpu.memory_space<hbm>> -> memref<256x128xf32, #tpu.memory_space<hbm>>
        %dma_wait3A_49 = arith.constant 0 : i32
        %dma_wait3A_50 = tpu.memref_slice %arg4[%add3A_41, %dma_wait3A_49] : memref<327680x128xf32, #tpu.memory_space<hbm>> -> memref<256x128xf32, #tpu.memory_space<hbm>>
        tpu.wait_dma2 semaphore(%run_scoped3A : memref<!tpu.dma_semaphore, #tpu.memory_space<semaphore_mem>>) src(%arg8 : memref<256x128xf32, #tpu.memory_space<vmem>>) dst(%dma_wait3A_50 : memref<256x128xf32, #tpu.memory_space<hbm>>)
        tpu.yield
      }) : () -> ()
      %scan3A_42 = arith.constant 0 : i32
      scf.yield %scan3A_42 : i32
    }
    %scan3A_12 = arith.constant 20 : i32
    return
  }
}

module attributes {stable_mosaic.version = 14 : i64} {
  func.func @_knn_body(%arg0: i32, %arg1: i32, %arg2: memref<1x1024x64xf32, #tpu.memory_space<vmem>>, %arg3: memref<1x2048x64xf32, #tpu.memory_space<vmem>>, %arg4: memref<1x1024x20xi32, #tpu.memory_space<vmem>>, %arg5: memref<1024x2048xf32, #tpu.memory_space<vmem>>) attributes {dimension_semantics = [#tpu.dimension_semantics<arbitrary>, #tpu.dimension_semantics<arbitrary>], iteration_bounds = array<i64: 8, 2>, scalar_prefetch = 0 : i64, scratch_operands = 1 : i64, tpu.core_type = #tpu.core_type<tc>, window_params = [{transform_indices = @transform_0, window_bounds = array<i64: 1, 1024, 64>}, {transform_indices = @transform_1, window_bounds = array<i64: 1, 2048, 64>}, {transform_indices = @transform_2, window_bounds = array<i64: 1, 1024, 20>}]} {
    %get3A = arith.constant 0 : index
    %get3A_0 = arith.constant 0 : index
    %get3A_1 = arith.constant 0 : index
    %get3A_2 = vector.load %arg2[%get3A, %get3A_0, %get3A_1] : memref<1x1024x64xf32, #tpu.memory_space<vmem>>, vector<1x1024x64xf32>
    %get3A_3 = vector.shape_cast %get3A_2 : vector<1x1024x64xf32> to vector<1024x64xf32>
    %get3A_4 = arith.constant 0 : index
    %get3A_5 = arith.constant 0 : index
    %get3A_6 = arith.constant 0 : index
    %get3A_7 = vector.load %arg3[%get3A_4, %get3A_5, %get3A_6] : memref<1x2048x64xf32, #tpu.memory_space<vmem>>, vector<1x2048x64xf32>
    %get3A_8 = vector.shape_cast %get3A_7 : vector<1x2048x64xf32> to vector<2048x64xf32>
    %broadcast_in_dim3A = arith.constant 1.000000e+00 : f32
    %broadcast_in_dim3A_9 = vector.broadcast %broadcast_in_dim3A : f32 to vector<1x64xf32>
    %mul3A = arith.mulf %get3A_8, %get3A_8 : vector<2048x64xf32>
    %dot_general3A = arith.constant dense<0.000000e+00> : vector<1x2048xf32>
    %dot_general3A_10 = tpu.matmul %broadcast_in_dim3A_9, %mul3A, %dot_general3A {dimension_numbers = #tpu.dot_dimension_numbers<[1], [1], [0], [0], [0, 0, 1, 0], [], []>, precision = #tpu.contract_precision<fp32>, transpose_lhs_hint = false} : vector<1x64xf32>, vector<2048x64xf32>, vector<1x2048xf32> -> vector<1x2048xf32>
    %mul3A_11 = arith.mulf %get3A_3, %get3A_3 : vector<1024x64xf32>
    %reduce_sum3A = arith.constant dense<0.000000e+00> : vector<1024xf32>
    %reduce_sum3A_12 = vector.multi_reduction <add>, %mul3A_11, %reduce_sum3A [1] : vector<1024x64xf32> to vector<1024xf32>
    %broadcast_in_dim3A_13 = vector.shape_cast %reduce_sum3A_12 : vector<1024xf32> to vector<1024x1xf32>
    %convert_element_type3A = arith.truncf %get3A_3 : vector<1024x64xf32> to vector<1024x64xbf16>
    %convert_element_type3A_14 = arith.truncf %get3A_8 : vector<2048x64xf32> to vector<2048x64xbf16>
    %dot_general3A_15 = arith.constant dense<0.000000e+00> : vector<1024x2048xf32>
    %dot_general3A_16 = tpu.matmul %convert_element_type3A, %convert_element_type3A_14, %dot_general3A_15 {dimension_numbers = #tpu.dot_dimension_numbers<[1], [1], [0], [0], [0, 0, 1, 0], [], []>, transpose_lhs_hint = false} : vector<1024x64xbf16>, vector<2048x64xbf16>, vector<1024x2048xf32> -> vector<1024x2048xf32>
    %mul3A_17 = arith.constant 2.000000e+00 : f32
    %mul3A_18 = vector.broadcast %mul3A_17 : f32 to vector<1024x2048xf32>
    %mul3A_19 = arith.mulf %mul3A_18, %dot_general3A_16 : vector<1024x2048xf32>
    %sub3A = vector.broadcast %broadcast_in_dim3A_13 : vector<1024x1xf32> to vector<1024x2048xf32>
    %sub3A_20 = arith.subf %mul3A_19, %sub3A : vector<1024x2048xf32>
    %sub3A_21 = vector.broadcast %dot_general3A_10 : vector<1x2048xf32> to vector<1024x2048xf32>
    %sub3A_22 = arith.subf %sub3A_20, %sub3A_21 : vector<1024x2048xf32>
    %swap3A = arith.constant 0 : index
    %swap3A_23 = arith.constant 0 : index
    %swap3A_24 = vector.load %arg5[%swap3A, %swap3A_23] : memref<1024x2048xf32, #tpu.memory_space<vmem>>, vector<1024x2048xf32>
    tpu.vector_store %arg5[%swap3A, %swap3A_23], %sub3A_22 {strides = array<i32>} : memref<1024x2048xf32, #tpu.memory_space<vmem>>, vector<1024x2048xf32>,
    %iota3A = tpu.iota {dimensions = array<i32: 1>} : vector<1024x2048xi32>
    %iota3A_25 = tpu.iota {dimensions = array<i32: 1>} : vector<1024x20xi32>
    %scan3A = arith.constant 0 : i32
    %scan3A_26 = arith.constant 20 : i32
    %scan3A_27 = arith.addi %scan3A, %scan3A_26 : i32
    %scan3A_28 = arith.constant 2 : i32
    scf.for %scan3A_30 = %scan3A to %scan3A_27 step %scan3A_28  : i32 {
      %get3A_31 = arith.constant 0 : index
      %get3A_32 = arith.constant 0 : index
      %get3A_33 = vector.load %arg5[%get3A_31, %get3A_32] : memref<1024x2048xf32, #tpu.memory_space<vmem>>, vector<1024x2048xf32>
      %reduce_max3A = arith.constant dense<0xFF800000> : vector<1024xf32>
      %reduce_max3A_34 = vector.multi_reduction <maximumf>, %get3A_33, %reduce_max3A [1] : vector<1024x2048xf32> to vector<1024xf32>
      %broadcast_in_dim3A_35 = vector.shape_cast %reduce_max3A_34 : vector<1024xf32> to vector<1024x1xf32>
      %eq3A = vector.broadcast %broadcast_in_dim3A_35 : vector<1024x1xf32> to vector<1024x2048xf32>
      %eq3A_36 = arith.cmpf oeq, %get3A_33, %eq3A : vector<1024x2048xf32>
      %jit3A = arith.constant 2048 : i32
      %broadcast_in_dim3A_37 = vector.broadcast %jit3A : i32 to vector<1024x2048xi32>
      %select_n3A = arith.select %eq3A_36, %iota3A, %broadcast_in_dim3A_37 : vector<1024x2048xi1>, vector<1024x2048xi32>
      %reduce_min3A = arith.constant dense<2147483647> : vector<1024xi32>
      %reduce_min3A_38 = vector.multi_reduction <minsi>, %select_n3A, %reduce_min3A [1] : vector<1024x2048xi32> to vector<1024xi32>
      %broadcast_in_dim3A_39 = vector.shape_cast %reduce_min3A_38 : vector<1024xi32> to vector<1024x1xi32>
      %eq3A_40 = vector.broadcast %scan3A_30 : i32 to vector<1024x20xi32>
      %eq3A_41 = arith.cmpi eq, %iota3A_25, %eq3A_40 : vector<1024x20xi32>
      %mul3A_42 = arith.constant 2048 : i32
      %mul3A_43 = arith.muli %arg0, %mul3A_42 : i32
      %add3A = vector.broadcast %mul3A_43 : i32 to vector<1024x1xi32>
      %add3A_44 = arith.addi %broadcast_in_dim3A_39, %add3A : vector<1024x1xi32>
      %broadcast_in_dim3A_45 = vector.shape_cast %add3A_44 : vector<1024x1xi32> to vector<1024x1xi32>
      %broadcast_in_dim3A_46 = vector.broadcast %broadcast_in_dim3A_45 : vector<1024x1xi32> to vector<1024x20xi32>
      %get3A_47 = arith.constant 0 : index
      %get3A_48 = arith.constant 0 : index
      %get3A_49 = arith.constant 0 : index
      %get3A_50 = vector.load %arg4[%get3A_47, %get3A_48, %get3A_49] : memref<1x1024x20xi32, #tpu.memory_space<vmem>>, vector<1x1024x20xi32>
      %get3A_51 = vector.shape_cast %get3A_50 : vector<1x1024x20xi32> to vector<1024x20xi32>
      %select_n3A_52 = arith.select %eq3A_41, %broadcast_in_dim3A_46, %get3A_51 : vector<1024x20xi1>, vector<1024x20xi32>
      %swap3A_53 = arith.constant 0 : index
      %swap3A_54 = arith.constant 0 : index
      %swap3A_55 = arith.constant 0 : index
      %swap3A_56 = vector.load %arg4[%swap3A_53, %swap3A_54, %swap3A_55] : memref<1x1024x20xi32, #tpu.memory_space<vmem>>, vector<1x1024x20xi32>
      %swap3A_57 = vector.shape_cast %swap3A_56 : vector<1x1024x20xi32> to vector<1024x20xi32>
      %swap3A_58 = vector.shape_cast %select_n3A_52 : vector<1024x20xi32> to vector<1x1024x20xi32>
      tpu.vector_store %arg4[%swap3A_53, %swap3A_54, %swap3A_55], %swap3A_58 {strides = array<i32>} : memref<1x1024x20xi32, #tpu.memory_space<vmem>>, vector<1x1024x20xi32>,
      %eq3A_59 = vector.broadcast %broadcast_in_dim3A_39 : vector<1024x1xi32> to vector<1024x2048xi32>
      %eq3A_60 = arith.cmpi eq, %iota3A, %eq3A_59 : vector<1024x2048xi32>
      %jit3A_61 = arith.constant 0xFF800000 : f32
      %broadcast_in_dim3A_62 = vector.broadcast %jit3A_61 : f32 to vector<1024x2048xf32>
      %select_n3A_63 = arith.select %eq3A_60, %broadcast_in_dim3A_62, %get3A_33 : vector<1024x2048xi1>, vector<1024x2048xf32>
      %swap3A_64 = arith.constant 0 : index
      %swap3A_65 = arith.constant 0 : index
      %swap3A_66 = vector.load %arg5[%swap3A_64, %swap3A_65] : memref<1024x2048xf32, #tpu.memory_space<vmem>>, vector<1024x2048xf32>
      tpu.vector_store %arg5[%swap3A_64, %swap3A_65], %select_n3A_63 {strides = array<i32>} : memref<1024x2048xf32, #tpu.memory_space<vmem>>, vector<1024x2048xf32>,
      %scan3A_67 = arith.constant 1 : i32
      %scan3A_68 = arith.addi %scan3A_30, %scan3A_67 : i32
      %get3A_69 = arith.constant 0 : index
      %get3A_70 = arith.constant 0 : index
      %get3A_71 = vector.load %arg5[%get3A_69, %get3A_70] : memref<1024x2048xf32, #tpu.memory_space<vmem>>, vector<1024x2048xf32>
      %reduce_max3A_72 = arith.constant dense<0xFF800000> : vector<1024xf32>
      %reduce_max3A_73 = vector.multi_reduction <maximumf>, %get3A_71, %reduce_max3A_72 [1] : vector<1024x2048xf32> to vector<1024xf32>
      %broadcast_in_dim3A_74 = vector.shape_cast %reduce_max3A_73 : vector<1024xf32> to vector<1024x1xf32>
      %eq3A_75 = vector.broadcast %broadcast_in_dim3A_74 : vector<1024x1xf32> to vector<1024x2048xf32>
      %eq3A_76 = arith.cmpf oeq, %get3A_71, %eq3A_75 : vector<1024x2048xf32>
      %jit3A_77 = arith.constant 2048 : i32
      %broadcast_in_dim3A_78 = vector.broadcast %jit3A_77 : i32 to vector<1024x2048xi32>
      %select_n3A_79 = arith.select %eq3A_76, %iota3A, %broadcast_in_dim3A_78 : vector<1024x2048xi1>, vector<1024x2048xi32>
      %reduce_min3A_80 = arith.constant dense<2147483647> : vector<1024xi32>
      %reduce_min3A_81 = vector.multi_reduction <minsi>, %select_n3A_79, %reduce_min3A_80 [1] : vector<1024x2048xi32> to vector<1024xi32>
      %broadcast_in_dim3A_82 = vector.shape_cast %reduce_min3A_81 : vector<1024xi32> to vector<1024x1xi32>
      %eq3A_83 = vector.broadcast %scan3A_68 : i32 to vector<1024x20xi32>
      %eq3A_84 = arith.cmpi eq, %iota3A_25, %eq3A_83 : vector<1024x20xi32>
      %mul3A_85 = arith.constant 2048 : i32
      %mul3A_86 = arith.muli %arg0, %mul3A_85 : i32
      %add3A_87 = vector.broadcast %mul3A_86 : i32 to vector<1024x1xi32>
      %add3A_88 = arith.addi %broadcast_in_dim3A_82, %add3A_87 : vector<1024x1xi32>
      %broadcast_in_dim3A_89 = vector.shape_cast %add3A_88 : vector<1024x1xi32> to vector<1024x1xi32>
      %broadcast_in_dim3A_90 = vector.broadcast %broadcast_in_dim3A_89 : vector<1024x1xi32> to vector<1024x20xi32>
      %get3A_91 = arith.constant 0 : index
      %get3A_92 = arith.constant 0 : index
      %get3A_93 = arith.constant 0 : index
      %get3A_94 = vector.load %arg4[%get3A_91, %get3A_92, %get3A_93] : memref<1x1024x20xi32, #tpu.memory_space<vmem>>, vector<1x1024x20xi32>
      %get3A_95 = vector.shape_cast %get3A_94 : vector<1x1024x20xi32> to vector<1024x20xi32>
      %select_n3A_96 = arith.select %eq3A_84, %broadcast_in_dim3A_90, %get3A_95 : vector<1024x20xi1>, vector<1024x20xi32>
      %swap3A_97 = arith.constant 0 : index
      %swap3A_98 = arith.constant 0 : index
      %swap3A_99 = arith.constant 0 : index
      %swap3A_100 = vector.load %arg4[%swap3A_97, %swap3A_98, %swap3A_99] : memref<1x1024x20xi32, #tpu.memory_space<vmem>>, vector<1x1024x20xi32>
      %swap3A_101 = vector.shape_cast %swap3A_100 : vector<1x1024x20xi32> to vector<1024x20xi32>
      %swap3A_102 = vector.shape_cast %select_n3A_96 : vector<1024x20xi32> to vector<1x1024x20xi32>
      tpu.vector_store %arg4[%swap3A_97, %swap3A_98, %swap3A_99], %swap3A_102 {strides = array<i32>} : memref<1x1024x20xi32, #tpu.memory_space<vmem>>, vector<1x1024x20xi32>,
      %eq3A_103 = vector.broadcast %broadcast_in_dim3A_82 : vector<1024x1xi32> to vector<1024x2048xi32>
      %eq3A_104 = arith.cmpi eq, %iota3A, %eq3A_103 : vector<1024x2048xi32>
      %jit3A_105 = arith.constant 0xFF800000 : f32
      %broadcast_in_dim3A_106 = vector.broadcast %jit3A_105 : f32 to vector<1024x2048xf32>
      %select_n3A_107 = arith.select %eq3A_104, %broadcast_in_dim3A_106, %get3A_71 : vector<1024x2048xi1>, vector<1024x2048xf32>
      %swap3A_108 = arith.constant 0 : index
      %swap3A_109 = arith.constant 0 : index
      %swap3A_110 = vector.load %arg5[%swap3A_108, %swap3A_109] : memref<1024x2048xf32, #tpu.memory_space<vmem>>, vector<1024x2048xf32>
      tpu.vector_store %arg5[%swap3A_108, %swap3A_109], %select_n3A_107 {strides = array<i32>} : memref<1024x2048xf32, #tpu.memory_space<vmem>>, vector<1024x2048xf32>,
    }
    %scan3A_29 = arith.constant 20 : i32
    return
  }
  func.func @transform_0(%arg0: i32, %arg1: i32) -> (i32, i32, i32) {
    %c0_i32 = arith.constant 0 : i32
    %c0_i32_0 = arith.constant 0 : i32
    return %arg0, %arg1, %c0_i32 : i32, i32, i32
  }
  func.func @transform_1(%arg0: i32, %arg1: i32) -> (i32, i32, i32) {
    %c0_i32 = arith.constant 0 : i32
    %c0_i32_0 = arith.constant 0 : i32
    %c0_i32_1 = arith.constant 0 : i32
    return %arg0, %c0_i32, %c0_i32_0 : i32, i32, i32
  }
  func.func @transform_2(%arg0: i32, %arg1: i32) -> (i32, i32, i32) {
    %c0_i32 = arith.constant 0 : i32
    %c0_i32_0 = arith.constant 0 : i32
    return %arg0, %arg1, %c0_i32 : i32, i32, i32
  }
}

module attributes {stable_mosaic.version = 14 : i64} {
  func.func @_ec_stats1_body(%arg0: i32, %arg1: i32, %arg2: memref<1x1x2560x128xf32, #tpu.memory_space<vmem>>, %arg3: memref<1x1x128x8xf32, #tpu.memory_space<vmem>>, %arg4: memref<64x128xf32, #tpu.memory_space<vmem>>, %arg5: memref<8x64xf32, #tpu.memory_space<vmem>>) attributes {dimension_semantics = [#tpu.dimension_semantics<arbitrary>, #tpu.dimension_semantics<arbitrary>], iteration_bounds = array<i64: 8, 16>, scalar_prefetch = 0 : i64, scratch_operands = 0 : i64, tpu.core_type = #tpu.core_type<tc>, window_params = [{transform_indices = @transform_0, window_bounds = array<i64: 1, 1, 2560, 128>}, {transform_indices = @transform_1, window_bounds = array<i64: 1, 1, 128, 8>}, {pipeline_mode = #tpu.pipeline_mode<synchronous>, transform_indices = @transform_2, window_bounds = array<i64: 64, 128>}, {pipeline_mode = #tpu.pipeline_mode<synchronous>, transform_indices = @transform_3, window_bounds = array<i64: 8, 64>}]} {
    %eq3A = arith.constant 0 : i32
    %eq3A_0 = arith.cmpi eq, %arg0, %eq3A : i32
    %eq3A_1 = arith.constant 0 : i32
    %eq3A_2 = arith.cmpi eq, %arg1, %eq3A_1 : i32
    %and3A = arith.andi %eq3A_0, %eq3A_2 : i1
    %convert_element_type3A = arith.extui %and3A : i1 to i32
    %cond3A = arith.constant 0 : i32
    %cond3A_3 = arith.cmpi ne, %convert_element_type3A, %cond3A : i32
    scf.if %cond3A_3 {
      %broadcast_in_dim3A_51 = arith.constant 0.000000e+00 : f32
      %broadcast_in_dim3A_52 = vector.broadcast %broadcast_in_dim3A_51 : f32 to vector<8x64xf32>
      %swap3A_53 = arith.constant 0 : index
      %swap3A_54 = arith.constant 0 : index
      %swap3A_55 = vector.load %arg5[%swap3A_53, %swap3A_54] : memref<8x64xf32, #tpu.memory_space<vmem>>, vector<8x64xf32>
      tpu.vector_store %arg5[%swap3A_53, %swap3A_54], %broadcast_in_dim3A_52 {strides = array<i32>} : memref<8x64xf32, #tpu.memory_space<vmem>>, vector<8x64xf32>,
    } else {
    }
    %get3A = arith.constant 0 : index
    %get3A_4 = arith.constant 0 : index
    %get3A_5 = arith.constant 0 : index
    %get3A_6 = arith.constant 0 : index
    %get3A_7 = vector.load %arg2[%get3A, %get3A_4, %get3A_5, %get3A_6] : memref<1x1x2560x128xf32, #tpu.memory_space<vmem>>, vector<1x1x2560x128xf32>
    %get3A_8 = vector.shape_cast %get3A_7 : vector<1x1x2560x128xf32> to vector<2560x128xf32>
    %slice3A = vector.extract_strided_slice %get3A_8 {offsets = [0, 0], sizes = [2560, 8], strides = [1, 1]} : vector<2560x128xf32> to vector<2560x8xf32>
    %get3A_9 = arith.constant 0 : index
    %get3A_10 = arith.constant 0 : index
    %get3A_11 = arith.constant 0 : index
    %get3A_12 = arith.constant 0 : index
    %get3A_13 = vector.load %arg3[%get3A_9, %get3A_10, %get3A_11, %get3A_12] : memref<1x1x128x8xf32, #tpu.memory_space<vmem>>, vector<1x1x128x8xf32>
    %get3A_14 = vector.shape_cast %get3A_13 : vector<1x1x128x8xf32> to vector<128x8xf32>
    %broadcast_in_dim3A = vector.shape_cast %get3A_14 : vector<128x8xf32> to vector<128x1x8xf32>
    %broadcast_in_dim3A_15 = vector.shape_cast %broadcast_in_dim3A : vector<128x1x8xf32> to vector<128x1x8xf32>
    %broadcast_in_dim3A_16 = vector.broadcast %broadcast_in_dim3A_15 : vector<128x1x8xf32> to vector<128x20x8xf32>
    %reshape3A = vector.shape_cast %broadcast_in_dim3A_16 : vector<128x20x8xf32> to vector<2560x8xf32>
    %sub3A = arith.subf %slice3A, %reshape3A : vector<2560x8xf32>
    %convert_element_type3A_17 = arith.truncf %sub3A : vector<2560x8xf32> to vector<2560x8xbf16>
    %convert_element_type3A_18 = arith.truncf %reshape3A : vector<2560x8xf32> to vector<2560x8xbf16>
    %broadcast_in_dim3A_19 = arith.constant 0.000000e+00 : bf16
    %broadcast_in_dim3A_20 = vector.broadcast %broadcast_in_dim3A_19 : bf16 to vector<2560x112xbf16>
    %concatenate3A = tpu.concatenate %convert_element_type3A_17, %convert_element_type3A_18, %broadcast_in_dim3A_20 in 1 : vector<2560x8xbf16>, vector<2560x8xbf16>, vector<2560x112xbf16> -> vector<2560x128xbf16>
    %get3A_21 = arith.constant 0 : index
    %get3A_22 = arith.constant 0 : index
    %get3A_23 = vector.load %arg4[%get3A_21, %get3A_22] : memref<64x128xf32, #tpu.memory_space<vmem>>, vector<64x128xf32>
    %convert_element_type3A_24 = arith.truncf %get3A_23 : vector<64x128xf32> to vector<64x128xbf16>
    %dot_general3A = arith.constant dense<0.000000e+00> : vector<2560x64xf32>
    %dot_general3A_25 = tpu.matmul %concatenate3A, %convert_element_type3A_24, %dot_general3A {dimension_numbers = #tpu.dot_dimension_numbers<[1], [1], [0], [0], [0, 0, 1, 0], [], []>, transpose_lhs_hint = false} : vector<2560x128xbf16>, vector<64x128xbf16>, vector<2560x64xf32> -> vector<2560x64xf32>
    %reduce_sum3A = arith.constant dense<0.000000e+00> : vector<64xf32>
    %reduce_sum3A_26 = vector.multi_reduction <add>, %dot_general3A_25, %reduce_sum3A [0] : vector<2560x64xf32> to vector<64xf32>
    %broadcast_in_dim3A_27 = vector.shape_cast %reduce_sum3A_26 : vector<64xf32> to vector<1x64xf32>
    %mul3A = arith.mulf %dot_general3A_25, %dot_general3A_25 : vector<2560x64xf32>
    %reduce_sum3A_28 = arith.constant dense<0.000000e+00> : vector<64xf32>
    %reduce_sum3A_29 = vector.multi_reduction <add>, %mul3A, %reduce_sum3A_28 [0] : vector<2560x64xf32> to vector<64xf32>
    %broadcast_in_dim3A_30 = vector.shape_cast %reduce_sum3A_29 : vector<64xf32> to vector<1x64xf32>
    %iota3A = tpu.iota {dimensions = array<i32: 0>} : vector<8x64xi32>
    %eq3A_31 = arith.constant 0 : i32
    %eq3A_32 = vector.broadcast %eq3A_31 : i32 to vector<8x64xi32>
    %eq3A_33 = arith.cmpi eq, %iota3A, %eq3A_32 : vector<8x64xi32>
    %broadcast_in_dim3A_34 = vector.shape_cast %broadcast_in_dim3A_27 : vector<1x64xf32> to vector<1x64xf32>
    %broadcast_in_dim3A_35 = vector.broadcast %broadcast_in_dim3A_34 : vector<1x64xf32> to vector<8x64xf32>
    %jit3A = arith.constant 0.000000e+00 : f32
    %broadcast_in_dim3A_36 = vector.broadcast %jit3A : f32 to vector<8x64xf32>
    %select_n3A = arith.select %eq3A_33, %broadcast_in_dim3A_35, %broadcast_in_dim3A_36 : vector<8x64xi1>, vector<8x64xf32>
    %eq3A_37 = arith.constant 1 : i32
    %eq3A_38 = vector.broadcast %eq3A_37 : i32 to vector<8x64xi32>
    %eq3A_39 = arith.cmpi eq, %iota3A, %eq3A_38 : vector<8x64xi32>
    %broadcast_in_dim3A_40 = vector.shape_cast %broadcast_in_dim3A_30 : vector<1x64xf32> to vector<1x64xf32>
    %broadcast_in_dim3A_41 = vector.broadcast %broadcast_in_dim3A_40 : vector<1x64xf32> to vector<8x64xf32>
    %jit3A_42 = arith.constant 0.000000e+00 : f32
    %broadcast_in_dim3A_43 = vector.broadcast %jit3A_42 : f32 to vector<8x64xf32>
    %select_n3A_44 = arith.select %eq3A_39, %broadcast_in_dim3A_41, %broadcast_in_dim3A_43 : vector<8x64xi1>, vector<8x64xf32>
    %add3A = arith.addf %select_n3A, %select_n3A_44 : vector<8x64xf32>
    %get3A_45 = arith.constant 0 : index
    %get3A_46 = arith.constant 0 : index
    %get3A_47 = vector.load %arg5[%get3A_45, %get3A_46] : memref<8x64xf32, #tpu.memory_space<vmem>>, vector<8x64xf32>
    %add3A_48 = arith.addf %get3A_47, %add3A : vector<8x64xf32>
    %swap3A = arith.constant 0 : index
    %swap3A_49 = arith.constant 0 : index
    %swap3A_50 = vector.load %arg5[%swap3A, %swap3A_49] : memref<8x64xf32, #tpu.memory_space<vmem>>, vector<8x64xf32>
    tpu.vector_store %arg5[%swap3A, %swap3A_49], %add3A_48 {strides = array<i32>} : memref<8x64xf32, #tpu.memory_space<vmem>>, vector<8x64xf32>,
    return
  }
  func.func @transform_0(%arg0: i32, %arg1: i32) -> (i32, i32, i32, i32) {
    %c0_i32 = arith.constant 0 : i32
    %c0_i32_0 = arith.constant 0 : i32
    %c0_i32_1 = arith.constant 0 : i32
    return %arg0, %arg1, %c0_i32, %c0_i32_0 : i32, i32, i32, i32
  }
  func.func @transform_1(%arg0: i32, %arg1: i32) -> (i32, i32, i32, i32) {
    %c0_i32 = arith.constant 0 : i32
    %c0_i32_0 = arith.constant 0 : i32
    %c0_i32_1 = arith.constant 0 : i32
    return %arg0, %arg1, %c0_i32, %c0_i32_0 : i32, i32, i32, i32
  }
  func.func @transform_2(%arg0: i32, %arg1: i32) -> (i32, i32) {
    %c0_i32 = arith.constant 0 : i32
    %c0_i32_0 = arith.constant 0 : i32
    %c0_i32_1 = arith.constant 0 : i32
    return %c0_i32, %c0_i32_0 : i32, i32
  }
  func.func @transform_3(%arg0: i32, %arg1: i32) -> (i32, i32) {
    %c0_i32 = arith.constant 0 : i32
    %c0_i32_0 = arith.constant 0 : i32
    %c0_i32_1 = arith.constant 0 : i32
    return %c0_i32, %c0_i32_0 : i32, i32
  }
}

module attributes {stable_mosaic.version = 14 : i64} {
  func.func @_ec_stats2_body(%arg0: i32, %arg1: i32, %arg2: memref<1x1x2560x128xf32, #tpu.memory_space<vmem>>, %arg3: memref<1x1x128x8xf32, #tpu.memory_space<vmem>>, %arg4: memref<64x128xf32, #tpu.memory_space<vmem>>, %arg5: memref<8x64xf32, #tpu.memory_space<vmem>>, %arg6: memref<64x64xf32, #tpu.memory_space<vmem>>, %arg7: memref<8x64xf32, #tpu.memory_space<vmem>>) attributes {dimension_semantics = [#tpu.dimension_semantics<arbitrary>, #tpu.dimension_semantics<arbitrary>], iteration_bounds = array<i64: 8, 16>, scalar_prefetch = 0 : i64, scratch_operands = 0 : i64, tpu.core_type = #tpu.core_type<tc>, window_params = [{transform_indices = @transform_0, window_bounds = array<i64: 1, 1, 2560, 128>}, {transform_indices = @transform_1, window_bounds = array<i64: 1, 1, 128, 8>}, {pipeline_mode = #tpu.pipeline_mode<synchronous>, transform_indices = @transform_2, window_bounds = array<i64: 64, 128>}, {pipeline_mode = #tpu.pipeline_mode<synchronous>, transform_indices = @transform_3, window_bounds = array<i64: 8, 64>}, {pipeline_mode = #tpu.pipeline_mode<synchronous>, transform_indices = @transform_4, window_bounds = array<i64: 64, 64>}, {pipeline_mode = #tpu.pipeline_mode<synchronous>, transform_indices = @transform_5, window_bounds = array<i64: 8, 64>}]} {
    %eq3A = arith.constant 0 : i32
    %eq3A_0 = arith.cmpi eq, %arg0, %eq3A : i32
    %eq3A_1 = arith.constant 0 : i32
    %eq3A_2 = arith.cmpi eq, %arg1, %eq3A_1 : i32
    %and3A = arith.andi %eq3A_0, %eq3A_2 : i1
    %convert_element_type3A = arith.extui %and3A : i1 to i32
    %cond3A = arith.constant 0 : i32
    %cond3A_3 = arith.cmpi ne, %convert_element_type3A, %cond3A : i32
    scf.if %cond3A_3 {
      %broadcast_in_dim3A_74 = arith.constant 0.000000e+00 : f32
      %broadcast_in_dim3A_75 = vector.broadcast %broadcast_in_dim3A_74 : f32 to vector<8x64xf32>
      %swap3A_76 = arith.constant 0 : index
      %swap3A_77 = arith.constant 0 : index
      %swap3A_78 = vector.load %arg7[%swap3A_76, %swap3A_77] : memref<8x64xf32, #tpu.memory_space<vmem>>, vector<8x64xf32>
      tpu.vector_store %arg7[%swap3A_76, %swap3A_77], %broadcast_in_dim3A_75 {strides = array<i32>} : memref<8x64xf32, #tpu.memory_space<vmem>>, vector<8x64xf32>,
    } else {
    }
    %get3A = arith.constant 0 : index
    %get3A_4 = arith.constant 0 : index
    %get3A_5 = arith.constant 0 : index
    %get3A_6 = arith.constant 0 : index
    %get3A_7 = vector.load %arg2[%get3A, %get3A_4, %get3A_5, %get3A_6] : memref<1x1x2560x128xf32, #tpu.memory_space<vmem>>, vector<1x1x2560x128xf32>
    %get3A_8 = vector.shape_cast %get3A_7 : vector<1x1x2560x128xf32> to vector<2560x128xf32>
    %slice3A = vector.extract_strided_slice %get3A_8 {offsets = [0, 0], sizes = [2560, 8], strides = [1, 1]} : vector<2560x128xf32> to vector<2560x8xf32>
    %get3A_9 = arith.constant 0 : index
    %get3A_10 = arith.constant 0 : index
    %get3A_11 = arith.constant 0 : index
    %get3A_12 = arith.constant 0 : index
    %get3A_13 = vector.load %arg3[%get3A_9, %get3A_10, %get3A_11, %get3A_12] : memref<1x1x128x8xf32, #tpu.memory_space<vmem>>, vector<1x1x128x8xf32>
    %get3A_14 = vector.shape_cast %get3A_13 : vector<1x1x128x8xf32> to vector<128x8xf32>
    %broadcast_in_dim3A = vector.shape_cast %get3A_14 : vector<128x8xf32> to vector<128x1x8xf32>
    %broadcast_in_dim3A_15 = vector.shape_cast %broadcast_in_dim3A : vector<128x1x8xf32> to vector<128x1x8xf32>
    %broadcast_in_dim3A_16 = vector.broadcast %broadcast_in_dim3A_15 : vector<128x1x8xf32> to vector<128x20x8xf32>
    %reshape3A = vector.shape_cast %broadcast_in_dim3A_16 : vector<128x20x8xf32> to vector<2560x8xf32>
    %sub3A = arith.subf %slice3A, %reshape3A : vector<2560x8xf32>
    %convert_element_type3A_17 = arith.truncf %sub3A : vector<2560x8xf32> to vector<2560x8xbf16>
    %convert_element_type3A_18 = arith.truncf %reshape3A : vector<2560x8xf32> to vector<2560x8xbf16>
    %broadcast_in_dim3A_19 = arith.constant 0.000000e+00 : bf16
    %broadcast_in_dim3A_20 = vector.broadcast %broadcast_in_dim3A_19 : bf16 to vector<2560x112xbf16>
    %concatenate3A = tpu.concatenate %convert_element_type3A_17, %convert_element_type3A_18, %broadcast_in_dim3A_20 in 1 : vector<2560x8xbf16>, vector<2560x8xbf16>, vector<2560x112xbf16> -> vector<2560x128xbf16>
    %get3A_21 = arith.constant 0 : index
    %get3A_22 = arith.constant 0 : index
    %get3A_23 = vector.load %arg4[%get3A_21, %get3A_22] : memref<64x128xf32, #tpu.memory_space<vmem>>, vector<64x128xf32>
    %convert_element_type3A_24 = arith.truncf %get3A_23 : vector<64x128xf32> to vector<64x128xbf16>
    %dot_general3A = arith.constant dense<0.000000e+00> : vector<2560x64xf32>
    %dot_general3A_25 = tpu.matmul %concatenate3A, %convert_element_type3A_24, %dot_general3A {dimension_numbers = #tpu.dot_dimension_numbers<[1], [1], [0], [0], [0, 0, 1, 0], [], []>, transpose_lhs_hint = false} : vector<2560x128xbf16>, vector<64x128xbf16>, vector<2560x64xf32> -> vector<2560x64xf32>
    %get3A_26 = arith.constant 0 : index
    %get3A_27 = arith.constant 0 : index
    %get3A_28 = vector.load %arg5[%get3A_26, %get3A_27] : memref<8x64xf32, #tpu.memory_space<vmem>>, vector<1x64xf32>
    %mul3A = vector.broadcast %get3A_28 : vector<1x64xf32> to vector<2560x64xf32>
    %mul3A_29 = arith.mulf %dot_general3A_25, %mul3A : vector<2560x64xf32>
    %get3A_30 = arith.constant 1 : index
    %get3A_31 = arith.constant 0 : index
    %get3A_32 = vector.load %arg5[%get3A_30, %get3A_31] : memref<8x64xf32, #tpu.memory_space<vmem>>, vector<1x64xf32>
    %add3A = vector.broadcast %get3A_32 : vector<1x64xf32> to vector<2560x64xf32>
    %add3A_33 = arith.addf %mul3A_29, %add3A : vector<2560x64xf32>
    %gt3A = arith.constant 0.000000e+00 : f32
    %gt3A_34 = vector.broadcast %gt3A : f32 to vector<2560x64xf32>
    %gt3A_35 = arith.cmpf ogt, %add3A_33, %gt3A_34 : vector<2560x64xf32>
    %mul3A_36 = arith.constant 2.000000e-01 : f32
    %mul3A_37 = vector.broadcast %mul3A_36 : f32 to vector<2560x64xf32>
    %mul3A_38 = arith.mulf %mul3A_37, %add3A_33 : vector<2560x64xf32>
    %select_n3A = arith.select %gt3A_35, %add3A_33, %mul3A_38 : vector<2560x64xi1>, vector<2560x64xf32>
    %get3A_39 = arith.constant 0 : index
    %get3A_40 = arith.constant 0 : index
    %get3A_41 = vector.load %arg6[%get3A_39, %get3A_40] : memref<64x64xf32, #tpu.memory_space<vmem>>, vector<64x64xf32>
    %convert_element_type3A_42 = arith.truncf %select_n3A : vector<2560x64xf32> to vector<2560x64xbf16>
    %convert_element_type3A_43 = arith.truncf %get3A_41 : vector<64x64xf32> to vector<64x64xbf16>
    %dot_general3A_44 = arith.constant dense<0.000000e+00> : vector<2560x64xf32>
    %dot_general3A_45 = tpu.matmul %convert_element_type3A_42, %convert_element_type3A_43, %dot_general3A_44 {dimension_numbers = #tpu.dot_dimension_numbers<[1], [1], [0], [0], [0, 0, 1, 0], [], []>, transpose_lhs_hint = false} : vector<2560x64xbf16>, vector<64x64xbf16>, vector<2560x64xf32> -> vector<2560x64xf32>
    %reduce_sum3A = arith.constant dense<0.000000e+00> : vector<64xf32>
    %reduce_sum3A_46 = vector.multi_reduction <add>, %dot_general3A_45, %reduce_sum3A [0] : vector<2560x64xf32> to vector<64xf32>
    %broadcast_in_dim3A_47 = vector.shape_cast %reduce_sum3A_46 : vector<64xf32> to vector<1x64xf32>
    %mul3A_48 = arith.mulf %dot_general3A_45, %dot_general3A_45 : vector<2560x64xf32>
    %reduce_sum3A_49 = arith.constant dense<0.000000e+00> : vector<64xf32>
    %reduce_sum3A_50 = vector.multi_reduction <add>, %mul3A_48, %reduce_sum3A_49 [0] : vector<2560x64xf32> to vector<64xf32>
    %broadcast_in_dim3A_51 = vector.shape_cast %reduce_sum3A_50 : vector<64xf32> to vector<1x64xf32>
    %iota3A = tpu.iota {dimensions = array<i32: 0>} : vector<8x64xi32>
    %eq3A_52 = arith.constant 0 : i32
    %eq3A_53 = vector.broadcast %eq3A_52 : i32 to vector<8x64xi32>
    %eq3A_54 = arith.cmpi eq, %iota3A, %eq3A_53 : vector<8x64xi32>
    %broadcast_in_dim3A_55 = vector.shape_cast %broadcast_in_dim3A_47 : vector<1x64xf32> to vector<1x64xf32>
    %broadcast_in_dim3A_56 = vector.broadcast %broadcast_in_dim3A_55 : vector<1x64xf32> to vector<8x64xf32>
    %jit3A = arith.constant 0.000000e+00 : f32
    %broadcast_in_dim3A_57 = vector.broadcast %jit3A : f32 to vector<8x64xf32>
    %select_n3A_58 = arith.select %eq3A_54, %broadcast_in_dim3A_56, %broadcast_in_dim3A_57 : vector<8x64xi1>, vector<8x64xf32>
    %eq3A_59 = arith.constant 1 : i32
    %eq3A_60 = vector.broadcast %eq3A_59 : i32 to vector<8x64xi32>
    %eq3A_61 = arith.cmpi eq, %iota3A, %eq3A_60 : vector<8x64xi32>
    %broadcast_in_dim3A_62 = vector.shape_cast %broadcast_in_dim3A_51 : vector<1x64xf32> to vector<1x64xf32>
    %broadcast_in_dim3A_63 = vector.broadcast %broadcast_in_dim3A_62 : vector<1x64xf32> to vector<8x64xf32>
    %jit3A_64 = arith.constant 0.000000e+00 : f32
    %broadcast_in_dim3A_65 = vector.broadcast %jit3A_64 : f32 to vector<8x64xf32>
    %select_n3A_66 = arith.select %eq3A_61, %broadcast_in_dim3A_63, %broadcast_in_dim3A_65 : vector<8x64xi1>, vector<8x64xf32>
    %add3A_67 = arith.addf %select_n3A_58, %select_n3A_66 : vector<8x64xf32>
    %get3A_68 = arith.constant 0 : index
    %get3A_69 = arith.constant 0 : index
    %get3A_70 = vector.load %arg7[%get3A_68, %get3A_69] : memref<8x64xf32, #tpu.memory_space<vmem>>, vector<8x64xf32>
    %add3A_71 = arith.addf %get3A_70, %add3A_67 : vector<8x64xf32>
    %swap3A = arith.constant 0 : index
    %swap3A_72 = arith.constant 0 : index
    %swap3A_73 = vector.load %arg7[%swap3A, %swap3A_72] : memref<8x64xf32, #tpu.memory_space<vmem>>, vector<8x64xf32>
    tpu.vector_store %arg7[%swap3A, %swap3A_72], %add3A_71 {strides = array<i32>} : memref<8x64xf32, #tpu.memory_space<vmem>>, vector<8x64xf32>,
    return
  }
  func.func @transform_0(%arg0: i32, %arg1: i32) -> (i32, i32, i32, i32) {
    %c0_i32 = arith.constant 0 : i32
    %c0_i32_0 = arith.constant 0 : i32
    %c0_i32_1 = arith.constant 0 : i32
    return %arg0, %arg1, %c0_i32, %c0_i32_0 : i32, i32, i32, i32
  }
  func.func @transform_1(%arg0: i32, %arg1: i32) -> (i32, i32, i32, i32) {
    %c0_i32 = arith.constant 0 : i32
    %c0_i32_0 = arith.constant 0 : i32
    %c0_i32_1 = arith.constant 0 : i32
    return %arg0, %arg1, %c0_i32, %c0_i32_0 : i32, i32, i32, i32
  }
  func.func @transform_2(%arg0: i32, %arg1: i32) -> (i32, i32) {
    %c0_i32 = arith.constant 0 : i32
    %c0_i32_0 = arith.constant 0 : i32
    %c0_i32_1 = arith.constant 0 : i32
    return %c0_i32, %c0_i32_0 : i32, i32
  }
  func.func @transform_3(%arg0: i32, %arg1: i32) -> (i32, i32) {
    %c0_i32 = arith.constant 0 : i32
    %c0_i32_0 = arith.constant 0 : i32
    %c0_i32_1 = arith.constant 0 : i32
    return %c0_i32, %c0_i32_0 : i32, i32
  }
  func.func @transform_4(%arg0: i32, %arg1: i32) -> (i32, i32) {
    %c0_i32 = arith.constant 0 : i32
    %c0_i32_0 = arith.constant 0 : i32
    %c0_i32_1 = arith.constant 0 : i32
    return %c0_i32, %c0_i32_0 : i32, i32
  }
  func.func @transform_5(%arg0: i32, %arg1: i32) -> (i32, i32) {
    %c0_i32 = arith.constant 0 : i32
    %c0_i32_0 = arith.constant 0 : i32
    %c0_i32_1 = arith.constant 0 : i32
    return %c0_i32, %c0_i32_0 : i32, i32
  }
}

module attributes {stable_mosaic.version = 14 : i64} {
  func.func @_ec_apply_body(%arg0: i32, %arg1: i32, %arg2: memref<1x1x2560x128xf32, #tpu.memory_space<vmem>>, %arg3: memref<1x1x128x8xf32, #tpu.memory_space<vmem>>, %arg4: memref<64x128xf32, #tpu.memory_space<vmem>>, %arg5: memref<8x64xf32, #tpu.memory_space<vmem>>, %arg6: memref<64x64xf32, #tpu.memory_space<vmem>>, %arg7: memref<8x64xf32, #tpu.memory_space<vmem>>, %arg8: memref<1x1x128x128xf32, #tpu.memory_space<vmem>>) attributes {dimension_semantics = [#tpu.dimension_semantics<arbitrary>, #tpu.dimension_semantics<arbitrary>], iteration_bounds = array<i64: 8, 16>, scalar_prefetch = 0 : i64, scratch_operands = 0 : i64, tpu.core_type = #tpu.core_type<tc>, window_params = [{transform_indices = @transform_0, window_bounds = array<i64: 1, 1, 2560, 128>}, {transform_indices = @transform_1, window_bounds = array<i64: 1, 1, 128, 8>}, {pipeline_mode = #tpu.pipeline_mode<synchronous>, transform_indices = @transform_2, window_bounds = array<i64: 64, 128>}, {pipeline_mode = #tpu.pipeline_mode<synchronous>, transform_indices = @transform_3, window_bounds = array<i64: 8, 64>}, {pipeline_mode = #tpu.pipeline_mode<synchronous>, transform_indices = @transform_4, window_bounds = array<i64: 64, 64>}, {pipeline_mode = #tpu.pipeline_mode<synchronous>, transform_indices = @transform_5, window_bounds = array<i64: 8, 64>}, {transform_indices = @transform_6, window_bounds = array<i64: 1, 1, 128, 128>}]} {
    %get3A = arith.constant 0 : index
    %get3A_0 = arith.constant 0 : index
    %get3A_1 = arith.constant 0 : index
    %get3A_2 = arith.constant 0 : index
    %get3A_3 = vector.load %arg2[%get3A, %get3A_0, %get3A_1, %get3A_2] : memref<1x1x2560x128xf32, #tpu.memory_space<vmem>>, vector<1x1x2560x128xf32>
    %get3A_4 = vector.shape_cast %get3A_3 : vector<1x1x2560x128xf32> to vector<2560x128xf32>
    %slice3A = vector.extract_strided_slice %get3A_4 {offsets = [0, 0], sizes = [2560, 8], strides = [1, 1]} : vector<2560x128xf32> to vector<2560x8xf32>
    %get3A_5 = arith.constant 0 : index
    %get3A_6 = arith.constant 0 : index
    %get3A_7 = arith.constant 0 : index
    %get3A_8 = arith.constant 0 : index
    %get3A_9 = vector.load %arg3[%get3A_5, %get3A_6, %get3A_7, %get3A_8] : memref<1x1x128x8xf32, #tpu.memory_space<vmem>>, vector<1x1x128x8xf32>
    %get3A_10 = vector.shape_cast %get3A_9 : vector<1x1x128x8xf32> to vector<128x8xf32>
    %broadcast_in_dim3A = vector.shape_cast %get3A_10 : vector<128x8xf32> to vector<128x1x8xf32>
    %broadcast_in_dim3A_11 = vector.shape_cast %broadcast_in_dim3A : vector<128x1x8xf32> to vector<128x1x8xf32>
    %broadcast_in_dim3A_12 = vector.broadcast %broadcast_in_dim3A_11 : vector<128x1x8xf32> to vector<128x20x8xf32>
    %reshape3A = vector.shape_cast %broadcast_in_dim3A_12 : vector<128x20x8xf32> to vector<2560x8xf32>
    %sub3A = arith.subf %slice3A, %reshape3A : vector<2560x8xf32>
    %convert_element_type3A = arith.truncf %sub3A : vector<2560x8xf32> to vector<2560x8xbf16>
    %convert_element_type3A_13 = arith.truncf %reshape3A : vector<2560x8xf32> to vector<2560x8xbf16>
    %broadcast_in_dim3A_14 = arith.constant 0.000000e+00 : bf16
    %broadcast_in_dim3A_15 = vector.broadcast %broadcast_in_dim3A_14 : bf16 to vector<2560x112xbf16>
    %concatenate3A = tpu.concatenate %convert_element_type3A, %convert_element_type3A_13, %broadcast_in_dim3A_15 in 1 : vector<2560x8xbf16>, vector<2560x8xbf16>, vector<2560x112xbf16> -> vector<2560x128xbf16>
    %get3A_16 = arith.constant 0 : index
    %get3A_17 = arith.constant 0 : index
    %get3A_18 = vector.load %arg4[%get3A_16, %get3A_17] : memref<64x128xf32, #tpu.memory_space<vmem>>, vector<64x128xf32>
    %convert_element_type3A_19 = arith.truncf %get3A_18 : vector<64x128xf32> to vector<64x128xbf16>
    %dot_general3A = arith.constant dense<0.000000e+00> : vector<2560x64xf32>
    %dot_general3A_20 = tpu.matmul %concatenate3A, %convert_element_type3A_19, %dot_general3A {dimension_numbers = #tpu.dot_dimension_numbers<[1], [1], [0], [0], [0, 0, 1, 0], [], []>, transpose_lhs_hint = false} : vector<2560x128xbf16>, vector<64x128xbf16>, vector<2560x64xf32> -> vector<2560x64xf32>
    %get3A_21 = arith.constant 0 : index
    %get3A_22 = arith.constant 0 : index
    %get3A_23 = vector.load %arg5[%get3A_21, %get3A_22] : memref<8x64xf32, #tpu.memory_space<vmem>>, vector<1x64xf32>
    %mul3A = vector.broadcast %get3A_23 : vector<1x64xf32> to vector<2560x64xf32>
    %mul3A_24 = arith.mulf %dot_general3A_20, %mul3A : vector<2560x64xf32>
    %get3A_25 = arith.constant 1 : index
    %get3A_26 = arith.constant 0 : index
    %get3A_27 = vector.load %arg5[%get3A_25, %get3A_26] : memref<8x64xf32, #tpu.memory_space<vmem>>, vector<1x64xf32>
    %add3A = vector.broadcast %get3A_27 : vector<1x64xf32> to vector<2560x64xf32>
    %add3A_28 = arith.addf %mul3A_24, %add3A : vector<2560x64xf32>
    %gt3A = arith.constant 0.000000e+00 : f32
    %gt3A_29 = vector.broadcast %gt3A : f32 to vector<2560x64xf32>
    %gt3A_30 = arith.cmpf ogt, %add3A_28, %gt3A_29 : vector<2560x64xf32>
    %mul3A_31 = arith.constant 2.000000e-01 : f32
    %mul3A_32 = vector.broadcast %mul3A_31 : f32 to vector<2560x64xf32>
    %mul3A_33 = arith.mulf %mul3A_32, %add3A_28 : vector<2560x64xf32>
    %select_n3A = arith.select %gt3A_30, %add3A_28, %mul3A_33 : vector<2560x64xi1>, vector<2560x64xf32>
    %get3A_34 = arith.constant 0 : index
    %get3A_35 = arith.constant 0 : index
    %get3A_36 = vector.load %arg6[%get3A_34, %get3A_35] : memref<64x64xf32, #tpu.memory_space<vmem>>, vector<64x64xf32>
    %convert_element_type3A_37 = arith.truncf %select_n3A : vector<2560x64xf32> to vector<2560x64xbf16>
    %convert_element_type3A_38 = arith.truncf %get3A_36 : vector<64x64xf32> to vector<64x64xbf16>
    %dot_general3A_39 = arith.constant dense<0.000000e+00> : vector<2560x64xf32>
    %dot_general3A_40 = tpu.matmul %convert_element_type3A_37, %convert_element_type3A_38, %dot_general3A_39 {dimension_numbers = #tpu.dot_dimension_numbers<[1], [1], [0], [0], [0, 0, 1, 0], [], []>, transpose_lhs_hint = false} : vector<2560x64xbf16>, vector<64x64xbf16>, vector<2560x64xf32> -> vector<2560x64xf32>
    %get3A_41 = arith.constant 0 : index
    %get3A_42 = arith.constant 0 : index
    %get3A_43 = vector.load %arg7[%get3A_41, %get3A_42] : memref<8x64xf32, #tpu.memory_space<vmem>>, vector<1x64xf32>
    %mul3A_44 = vector.broadcast %get3A_43 : vector<1x64xf32> to vector<2560x64xf32>
    %mul3A_45 = arith.mulf %dot_general3A_40, %mul3A_44 : vector<2560x64xf32>
    %get3A_46 = arith.constant 1 : index
    %get3A_47 = arith.constant 0 : index
    %get3A_48 = vector.load %arg7[%get3A_46, %get3A_47] : memref<8x64xf32, #tpu.memory_space<vmem>>, vector<1x64xf32>
    %add3A_49 = vector.broadcast %get3A_48 : vector<1x64xf32> to vector<2560x64xf32>
    %add3A_50 = arith.addf %mul3A_45, %add3A_49 : vector<2560x64xf32>
    %gt3A_51 = arith.constant 0.000000e+00 : f32
    %gt3A_52 = vector.broadcast %gt3A_51 : f32 to vector<2560x64xf32>
    %gt3A_53 = arith.cmpf ogt, %add3A_50, %gt3A_52 : vector<2560x64xf32>
    %mul3A_54 = arith.constant 2.000000e-01 : f32
    %mul3A_55 = vector.broadcast %mul3A_54 : f32 to vector<2560x64xf32>
    %mul3A_56 = arith.mulf %mul3A_55, %add3A_50 : vector<2560x64xf32>
    %select_n3A_57 = arith.select %gt3A_53, %add3A_50, %mul3A_56 : vector<2560x64xi1>, vector<2560x64xf32>
    %reshape3A_58 = vector.shape_cast %select_n3A_57 : vector<2560x64xf32> to vector<128x20x64xf32>
    %reduce_max3A = arith.constant dense<0xFF800000> : vector<128x64xf32>
    %reduce_max3A_59 = vector.multi_reduction <maximumf>, %reshape3A_58, %reduce_max3A [1] : vector<128x20x64xf32> to vector<128x64xf32>
    %concatenate3A_60 = tpu.concatenate %reduce_max3A_59, %reduce_max3A_59 in 1 : vector<128x64xf32>, vector<128x64xf32> -> vector<128x128xf32>
    %swap3A = arith.constant 0 : index
    %swap3A_61 = arith.constant 0 : index
    %swap3A_62 = arith.constant 0 : index
    %swap3A_63 = arith.constant 0 : index
    %swap3A_64 = vector.load %arg8[%swap3A, %swap3A_61, %swap3A_62, %swap3A_63] : memref<1x1x128x128xf32, #tpu.memory_space<vmem>>, vector<1x1x128x128xf32>
    %swap3A_65 = vector.shape_cast %swap3A_64 : vector<1x1x128x128xf32> to vector<128x128xf32>
    %swap3A_66 = vector.shape_cast %concatenate3A_60 : vector<128x128xf32> to vector<1x1x128x128xf32>
    tpu.vector_store %arg8[%swap3A, %swap3A_61, %swap3A_62, %swap3A_63], %swap3A_66 {strides = array<i32>} : memref<1x1x128x128xf32, #tpu.memory_space<vmem>>, vector<1x1x128x128xf32>,
    return
  }
  func.func @transform_0(%arg0: i32, %arg1: i32) -> (i32, i32, i32, i32) {
    %c0_i32 = arith.constant 0 : i32
    %c0_i32_0 = arith.constant 0 : i32
    %c0_i32_1 = arith.constant 0 : i32
    return %arg0, %arg1, %c0_i32, %c0_i32_0 : i32, i32, i32, i32
  }
  func.func @transform_1(%arg0: i32, %arg1: i32) -> (i32, i32, i32, i32) {
    %c0_i32 = arith.constant 0 : i32
    %c0_i32_0 = arith.constant 0 : i32
    %c0_i32_1 = arith.constant 0 : i32
    return %arg0, %arg1, %c0_i32, %c0_i32_0 : i32, i32, i32, i32
  }
  func.func @transform_2(%arg0: i32, %arg1: i32) -> (i32, i32) {
    %c0_i32 = arith.constant 0 : i32
    %c0_i32_0 = arith.constant 0 : i32
    %c0_i32_1 = arith.constant 0 : i32
    return %c0_i32, %c0_i32_0 : i32, i32
  }
  func.func @transform_3(%arg0: i32, %arg1: i32) -> (i32, i32) {
    %c0_i32 = arith.constant 0 : i32
    %c0_i32_0 = arith.constant 0 : i32
    %c0_i32_1 = arith.constant 0 : i32
    return %c0_i32, %c0_i32_0 : i32, i32
  }
  func.func @transform_4(%arg0: i32, %arg1: i32) -> (i32, i32) {
    %c0_i32 = arith.constant 0 : i32
    %c0_i32_0 = arith.constant 0 : i32
    %c0_i32_1 = arith.constant 0 : i32
    return %c0_i32, %c0_i32_0 : i32, i32
  }
  func.func @transform_5(%arg0: i32, %arg1: i32) -> (i32, i32) {
    %c0_i32 = arith.constant 0 : i32
    %c0_i32_0 = arith.constant 0 : i32
    %c0_i32_1 = arith.constant 0 : i32
    return %c0_i32, %c0_i32_0 : i32, i32
  }
  func.func @transform_6(%arg0: i32, %arg1: i32) -> (i32, i32, i32, i32) {
    %c0_i32 = arith.constant 0 : i32
    %c0_i32_0 = arith.constant 0 : i32
    %c0_i32_1 = arith.constant 0 : i32
    return %arg0, %arg1, %c0_i32, %c0_i32_0 : i32, i32, i32, i32
  }
}

module attributes {stable_mosaic.version = 14 : i64} {
  func.func @_knn_body(%arg0: i32, %arg1: i32, %arg2: memref<1x1024x128xf32, #tpu.memory_space<vmem>>, %arg3: memref<1x2048x128xf32, #tpu.memory_space<vmem>>, %arg4: memref<1x1024x20xi32, #tpu.memory_space<vmem>>, %arg5: memref<1024x2048xf32, #tpu.memory_space<vmem>>) attributes {dimension_semantics = [#tpu.dimension_semantics<arbitrary>, #tpu.dimension_semantics<arbitrary>], iteration_bounds = array<i64: 8, 2>, scalar_prefetch = 0 : i64, scratch_operands = 1 : i64, tpu.core_type = #tpu.core_type<tc>, window_params = [{transform_indices = @transform_0, window_bounds = array<i64: 1, 1024, 128>}, {transform_indices = @transform_1, window_bounds = array<i64: 1, 2048, 128>}, {transform_indices = @transform_2, window_bounds = array<i64: 1, 1024, 20>}]} {
    %get3A = arith.constant 0 : index
    %get3A_0 = arith.constant 0 : index
    %get3A_1 = arith.constant 0 : index
    %get3A_2 = vector.load %arg2[%get3A, %get3A_0, %get3A_1] : memref<1x1024x128xf32, #tpu.memory_space<vmem>>, vector<1x1024x128xf32>
    %get3A_3 = vector.shape_cast %get3A_2 : vector<1x1024x128xf32> to vector<1024x128xf32>
    %get3A_4 = arith.constant 0 : index
    %get3A_5 = arith.constant 0 : index
    %get3A_6 = arith.constant 0 : index
    %get3A_7 = vector.load %arg3[%get3A_4, %get3A_5, %get3A_6] : memref<1x2048x128xf32, #tpu.memory_space<vmem>>, vector<1x2048x128xf32>
    %get3A_8 = vector.shape_cast %get3A_7 : vector<1x2048x128xf32> to vector<2048x128xf32>
    %broadcast_in_dim3A = arith.constant 1.000000e+00 : f32
    %broadcast_in_dim3A_9 = vector.broadcast %broadcast_in_dim3A : f32 to vector<1x128xf32>
    %mul3A = arith.mulf %get3A_8, %get3A_8 : vector<2048x128xf32>
    %dot_general3A = arith.constant dense<0.000000e+00> : vector<1x2048xf32>
    %dot_general3A_10 = tpu.matmul %broadcast_in_dim3A_9, %mul3A, %dot_general3A {dimension_numbers = #tpu.dot_dimension_numbers<[1], [1], [0], [0], [0, 0, 1, 0], [], []>, precision = #tpu.contract_precision<fp32>, transpose_lhs_hint = false} : vector<1x128xf32>, vector<2048x128xf32>, vector<1x2048xf32> -> vector<1x2048xf32>
    %mul3A_11 = arith.mulf %get3A_3, %get3A_3 : vector<1024x128xf32>
    %reduce_sum3A = arith.constant dense<0.000000e+00> : vector<1024xf32>
    %reduce_sum3A_12 = vector.multi_reduction <add>, %mul3A_11, %reduce_sum3A [1] : vector<1024x128xf32> to vector<1024xf32>
    %broadcast_in_dim3A_13 = vector.shape_cast %reduce_sum3A_12 : vector<1024xf32> to vector<1024x1xf32>
    %convert_element_type3A = arith.truncf %get3A_3 : vector<1024x128xf32> to vector<1024x128xbf16>
    %convert_element_type3A_14 = arith.truncf %get3A_8 : vector<2048x128xf32> to vector<2048x128xbf16>
    %dot_general3A_15 = arith.constant dense<0.000000e+00> : vector<1024x2048xf32>
    %dot_general3A_16 = tpu.matmul %convert_element_type3A, %convert_element_type3A_14, %dot_general3A_15 {dimension_numbers = #tpu.dot_dimension_numbers<[1], [1], [0], [0], [0, 0, 1, 0], [], []>, transpose_lhs_hint = false} : vector<1024x128xbf16>, vector<2048x128xbf16>, vector<1024x2048xf32> -> vector<1024x2048xf32>
    %mul3A_17 = arith.constant 2.000000e+00 : f32
    %mul3A_18 = vector.broadcast %mul3A_17 : f32 to vector<1024x2048xf32>
    %mul3A_19 = arith.mulf %mul3A_18, %dot_general3A_16 : vector<1024x2048xf32>
    %sub3A = vector.broadcast %broadcast_in_dim3A_13 : vector<1024x1xf32> to vector<1024x2048xf32>
    %sub3A_20 = arith.subf %mul3A_19, %sub3A : vector<1024x2048xf32>
    %sub3A_21 = vector.broadcast %dot_general3A_10 : vector<1x2048xf32> to vector<1024x2048xf32>
    %sub3A_22 = arith.subf %sub3A_20, %sub3A_21 : vector<1024x2048xf32>
    %swap3A = arith.constant 0 : index
    %swap3A_23 = arith.constant 0 : index
    %swap3A_24 = vector.load %arg5[%swap3A, %swap3A_23] : memref<1024x2048xf32, #tpu.memory_space<vmem>>, vector<1024x2048xf32>
    tpu.vector_store %arg5[%swap3A, %swap3A_23], %sub3A_22 {strides = array<i32>} : memref<1024x2048xf32, #tpu.memory_space<vmem>>, vector<1024x2048xf32>,
    %iota3A = tpu.iota {dimensions = array<i32: 1>} : vector<1024x2048xi32>
    %iota3A_25 = tpu.iota {dimensions = array<i32: 1>} : vector<1024x20xi32>
    %scan3A = arith.constant 0 : i32
    %scan3A_26 = arith.constant 20 : i32
    %scan3A_27 = arith.addi %scan3A, %scan3A_26 : i32
    %scan3A_28 = arith.constant 2 : i32
    scf.for %scan3A_30 = %scan3A to %scan3A_27 step %scan3A_28  : i32 {
      %get3A_31 = arith.constant 0 : index
      %get3A_32 = arith.constant 0 : index
      %get3A_33 = vector.load %arg5[%get3A_31, %get3A_32] : memref<1024x2048xf32, #tpu.memory_space<vmem>>, vector<1024x2048xf32>
      %reduce_max3A = arith.constant dense<0xFF800000> : vector<1024xf32>
      %reduce_max3A_34 = vector.multi_reduction <maximumf>, %get3A_33, %reduce_max3A [1] : vector<1024x2048xf32> to vector<1024xf32>
      %broadcast_in_dim3A_35 = vector.shape_cast %reduce_max3A_34 : vector<1024xf32> to vector<1024x1xf32>
      %eq3A = vector.broadcast %broadcast_in_dim3A_35 : vector<1024x1xf32> to vector<1024x2048xf32>
      %eq3A_36 = arith.cmpf oeq, %get3A_33, %eq3A : vector<1024x2048xf32>
      %jit3A = arith.constant 2048 : i32
      %broadcast_in_dim3A_37 = vector.broadcast %jit3A : i32 to vector<1024x2048xi32>
      %select_n3A = arith.select %eq3A_36, %iota3A, %broadcast_in_dim3A_37 : vector<1024x2048xi1>, vector<1024x2048xi32>
      %reduce_min3A = arith.constant dense<2147483647> : vector<1024xi32>
      %reduce_min3A_38 = vector.multi_reduction <minsi>, %select_n3A, %reduce_min3A [1] : vector<1024x2048xi32> to vector<1024xi32>
      %broadcast_in_dim3A_39 = vector.shape_cast %reduce_min3A_38 : vector<1024xi32> to vector<1024x1xi32>
      %eq3A_40 = vector.broadcast %scan3A_30 : i32 to vector<1024x20xi32>
      %eq3A_41 = arith.cmpi eq, %iota3A_25, %eq3A_40 : vector<1024x20xi32>
      %mul3A_42 = arith.constant 2048 : i32
      %mul3A_43 = arith.muli %arg0, %mul3A_42 : i32
      %add3A = vector.broadcast %mul3A_43 : i32 to vector<1024x1xi32>
      %add3A_44 = arith.addi %broadcast_in_dim3A_39, %add3A : vector<1024x1xi32>
      %broadcast_in_dim3A_45 = vector.shape_cast %add3A_44 : vector<1024x1xi32> to vector<1024x1xi32>
      %broadcast_in_dim3A_46 = vector.broadcast %broadcast_in_dim3A_45 : vector<1024x1xi32> to vector<1024x20xi32>
      %get3A_47 = arith.constant 0 : index
      %get3A_48 = arith.constant 0 : index
      %get3A_49 = arith.constant 0 : index
      %get3A_50 = vector.load %arg4[%get3A_47, %get3A_48, %get3A_49] : memref<1x1024x20xi32, #tpu.memory_space<vmem>>, vector<1x1024x20xi32>
      %get3A_51 = vector.shape_cast %get3A_50 : vector<1x1024x20xi32> to vector<1024x20xi32>
      %select_n3A_52 = arith.select %eq3A_41, %broadcast_in_dim3A_46, %get3A_51 : vector<1024x20xi1>, vector<1024x20xi32>
      %swap3A_53 = arith.constant 0 : index
      %swap3A_54 = arith.constant 0 : index
      %swap3A_55 = arith.constant 0 : index
      %swap3A_56 = vector.load %arg4[%swap3A_53, %swap3A_54, %swap3A_55] : memref<1x1024x20xi32, #tpu.memory_space<vmem>>, vector<1x1024x20xi32>
      %swap3A_57 = vector.shape_cast %swap3A_56 : vector<1x1024x20xi32> to vector<1024x20xi32>
      %swap3A_58 = vector.shape_cast %select_n3A_52 : vector<1024x20xi32> to vector<1x1024x20xi32>
      tpu.vector_store %arg4[%swap3A_53, %swap3A_54, %swap3A_55], %swap3A_58 {strides = array<i32>} : memref<1x1024x20xi32, #tpu.memory_space<vmem>>, vector<1x1024x20xi32>,
      %eq3A_59 = vector.broadcast %broadcast_in_dim3A_39 : vector<1024x1xi32> to vector<1024x2048xi32>
      %eq3A_60 = arith.cmpi eq, %iota3A, %eq3A_59 : vector<1024x2048xi32>
      %jit3A_61 = arith.constant 0xFF800000 : f32
      %broadcast_in_dim3A_62 = vector.broadcast %jit3A_61 : f32 to vector<1024x2048xf32>
      %select_n3A_63 = arith.select %eq3A_60, %broadcast_in_dim3A_62, %get3A_33 : vector<1024x2048xi1>, vector<1024x2048xf32>
      %swap3A_64 = arith.constant 0 : index
      %swap3A_65 = arith.constant 0 : index
      %swap3A_66 = vector.load %arg5[%swap3A_64, %swap3A_65] : memref<1024x2048xf32, #tpu.memory_space<vmem>>, vector<1024x2048xf32>
      tpu.vector_store %arg5[%swap3A_64, %swap3A_65], %select_n3A_63 {strides = array<i32>} : memref<1024x2048xf32, #tpu.memory_space<vmem>>, vector<1024x2048xf32>,
      %scan3A_67 = arith.constant 1 : i32
      %scan3A_68 = arith.addi %scan3A_30, %scan3A_67 : i32
      %get3A_69 = arith.constant 0 : index
      %get3A_70 = arith.constant 0 : index
      %get3A_71 = vector.load %arg5[%get3A_69, %get3A_70] : memref<1024x2048xf32, #tpu.memory_space<vmem>>, vector<1024x2048xf32>
      %reduce_max3A_72 = arith.constant dense<0xFF800000> : vector<1024xf32>
      %reduce_max3A_73 = vector.multi_reduction <maximumf>, %get3A_71, %reduce_max3A_72 [1] : vector<1024x2048xf32> to vector<1024xf32>
      %broadcast_in_dim3A_74 = vector.shape_cast %reduce_max3A_73 : vector<1024xf32> to vector<1024x1xf32>
      %eq3A_75 = vector.broadcast %broadcast_in_dim3A_74 : vector<1024x1xf32> to vector<1024x2048xf32>
      %eq3A_76 = arith.cmpf oeq, %get3A_71, %eq3A_75 : vector<1024x2048xf32>
      %jit3A_77 = arith.constant 2048 : i32
      %broadcast_in_dim3A_78 = vector.broadcast %jit3A_77 : i32 to vector<1024x2048xi32>
      %select_n3A_79 = arith.select %eq3A_76, %iota3A, %broadcast_in_dim3A_78 : vector<1024x2048xi1>, vector<1024x2048xi32>
      %reduce_min3A_80 = arith.constant dense<2147483647> : vector<1024xi32>
      %reduce_min3A_81 = vector.multi_reduction <minsi>, %select_n3A_79, %reduce_min3A_80 [1] : vector<1024x2048xi32> to vector<1024xi32>
      %broadcast_in_dim3A_82 = vector.shape_cast %reduce_min3A_81 : vector<1024xi32> to vector<1024x1xi32>
      %eq3A_83 = vector.broadcast %scan3A_68 : i32 to vector<1024x20xi32>
      %eq3A_84 = arith.cmpi eq, %iota3A_25, %eq3A_83 : vector<1024x20xi32>
      %mul3A_85 = arith.constant 2048 : i32
      %mul3A_86 = arith.muli %arg0, %mul3A_85 : i32
      %add3A_87 = vector.broadcast %mul3A_86 : i32 to vector<1024x1xi32>
      %add3A_88 = arith.addi %broadcast_in_dim3A_82, %add3A_87 : vector<1024x1xi32>
      %broadcast_in_dim3A_89 = vector.shape_cast %add3A_88 : vector<1024x1xi32> to vector<1024x1xi32>
      %broadcast_in_dim3A_90 = vector.broadcast %broadcast_in_dim3A_89 : vector<1024x1xi32> to vector<1024x20xi32>
      %get3A_91 = arith.constant 0 : index
      %get3A_92 = arith.constant 0 : index
      %get3A_93 = arith.constant 0 : index
      %get3A_94 = vector.load %arg4[%get3A_91, %get3A_92, %get3A_93] : memref<1x1024x20xi32, #tpu.memory_space<vmem>>, vector<1x1024x20xi32>
      %get3A_95 = vector.shape_cast %get3A_94 : vector<1x1024x20xi32> to vector<1024x20xi32>
      %select_n3A_96 = arith.select %eq3A_84, %broadcast_in_dim3A_90, %get3A_95 : vector<1024x20xi1>, vector<1024x20xi32>
      %swap3A_97 = arith.constant 0 : index
      %swap3A_98 = arith.constant 0 : index
      %swap3A_99 = arith.constant 0 : index
      %swap3A_100 = vector.load %arg4[%swap3A_97, %swap3A_98, %swap3A_99] : memref<1x1024x20xi32, #tpu.memory_space<vmem>>, vector<1x1024x20xi32>
      %swap3A_101 = vector.shape_cast %swap3A_100 : vector<1x1024x20xi32> to vector<1024x20xi32>
      %swap3A_102 = vector.shape_cast %select_n3A_96 : vector<1024x20xi32> to vector<1x1024x20xi32>
      tpu.vector_store %arg4[%swap3A_97, %swap3A_98, %swap3A_99], %swap3A_102 {strides = array<i32>} : memref<1x1024x20xi32, #tpu.memory_space<vmem>>, vector<1x1024x20xi32>,
      %eq3A_103 = vector.broadcast %broadcast_in_dim3A_82 : vector<1024x1xi32> to vector<1024x2048xi32>
      %eq3A_104 = arith.cmpi eq, %iota3A, %eq3A_103 : vector<1024x2048xi32>
      %jit3A_105 = arith.constant 0xFF800000 : f32
      %broadcast_in_dim3A_106 = vector.broadcast %jit3A_105 : f32 to vector<1024x2048xf32>
      %select_n3A_107 = arith.select %eq3A_104, %broadcast_in_dim3A_106, %get3A_71 : vector<1024x2048xi1>, vector<1024x2048xf32>
      %swap3A_108 = arith.constant 0 : index
      %swap3A_109 = arith.constant 0 : index
      %swap3A_110 = vector.load %arg5[%swap3A_108, %swap3A_109] : memref<1024x2048xf32, #tpu.memory_space<vmem>>, vector<1024x2048xf32>
      tpu.vector_store %arg5[%swap3A_108, %swap3A_109], %select_n3A_107 {strides = array<i32>} : memref<1024x2048xf32, #tpu.memory_space<vmem>>, vector<1024x2048xf32>,
    }
    %scan3A_29 = arith.constant 20 : i32
    return
  }
  func.func @transform_0(%arg0: i32, %arg1: i32) -> (i32, i32, i32) {
    %c0_i32 = arith.constant 0 : i32
    %c0_i32_0 = arith.constant 0 : i32
    return %arg0, %arg1, %c0_i32 : i32, i32, i32
  }
  func.func @transform_1(%arg0: i32, %arg1: i32) -> (i32, i32, i32) {
    %c0_i32 = arith.constant 0 : i32
    %c0_i32_0 = arith.constant 0 : i32
    %c0_i32_1 = arith.constant 0 : i32
    return %arg0, %c0_i32, %c0_i32_0 : i32, i32, i32
  }
  func.func @transform_2(%arg0: i32, %arg1: i32) -> (i32, i32, i32) {
    %c0_i32 = arith.constant 0 : i32
    %c0_i32_0 = arith.constant 0 : i32
    return %arg0, %arg1, %c0_i32 : i32, i32, i32
  }
}

module attributes {stable_mosaic.version = 14 : i64} {
  func.func @_lin_stats_body(%arg0: i32, %arg1: memref<1x2048x128xf32, #tpu.memory_space<vmem>>, %arg2: memref<1024x128xf32, #tpu.memory_space<vmem>>, %arg3: memref<8x1024xf32, #tpu.memory_space<vmem>>) attributes {dimension_semantics = [#tpu.dimension_semantics<arbitrary>], iteration_bounds = array<i64: 8>, scalar_prefetch = 0 : i64, scratch_operands = 0 : i64, tpu.core_type = #tpu.core_type<tc>, window_params = [{transform_indices = @transform_0, window_bounds = array<i64: 1, 2048, 128>}, {pipeline_mode = #tpu.pipeline_mode<synchronous>, transform_indices = @transform_1, window_bounds = array<i64: 1024, 128>}, {pipeline_mode = #tpu.pipeline_mode<synchronous>, transform_indices = @transform_2, window_bounds = array<i64: 8, 1024>}]} {
    %eq3A = arith.constant 0 : i32
    %eq3A_0 = arith.cmpi eq, %arg0, %eq3A : i32
    %convert_element_type3A = arith.extui %eq3A_0 : i1 to i32
    %cond3A = arith.constant 0 : i32
    %cond3A_1 = arith.cmpi ne, %convert_element_type3A, %cond3A : i32
    scf.if %cond3A_1 {
      %broadcast_in_dim3A_36 = arith.constant 0.000000e+00 : f32
      %broadcast_in_dim3A_37 = vector.broadcast %broadcast_in_dim3A_36 : f32 to vector<8x1024xf32>
      %swap3A_38 = arith.constant 0 : index
      %swap3A_39 = arith.constant 0 : index
      %swap3A_40 = vector.load %arg3[%swap3A_38, %swap3A_39] : memref<8x1024xf32, #tpu.memory_space<vmem>>, vector<8x1024xf32>
      tpu.vector_store %arg3[%swap3A_38, %swap3A_39], %broadcast_in_dim3A_37 {strides = array<i32>} : memref<8x1024xf32, #tpu.memory_space<vmem>>, vector<8x1024xf32>,
    } else {
    }
    %get3A = arith.constant 0 : index
    %get3A_2 = arith.constant 0 : index
    %get3A_3 = arith.constant 0 : index
    %get3A_4 = vector.load %arg1[%get3A, %get3A_2, %get3A_3] : memref<1x2048x128xf32, #tpu.memory_space<vmem>>, vector<1x2048x128xf32>
    %get3A_5 = vector.shape_cast %get3A_4 : vector<1x2048x128xf32> to vector<2048x128xf32>
    %get3A_6 = arith.constant 0 : index
    %get3A_7 = arith.constant 0 : index
    %get3A_8 = vector.load %arg2[%get3A_6, %get3A_7] : memref<1024x128xf32, #tpu.memory_space<vmem>>, vector<1024x128xf32>
    %convert_element_type3A_9 = arith.truncf %get3A_5 : vector<2048x128xf32> to vector<2048x128xbf16>
    %convert_element_type3A_10 = arith.truncf %get3A_8 : vector<1024x128xf32> to vector<1024x128xbf16>
    %dot_general3A = arith.constant dense<0.000000e+00> : vector<2048x1024xf32>
    %dot_general3A_11 = tpu.matmul %convert_element_type3A_9, %convert_element_type3A_10, %dot_general3A {dimension_numbers = #tpu.dot_dimension_numbers<[1], [1], [0], [0], [0, 0, 1, 0], [], []>, transpose_lhs_hint = false} : vector<2048x128xbf16>, vector<1024x128xbf16>, vector<2048x1024xf32> -> vector<2048x1024xf32>
    %reduce_sum3A = arith.constant dense<0.000000e+00> : vector<1024xf32>
    %reduce_sum3A_12 = vector.multi_reduction <add>, %dot_general3A_11, %reduce_sum3A [0] : vector<2048x1024xf32> to vector<1024xf32>
    %broadcast_in_dim3A = vector.shape_cast %reduce_sum3A_12 : vector<1024xf32> to vector<1x1024xf32>
    %mul3A = arith.mulf %dot_general3A_11, %dot_general3A_11 : vector<2048x1024xf32>
    %reduce_sum3A_13 = arith.constant dense<0.000000e+00> : vector<1024xf32>
    %reduce_sum3A_14 = vector.multi_reduction <add>, %mul3A, %reduce_sum3A_13 [0] : vector<2048x1024xf32> to vector<1024xf32>
    %broadcast_in_dim3A_15 = vector.shape_cast %reduce_sum3A_14 : vector<1024xf32> to vector<1x1024xf32>
    %iota3A = tpu.iota {dimensions = array<i32: 0>} : vector<8x1024xi32>
    %eq3A_16 = arith.constant 0 : i32
    %eq3A_17 = vector.broadcast %eq3A_16 : i32 to vector<8x1024xi32>
    %eq3A_18 = arith.cmpi eq, %iota3A, %eq3A_17 : vector<8x1024xi32>
    %broadcast_in_dim3A_19 = vector.shape_cast %broadcast_in_dim3A : vector<1x1024xf32> to vector<1x1024xf32>
    %broadcast_in_dim3A_20 = vector.broadcast %broadcast_in_dim3A_19 : vector<1x1024xf32> to vector<8x1024xf32>
    %jit3A = arith.constant 0.000000e+00 : f32
    %broadcast_in_dim3A_21 = vector.broadcast %jit3A : f32 to vector<8x1024xf32>
    %select_n3A = arith.select %eq3A_18, %broadcast_in_dim3A_20, %broadcast_in_dim3A_21 : vector<8x1024xi1>, vector<8x1024xf32>
    %eq3A_22 = arith.constant 1 : i32
    %eq3A_23 = vector.broadcast %eq3A_22 : i32 to vector<8x1024xi32>
    %eq3A_24 = arith.cmpi eq, %iota3A, %eq3A_23 : vector<8x1024xi32>
    %broadcast_in_dim3A_25 = vector.shape_cast %broadcast_in_dim3A_15 : vector<1x1024xf32> to vector<1x1024xf32>
    %broadcast_in_dim3A_26 = vector.broadcast %broadcast_in_dim3A_25 : vector<1x1024xf32> to vector<8x1024xf32>
    %jit3A_27 = arith.constant 0.000000e+00 : f32
    %broadcast_in_dim3A_28 = vector.broadcast %jit3A_27 : f32 to vector<8x1024xf32>
    %select_n3A_29 = arith.select %eq3A_24, %broadcast_in_dim3A_26, %broadcast_in_dim3A_28 : vector<8x1024xi1>, vector<8x1024xf32>
    %add3A = arith.addf %select_n3A, %select_n3A_29 : vector<8x1024xf32>
    %get3A_30 = arith.constant 0 : index
    %get3A_31 = arith.constant 0 : index
    %get3A_32 = vector.load %arg3[%get3A_30, %get3A_31] : memref<8x1024xf32, #tpu.memory_space<vmem>>, vector<8x1024xf32>
    %add3A_33 = arith.addf %get3A_32, %add3A : vector<8x1024xf32>
    %swap3A = arith.constant 0 : index
    %swap3A_34 = arith.constant 0 : index
    %swap3A_35 = vector.load %arg3[%swap3A, %swap3A_34] : memref<8x1024xf32, #tpu.memory_space<vmem>>, vector<8x1024xf32>
    tpu.vector_store %arg3[%swap3A, %swap3A_34], %add3A_33 {strides = array<i32>} : memref<8x1024xf32, #tpu.memory_space<vmem>>, vector<8x1024xf32>,
    return
  }
  func.func @transform_0(%arg0: i32) -> (i32, i32, i32) {
    %c0_i32 = arith.constant 0 : i32
    %c0_i32_0 = arith.constant 0 : i32
    %c0_i32_1 = arith.constant 0 : i32
    return %arg0, %c0_i32, %c0_i32_0 : i32, i32, i32
  }
  func.func @transform_1(%arg0: i32) -> (i32, i32) {
    %c0_i32 = arith.constant 0 : i32
    %c0_i32_0 = arith.constant 0 : i32
    %c0_i32_1 = arith.constant 0 : i32
    return %c0_i32, %c0_i32_0 : i32, i32
  }
  func.func @transform_2(%arg0: i32) -> (i32, i32) {
    %c0_i32 = arith.constant 0 : i32
    %c0_i32_0 = arith.constant 0 : i32
    %c0_i32_1 = arith.constant 0 : i32
    return %c0_i32, %c0_i32_0 : i32, i32
  }
}

module attributes {stable_mosaic.version = 14 : i64} {
  func.func @_ec_stats1_body(%arg0: i32, %arg1: i32, %arg2: memref<1x1x2560x128xf32, #tpu.memory_space<vmem>>, %arg3: memref<1x1x128x128xf32, #tpu.memory_space<vmem>>, %arg4: memref<128x256xf32, #tpu.memory_space<vmem>>, %arg5: memref<8x128xf32, #tpu.memory_space<vmem>>) attributes {dimension_semantics = [#tpu.dimension_semantics<arbitrary>, #tpu.dimension_semantics<arbitrary>], iteration_bounds = array<i64: 8, 16>, scalar_prefetch = 0 : i64, scratch_operands = 0 : i64, tpu.core_type = #tpu.core_type<tc>, window_params = [{transform_indices = @transform_0, window_bounds = array<i64: 1, 1, 2560, 128>}, {transform_indices = @transform_1, window_bounds = array<i64: 1, 1, 128, 128>}, {pipeline_mode = #tpu.pipeline_mode<synchronous>, transform_indices = @transform_2, window_bounds = array<i64: 128, 256>}, {pipeline_mode = #tpu.pipeline_mode<synchronous>, transform_indices = @transform_3, window_bounds = array<i64: 8, 128>}]} {
    %eq3A = arith.constant 0 : i32
    %eq3A_0 = arith.cmpi eq, %arg0, %eq3A : i32
    %eq3A_1 = arith.constant 0 : i32
    %eq3A_2 = arith.cmpi eq, %arg1, %eq3A_1 : i32
    %and3A = arith.andi %eq3A_0, %eq3A_2 : i1
    %convert_element_type3A = arith.extui %and3A : i1 to i32
    %cond3A = arith.constant 0 : i32
    %cond3A_3 = arith.cmpi ne, %convert_element_type3A, %cond3A : i32
    scf.if %cond3A_3 {
      %broadcast_in_dim3A_49 = arith.constant 0.000000e+00 : f32
      %broadcast_in_dim3A_50 = vector.broadcast %broadcast_in_dim3A_49 : f32 to vector<8x128xf32>
      %swap3A_51 = arith.constant 0 : index
      %swap3A_52 = arith.constant 0 : index
      %swap3A_53 = vector.load %arg5[%swap3A_51, %swap3A_52] : memref<8x128xf32, #tpu.memory_space<vmem>>, vector<8x128xf32>
      tpu.vector_store %arg5[%swap3A_51, %swap3A_52], %broadcast_in_dim3A_50 {strides = array<i32>} : memref<8x128xf32, #tpu.memory_space<vmem>>, vector<8x128xf32>,
    } else {
    }
    %get3A = arith.constant 0 : index
    %get3A_4 = arith.constant 0 : index
    %get3A_5 = arith.constant 0 : index
    %get3A_6 = arith.constant 0 : index
    %get3A_7 = vector.load %arg2[%get3A, %get3A_4, %get3A_5, %get3A_6] : memref<1x1x2560x128xf32, #tpu.memory_space<vmem>>, vector<1x1x2560x128xf32>
    %get3A_8 = vector.shape_cast %get3A_7 : vector<1x1x2560x128xf32> to vector<2560x128xf32>
    %get3A_9 = arith.constant 0 : index
    %get3A_10 = arith.constant 0 : index
    %get3A_11 = arith.constant 0 : index
    %get3A_12 = arith.constant 0 : index
    %get3A_13 = vector.load %arg3[%get3A_9, %get3A_10, %get3A_11, %get3A_12] : memref<1x1x128x128xf32, #tpu.memory_space<vmem>>, vector<1x1x128x128xf32>
    %get3A_14 = vector.shape_cast %get3A_13 : vector<1x1x128x128xf32> to vector<128x128xf32>
    %broadcast_in_dim3A = vector.shape_cast %get3A_14 : vector<128x128xf32> to vector<128x1x128xf32>
    %broadcast_in_dim3A_15 = vector.shape_cast %broadcast_in_dim3A : vector<128x1x128xf32> to vector<128x1x128xf32>
    %broadcast_in_dim3A_16 = vector.broadcast %broadcast_in_dim3A_15 : vector<128x1x128xf32> to vector<128x20x128xf32>
    %reshape3A = vector.shape_cast %broadcast_in_dim3A_16 : vector<128x20x128xf32> to vector<2560x128xf32>
    %sub3A = arith.subf %get3A_8, %reshape3A : vector<2560x128xf32>
    %convert_element_type3A_17 = arith.truncf %sub3A : vector<2560x128xf32> to vector<2560x128xbf16>
    %convert_element_type3A_18 = arith.truncf %reshape3A : vector<2560x128xf32> to vector<2560x128xbf16>
    %concatenate3A = tpu.concatenate %convert_element_type3A_17, %convert_element_type3A_18 in 1 : vector<2560x128xbf16>, vector<2560x128xbf16> -> vector<2560x256xbf16>
    %get3A_19 = arith.constant 0 : index
    %get3A_20 = arith.constant 0 : index
    %get3A_21 = vector.load %arg4[%get3A_19, %get3A_20] : memref<128x256xf32, #tpu.memory_space<vmem>>, vector<128x256xf32>
    %convert_element_type3A_22 = arith.truncf %get3A_21 : vector<128x256xf32> to vector<128x256xbf16>
    %dot_general3A = arith.constant dense<0.000000e+00> : vector<2560x128xf32>
    %dot_general3A_23 = tpu.matmul %concatenate3A, %convert_element_type3A_22, %dot_general3A {dimension_numbers = #tpu.dot_dimension_numbers<[1], [1], [0], [0], [0, 0, 1, 0], [], []>, transpose_lhs_hint = false} : vector<2560x256xbf16>, vector<128x256xbf16>, vector<2560x128xf32> -> vector<2560x128xf32>
    %reduce_sum3A = arith.constant dense<0.000000e+00> : vector<128xf32>
    %reduce_sum3A_24 = vector.multi_reduction <add>, %dot_general3A_23, %reduce_sum3A [0] : vector<2560x128xf32> to vector<128xf32>
    %broadcast_in_dim3A_25 = vector.shape_cast %reduce_sum3A_24 : vector<128xf32> to vector<1x128xf32>
    %mul3A = arith.mulf %dot_general3A_23, %dot_general3A_23 : vector<2560x128xf32>
    %reduce_sum3A_26 = arith.constant dense<0.000000e+00> : vector<128xf32>
    %reduce_sum3A_27 = vector.multi_reduction <add>, %mul3A, %reduce_sum3A_26 [0] : vector<2560x128xf32> to vector<128xf32>
    %broadcast_in_dim3A_28 = vector.shape_cast %reduce_sum3A_27 : vector<128xf32> to vector<1x128xf32>
    %iota3A = tpu.iota {dimensions = array<i32: 0>} : vector<8x128xi32>
    %eq3A_29 = arith.constant 0 : i32
    %eq3A_30 = vector.broadcast %eq3A_29 : i32 to vector<8x128xi32>
    %eq3A_31 = arith.cmpi eq, %iota3A, %eq3A_30 : vector<8x128xi32>
    %broadcast_in_dim3A_32 = vector.shape_cast %broadcast_in_dim3A_25 : vector<1x128xf32> to vector<1x128xf32>
    %broadcast_in_dim3A_33 = vector.broadcast %broadcast_in_dim3A_32 : vector<1x128xf32> to vector<8x128xf32>
    %jit3A = arith.constant 0.000000e+00 : f32
    %broadcast_in_dim3A_34 = vector.broadcast %jit3A : f32 to vector<8x128xf32>
    %select_n3A = arith.select %eq3A_31, %broadcast_in_dim3A_33, %broadcast_in_dim3A_34 : vector<8x128xi1>, vector<8x128xf32>
    %eq3A_35 = arith.constant 1 : i32
    %eq3A_36 = vector.broadcast %eq3A_35 : i32 to vector<8x128xi32>
    %eq3A_37 = arith.cmpi eq, %iota3A, %eq3A_36 : vector<8x128xi32>
    %broadcast_in_dim3A_38 = vector.shape_cast %broadcast_in_dim3A_28 : vector<1x128xf32> to vector<1x128xf32>
    %broadcast_in_dim3A_39 = vector.broadcast %broadcast_in_dim3A_38 : vector<1x128xf32> to vector<8x128xf32>
    %jit3A_40 = arith.constant 0.000000e+00 : f32
    %broadcast_in_dim3A_41 = vector.broadcast %jit3A_40 : f32 to vector<8x128xf32>
    %select_n3A_42 = arith.select %eq3A_37, %broadcast_in_dim3A_39, %broadcast_in_dim3A_41 : vector<8x128xi1>, vector<8x128xf32>
    %add3A = arith.addf %select_n3A, %select_n3A_42 : vector<8x128xf32>
    %get3A_43 = arith.constant 0 : index
    %get3A_44 = arith.constant 0 : index
    %get3A_45 = vector.load %arg5[%get3A_43, %get3A_44] : memref<8x128xf32, #tpu.memory_space<vmem>>, vector<8x128xf32>
    %add3A_46 = arith.addf %get3A_45, %add3A : vector<8x128xf32>
    %swap3A = arith.constant 0 : index
    %swap3A_47 = arith.constant 0 : index
    %swap3A_48 = vector.load %arg5[%swap3A, %swap3A_47] : memref<8x128xf32, #tpu.memory_space<vmem>>, vector<8x128xf32>
    tpu.vector_store %arg5[%swap3A, %swap3A_47], %add3A_46 {strides = array<i32>} : memref<8x128xf32, #tpu.memory_space<vmem>>, vector<8x128xf32>,
    return
  }
  func.func @transform_0(%arg0: i32, %arg1: i32) -> (i32, i32, i32, i32) {
    %c0_i32 = arith.constant 0 : i32
    %c0_i32_0 = arith.constant 0 : i32
    %c0_i32_1 = arith.constant 0 : i32
    return %arg0, %arg1, %c0_i32, %c0_i32_0 : i32, i32, i32, i32
  }
  func.func @transform_1(%arg0: i32, %arg1: i32) -> (i32, i32, i32, i32) {
    %c0_i32 = arith.constant 0 : i32
    %c0_i32_0 = arith.constant 0 : i32
    %c0_i32_1 = arith.constant 0 : i32
    return %arg0, %arg1, %c0_i32, %c0_i32_0 : i32, i32, i32, i32
  }
  func.func @transform_2(%arg0: i32, %arg1: i32) -> (i32, i32) {
    %c0_i32 = arith.constant 0 : i32
    %c0_i32_0 = arith.constant 0 : i32
    %c0_i32_1 = arith.constant 0 : i32
    return %c0_i32, %c0_i32_0 : i32, i32
  }
  func.func @transform_3(%arg0: i32, %arg1: i32) -> (i32, i32) {
    %c0_i32 = arith.constant 0 : i32
    %c0_i32_0 = arith.constant 0 : i32
    %c0_i32_1 = arith.constant 0 : i32
    return %c0_i32, %c0_i32_0 : i32, i32
  }
}

module attributes {stable_mosaic.version = 14 : i64} {
  func.func @_ec_stats2_body(%arg0: i32, %arg1: i32, %arg2: memref<1x1x2560x128xf32, #tpu.memory_space<vmem>>, %arg3: memref<1x1x128x128xf32, #tpu.memory_space<vmem>>, %arg4: memref<128x256xf32, #tpu.memory_space<vmem>>, %arg5: memref<8x128xf32, #tpu.memory_space<vmem>>, %arg6: memref<128x128xf32, #tpu.memory_space<vmem>>, %arg7: memref<8x128xf32, #tpu.memory_space<vmem>>) attributes {dimension_semantics = [#tpu.dimension_semantics<arbitrary>, #tpu.dimension_semantics<arbitrary>], iteration_bounds = array<i64: 8, 16>, scalar_prefetch = 0 : i64, scratch_operands = 0 : i64, tpu.core_type = #tpu.core_type<tc>, window_params = [{transform_indices = @transform_0, window_bounds = array<i64: 1, 1, 2560, 128>}, {transform_indices = @transform_1, window_bounds = array<i64: 1, 1, 128, 128>}, {pipeline_mode = #tpu.pipeline_mode<synchronous>, transform_indices = @transform_2, window_bounds = array<i64: 128, 256>}, {pipeline_mode = #tpu.pipeline_mode<synchronous>, transform_indices = @transform_3, window_bounds = array<i64: 8, 128>}, {pipeline_mode = #tpu.pipeline_mode<synchronous>, transform_indices = @transform_4, window_bounds = array<i64: 128, 128>}, {pipeline_mode = #tpu.pipeline_mode<synchronous>, transform_indices = @transform_5, window_bounds = array<i64: 8, 128>}]} {
    %eq3A = arith.constant 0 : i32
    %eq3A_0 = arith.cmpi eq, %arg0, %eq3A : i32
    %eq3A_1 = arith.constant 0 : i32
    %eq3A_2 = arith.cmpi eq, %arg1, %eq3A_1 : i32
    %and3A = arith.andi %eq3A_0, %eq3A_2 : i1
    %convert_element_type3A = arith.extui %and3A : i1 to i32
    %cond3A = arith.constant 0 : i32
    %cond3A_3 = arith.cmpi ne, %convert_element_type3A, %cond3A : i32
    scf.if %cond3A_3 {
      %broadcast_in_dim3A_72 = arith.constant 0.000000e+00 : f32
      %broadcast_in_dim3A_73 = vector.broadcast %broadcast_in_dim3A_72 : f32 to vector<8x128xf32>
      %swap3A_74 = arith.constant 0 : index
      %swap3A_75 = arith.constant 0 : index
      %swap3A_76 = vector.load %arg7[%swap3A_74, %swap3A_75] : memref<8x128xf32, #tpu.memory_space<vmem>>, vector<8x128xf32>
      tpu.vector_store %arg7[%swap3A_74, %swap3A_75], %broadcast_in_dim3A_73 {strides = array<i32>} : memref<8x128xf32, #tpu.memory_space<vmem>>, vector<8x128xf32>,
    } else {
    }
    %get3A = arith.constant 0 : index
    %get3A_4 = arith.constant 0 : index
    %get3A_5 = arith.constant 0 : index
    %get3A_6 = arith.constant 0 : index
    %get3A_7 = vector.load %arg2[%get3A, %get3A_4, %get3A_5, %get3A_6] : memref<1x1x2560x128xf32, #tpu.memory_space<vmem>>, vector<1x1x2560x128xf32>
    %get3A_8 = vector.shape_cast %get3A_7 : vector<1x1x2560x128xf32> to vector<2560x128xf32>
    %get3A_9 = arith.constant 0 : index
    %get3A_10 = arith.constant 0 : index
    %get3A_11 = arith.constant 0 : index
    %get3A_12 = arith.constant 0 : index
    %get3A_13 = vector.load %arg3[%get3A_9, %get3A_10, %get3A_11, %get3A_12] : memref<1x1x128x128xf32, #tpu.memory_space<vmem>>, vector<1x1x128x128xf32>
    %get3A_14 = vector.shape_cast %get3A_13 : vector<1x1x128x128xf32> to vector<128x128xf32>
    %broadcast_in_dim3A = vector.shape_cast %get3A_14 : vector<128x128xf32> to vector<128x1x128xf32>
    %broadcast_in_dim3A_15 = vector.shape_cast %broadcast_in_dim3A : vector<128x1x128xf32> to vector<128x1x128xf32>
    %broadcast_in_dim3A_16 = vector.broadcast %broadcast_in_dim3A_15 : vector<128x1x128xf32> to vector<128x20x128xf32>
    %reshape3A = vector.shape_cast %broadcast_in_dim3A_16 : vector<128x20x128xf32> to vector<2560x128xf32>
    %sub3A = arith.subf %get3A_8, %reshape3A : vector<2560x128xf32>
    %convert_element_type3A_17 = arith.truncf %sub3A : vector<2560x128xf32> to vector<2560x128xbf16>
    %convert_element_type3A_18 = arith.truncf %reshape3A : vector<2560x128xf32> to vector<2560x128xbf16>
    %concatenate3A = tpu.concatenate %convert_element_type3A_17, %convert_element_type3A_18 in 1 : vector<2560x128xbf16>, vector<2560x128xbf16> -> vector<2560x256xbf16>
    %get3A_19 = arith.constant 0 : index
    %get3A_20 = arith.constant 0 : index
    %get3A_21 = vector.load %arg4[%get3A_19, %get3A_20] : memref<128x256xf32, #tpu.memory_space<vmem>>, vector<128x256xf32>
    %convert_element_type3A_22 = arith.truncf %get3A_21 : vector<128x256xf32> to vector<128x256xbf16>
    %dot_general3A = arith.constant dense<0.000000e+00> : vector<2560x128xf32>
    %dot_general3A_23 = tpu.matmul %concatenate3A, %convert_element_type3A_22, %dot_general3A {dimension_numbers = #tpu.dot_dimension_numbers<[1], [1], [0], [0], [0, 0, 1, 0], [], []>, transpose_lhs_hint = false} : vector<2560x256xbf16>, vector<128x256xbf16>, vector<2560x128xf32> -> vector<2560x128xf32>
    %get3A_24 = arith.constant 0 : index
    %get3A_25 = arith.constant 0 : index
    %get3A_26 = vector.load %arg5[%get3A_24, %get3A_25] : memref<8x128xf32, #tpu.memory_space<vmem>>, vector<1x128xf32>
    %mul3A = vector.broadcast %get3A_26 : vector<1x128xf32> to vector<2560x128xf32>
    %mul3A_27 = arith.mulf %dot_general3A_23, %mul3A : vector<2560x128xf32>
    %get3A_28 = arith.constant 1 : index
    %get3A_29 = arith.constant 0 : index
    %get3A_30 = vector.load %arg5[%get3A_28, %get3A_29] : memref<8x128xf32, #tpu.memory_space<vmem>>, vector<1x128xf32>
    %add3A = vector.broadcast %get3A_30 : vector<1x128xf32> to vector<2560x128xf32>
    %add3A_31 = arith.addf %mul3A_27, %add3A : vector<2560x128xf32>
    %gt3A = arith.constant 0.000000e+00 : f32
    %gt3A_32 = vector.broadcast %gt3A : f32 to vector<2560x128xf32>
    %gt3A_33 = arith.cmpf ogt, %add3A_31, %gt3A_32 : vector<2560x128xf32>
    %mul3A_34 = arith.constant 2.000000e-01 : f32
    %mul3A_35 = vector.broadcast %mul3A_34 : f32 to vector<2560x128xf32>
    %mul3A_36 = arith.mulf %mul3A_35, %add3A_31 : vector<2560x128xf32>
    %select_n3A = arith.select %gt3A_33, %add3A_31, %mul3A_36 : vector<2560x128xi1>, vector<2560x128xf32>
    %get3A_37 = arith.constant 0 : index
    %get3A_38 = arith.constant 0 : index
    %get3A_39 = vector.load %arg6[%get3A_37, %get3A_38] : memref<128x128xf32, #tpu.memory_space<vmem>>, vector<128x128xf32>
    %convert_element_type3A_40 = arith.truncf %select_n3A : vector<2560x128xf32> to vector<2560x128xbf16>
    %convert_element_type3A_41 = arith.truncf %get3A_39 : vector<128x128xf32> to vector<128x128xbf16>
    %dot_general3A_42 = arith.constant dense<0.000000e+00> : vector<2560x128xf32>
    %dot_general3A_43 = tpu.matmul %convert_element_type3A_40, %convert_element_type3A_41, %dot_general3A_42 {dimension_numbers = #tpu.dot_dimension_numbers<[1], [1], [0], [0], [0, 0, 1, 0], [], []>, transpose_lhs_hint = false} : vector<2560x128xbf16>, vector<128x128xbf16>, vector<2560x128xf32> -> vector<2560x128xf32>
    %reduce_sum3A = arith.constant dense<0.000000e+00> : vector<128xf32>
    %reduce_sum3A_44 = vector.multi_reduction <add>, %dot_general3A_43, %reduce_sum3A [0] : vector<2560x128xf32> to vector<128xf32>
    %broadcast_in_dim3A_45 = vector.shape_cast %reduce_sum3A_44 : vector<128xf32> to vector<1x128xf32>
    %mul3A_46 = arith.mulf %dot_general3A_43, %dot_general3A_43 : vector<2560x128xf32>
    %reduce_sum3A_47 = arith.constant dense<0.000000e+00> : vector<128xf32>
    %reduce_sum3A_48 = vector.multi_reduction <add>, %mul3A_46, %reduce_sum3A_47 [0] : vector<2560x128xf32> to vector<128xf32>
    %broadcast_in_dim3A_49 = vector.shape_cast %reduce_sum3A_48 : vector<128xf32> to vector<1x128xf32>
    %iota3A = tpu.iota {dimensions = array<i32: 0>} : vector<8x128xi32>
    %eq3A_50 = arith.constant 0 : i32
    %eq3A_51 = vector.broadcast %eq3A_50 : i32 to vector<8x128xi32>
    %eq3A_52 = arith.cmpi eq, %iota3A, %eq3A_51 : vector<8x128xi32>
    %broadcast_in_dim3A_53 = vector.shape_cast %broadcast_in_dim3A_45 : vector<1x128xf32> to vector<1x128xf32>
    %broadcast_in_dim3A_54 = vector.broadcast %broadcast_in_dim3A_53 : vector<1x128xf32> to vector<8x128xf32>
    %jit3A = arith.constant 0.000000e+00 : f32
    %broadcast_in_dim3A_55 = vector.broadcast %jit3A : f32 to vector<8x128xf32>
    %select_n3A_56 = arith.select %eq3A_52, %broadcast_in_dim3A_54, %broadcast_in_dim3A_55 : vector<8x128xi1>, vector<8x128xf32>
    %eq3A_57 = arith.constant 1 : i32
    %eq3A_58 = vector.broadcast %eq3A_57 : i32 to vector<8x128xi32>
    %eq3A_59 = arith.cmpi eq, %iota3A, %eq3A_58 : vector<8x128xi32>
    %broadcast_in_dim3A_60 = vector.shape_cast %broadcast_in_dim3A_49 : vector<1x128xf32> to vector<1x128xf32>
    %broadcast_in_dim3A_61 = vector.broadcast %broadcast_in_dim3A_60 : vector<1x128xf32> to vector<8x128xf32>
    %jit3A_62 = arith.constant 0.000000e+00 : f32
    %broadcast_in_dim3A_63 = vector.broadcast %jit3A_62 : f32 to vector<8x128xf32>
    %select_n3A_64 = arith.select %eq3A_59, %broadcast_in_dim3A_61, %broadcast_in_dim3A_63 : vector<8x128xi1>, vector<8x128xf32>
    %add3A_65 = arith.addf %select_n3A_56, %select_n3A_64 : vector<8x128xf32>
    %get3A_66 = arith.constant 0 : index
    %get3A_67 = arith.constant 0 : index
    %get3A_68 = vector.load %arg7[%get3A_66, %get3A_67] : memref<8x128xf32, #tpu.memory_space<vmem>>, vector<8x128xf32>
    %add3A_69 = arith.addf %get3A_68, %add3A_65 : vector<8x128xf32>
    %swap3A = arith.constant 0 : index
    %swap3A_70 = arith.constant 0 : index
    %swap3A_71 = vector.load %arg7[%swap3A, %swap3A_70] : memref<8x128xf32, #tpu.memory_space<vmem>>, vector<8x128xf32>
    tpu.vector_store %arg7[%swap3A, %swap3A_70], %add3A_69 {strides = array<i32>} : memref<8x128xf32, #tpu.memory_space<vmem>>, vector<8x128xf32>,
    return
  }
  func.func @transform_0(%arg0: i32, %arg1: i32) -> (i32, i32, i32, i32) {
    %c0_i32 = arith.constant 0 : i32
    %c0_i32_0 = arith.constant 0 : i32
    %c0_i32_1 = arith.constant 0 : i32
    return %arg0, %arg1, %c0_i32, %c0_i32_0 : i32, i32, i32, i32
  }
  func.func @transform_1(%arg0: i32, %arg1: i32) -> (i32, i32, i32, i32) {
    %c0_i32 = arith.constant 0 : i32
    %c0_i32_0 = arith.constant 0 : i32
    %c0_i32_1 = arith.constant 0 : i32
    return %arg0, %arg1, %c0_i32, %c0_i32_0 : i32, i32, i32, i32
  }
  func.func @transform_2(%arg0: i32, %arg1: i32) -> (i32, i32) {
    %c0_i32 = arith.constant 0 : i32
    %c0_i32_0 = arith.constant 0 : i32
    %c0_i32_1 = arith.constant 0 : i32
    return %c0_i32, %c0_i32_0 : i32, i32
  }
  func.func @transform_3(%arg0: i32, %arg1: i32) -> (i32, i32) {
    %c0_i32 = arith.constant 0 : i32
    %c0_i32_0 = arith.constant 0 : i32
    %c0_i32_1 = arith.constant 0 : i32
    return %c0_i32, %c0_i32_0 : i32, i32
  }
  func.func @transform_4(%arg0: i32, %arg1: i32) -> (i32, i32) {
    %c0_i32 = arith.constant 0 : i32
    %c0_i32_0 = arith.constant 0 : i32
    %c0_i32_1 = arith.constant 0 : i32
    return %c0_i32, %c0_i32_0 : i32, i32
  }
  func.func @transform_5(%arg0: i32, %arg1: i32) -> (i32, i32) {
    %c0_i32 = arith.constant 0 : i32
    %c0_i32_0 = arith.constant 0 : i32
    %c0_i32_1 = arith.constant 0 : i32
    return %c0_i32, %c0_i32_0 : i32, i32
  }
}

module attributes {stable_mosaic.version = 14 : i64} {
  func.func @_ec_apply_body(%arg0: i32, %arg1: i32, %arg2: memref<1x1x2560x128xf32, #tpu.memory_space<vmem>>, %arg3: memref<1x1x128x128xf32, #tpu.memory_space<vmem>>, %arg4: memref<128x256xf32, #tpu.memory_space<vmem>>, %arg5: memref<8x128xf32, #tpu.memory_space<vmem>>, %arg6: memref<128x128xf32, #tpu.memory_space<vmem>>, %arg7: memref<8x128xf32, #tpu.memory_space<vmem>>, %arg8: memref<1x1x128x128xf32, #tpu.memory_space<vmem>>) attributes {dimension_semantics = [#tpu.dimension_semantics<arbitrary>, #tpu.dimension_semantics<arbitrary>], iteration_bounds = array<i64: 8, 16>, scalar_prefetch = 0 : i64, scratch_operands = 0 : i64, tpu.core_type = #tpu.core_type<tc>, window_params = [{transform_indices = @transform_0, window_bounds = array<i64: 1, 1, 2560, 128>}, {transform_indices = @transform_1, window_bounds = array<i64: 1, 1, 128, 128>}, {pipeline_mode = #tpu.pipeline_mode<synchronous>, transform_indices = @transform_2, window_bounds = array<i64: 128, 256>}, {pipeline_mode = #tpu.pipeline_mode<synchronous>, transform_indices = @transform_3, window_bounds = array<i64: 8, 128>}, {pipeline_mode = #tpu.pipeline_mode<synchronous>, transform_indices = @transform_4, window_bounds = array<i64: 128, 128>}, {pipeline_mode = #tpu.pipeline_mode<synchronous>, transform_indices = @transform_5, window_bounds = array<i64: 8, 128>}, {transform_indices = @transform_6, window_bounds = array<i64: 1, 1, 128, 128>}]} {
    %get3A = arith.constant 0 : index
    %get3A_0 = arith.constant 0 : index
    %get3A_1 = arith.constant 0 : index
    %get3A_2 = arith.constant 0 : index
    %get3A_3 = vector.load %arg2[%get3A, %get3A_0, %get3A_1, %get3A_2] : memref<1x1x2560x128xf32, #tpu.memory_space<vmem>>, vector<1x1x2560x128xf32>
    %get3A_4 = vector.shape_cast %get3A_3 : vector<1x1x2560x128xf32> to vector<2560x128xf32>
    %get3A_5 = arith.constant 0 : index
    %get3A_6 = arith.constant 0 : index
    %get3A_7 = arith.constant 0 : index
    %get3A_8 = arith.constant 0 : index
    %get3A_9 = vector.load %arg3[%get3A_5, %get3A_6, %get3A_7, %get3A_8] : memref<1x1x128x128xf32, #tpu.memory_space<vmem>>, vector<1x1x128x128xf32>
    %get3A_10 = vector.shape_cast %get3A_9 : vector<1x1x128x128xf32> to vector<128x128xf32>
    %broadcast_in_dim3A = vector.shape_cast %get3A_10 : vector<128x128xf32> to vector<128x1x128xf32>
    %broadcast_in_dim3A_11 = vector.shape_cast %broadcast_in_dim3A : vector<128x1x128xf32> to vector<128x1x128xf32>
    %broadcast_in_dim3A_12 = vector.broadcast %broadcast_in_dim3A_11 : vector<128x1x128xf32> to vector<128x20x128xf32>
    %reshape3A = vector.shape_cast %broadcast_in_dim3A_12 : vector<128x20x128xf32> to vector<2560x128xf32>
    %sub3A = arith.subf %get3A_4, %reshape3A : vector<2560x128xf32>
    %convert_element_type3A = arith.truncf %sub3A : vector<2560x128xf32> to vector<2560x128xbf16>
    %convert_element_type3A_13 = arith.truncf %reshape3A : vector<2560x128xf32> to vector<2560x128xbf16>
    %concatenate3A = tpu.concatenate %convert_element_type3A, %convert_element_type3A_13 in 1 : vector<2560x128xbf16>, vector<2560x128xbf16> -> vector<2560x256xbf16>
    %get3A_14 = arith.constant 0 : index
    %get3A_15 = arith.constant 0 : index
    %get3A_16 = vector.load %arg4[%get3A_14, %get3A_15] : memref<128x256xf32, #tpu.memory_space<vmem>>, vector<128x256xf32>
    %convert_element_type3A_17 = arith.truncf %get3A_16 : vector<128x256xf32> to vector<128x256xbf16>
    %dot_general3A = arith.constant dense<0.000000e+00> : vector<2560x128xf32>
    %dot_general3A_18 = tpu.matmul %concatenate3A, %convert_element_type3A_17, %dot_general3A {dimension_numbers = #tpu.dot_dimension_numbers<[1], [1], [0], [0], [0, 0, 1, 0], [], []>, transpose_lhs_hint = false} : vector<2560x256xbf16>, vector<128x256xbf16>, vector<2560x128xf32> -> vector<2560x128xf32>
    %get3A_19 = arith.constant 0 : index
    %get3A_20 = arith.constant 0 : index
    %get3A_21 = vector.load %arg5[%get3A_19, %get3A_20] : memref<8x128xf32, #tpu.memory_space<vmem>>, vector<1x128xf32>
    %mul3A = vector.broadcast %get3A_21 : vector<1x128xf32> to vector<2560x128xf32>
    %mul3A_22 = arith.mulf %dot_general3A_18, %mul3A : vector<2560x128xf32>
    %get3A_23 = arith.constant 1 : index
    %get3A_24 = arith.constant 0 : index
    %get3A_25 = vector.load %arg5[%get3A_23, %get3A_24] : memref<8x128xf32, #tpu.memory_space<vmem>>, vector<1x128xf32>
    %add3A = vector.broadcast %get3A_25 : vector<1x128xf32> to vector<2560x128xf32>
    %add3A_26 = arith.addf %mul3A_22, %add3A : vector<2560x128xf32>
    %gt3A = arith.constant 0.000000e+00 : f32
    %gt3A_27 = vector.broadcast %gt3A : f32 to vector<2560x128xf32>
    %gt3A_28 = arith.cmpf ogt, %add3A_26, %gt3A_27 : vector<2560x128xf32>
    %mul3A_29 = arith.constant 2.000000e-01 : f32
    %mul3A_30 = vector.broadcast %mul3A_29 : f32 to vector<2560x128xf32>
    %mul3A_31 = arith.mulf %mul3A_30, %add3A_26 : vector<2560x128xf32>
    %select_n3A = arith.select %gt3A_28, %add3A_26, %mul3A_31 : vector<2560x128xi1>, vector<2560x128xf32>
    %get3A_32 = arith.constant 0 : index
    %get3A_33 = arith.constant 0 : index
    %get3A_34 = vector.load %arg6[%get3A_32, %get3A_33] : memref<128x128xf32, #tpu.memory_space<vmem>>, vector<128x128xf32>
    %convert_element_type3A_35 = arith.truncf %select_n3A : vector<2560x128xf32> to vector<2560x128xbf16>
    %convert_element_type3A_36 = arith.truncf %get3A_34 : vector<128x128xf32> to vector<128x128xbf16>
    %dot_general3A_37 = arith.constant dense<0.000000e+00> : vector<2560x128xf32>
    %dot_general3A_38 = tpu.matmul %convert_element_type3A_35, %convert_element_type3A_36, %dot_general3A_37 {dimension_numbers = #tpu.dot_dimension_numbers<[1], [1], [0], [0], [0, 0, 1, 0], [], []>, transpose_lhs_hint = false} : vector<2560x128xbf16>, vector<128x128xbf16>, vector<2560x128xf32> -> vector<2560x128xf32>
    %get3A_39 = arith.constant 0 : index
    %get3A_40 = arith.constant 0 : index
    %get3A_41 = vector.load %arg7[%get3A_39, %get3A_40] : memref<8x128xf32, #tpu.memory_space<vmem>>, vector<1x128xf32>
    %mul3A_42 = vector.broadcast %get3A_41 : vector<1x128xf32> to vector<2560x128xf32>
    %mul3A_43 = arith.mulf %dot_general3A_38, %mul3A_42 : vector<2560x128xf32>
    %get3A_44 = arith.constant 1 : index
    %get3A_45 = arith.constant 0 : index
    %get3A_46 = vector.load %arg7[%get3A_44, %get3A_45] : memref<8x128xf32, #tpu.memory_space<vmem>>, vector<1x128xf32>
    %add3A_47 = vector.broadcast %get3A_46 : vector<1x128xf32> to vector<2560x128xf32>
    %add3A_48 = arith.addf %mul3A_43, %add3A_47 : vector<2560x128xf32>
    %gt3A_49 = arith.constant 0.000000e+00 : f32
    %gt3A_50 = vector.broadcast %gt3A_49 : f32 to vector<2560x128xf32>
    %gt3A_51 = arith.cmpf ogt, %add3A_48, %gt3A_50 : vector<2560x128xf32>
    %mul3A_52 = arith.constant 2.000000e-01 : f32
    %mul3A_53 = vector.broadcast %mul3A_52 : f32 to vector<2560x128xf32>
    %mul3A_54 = arith.mulf %mul3A_53, %add3A_48 : vector<2560x128xf32>
    %select_n3A_55 = arith.select %gt3A_51, %add3A_48, %mul3A_54 : vector<2560x128xi1>, vector<2560x128xf32>
    %reshape3A_56 = vector.shape_cast %select_n3A_55 : vector<2560x128xf32> to vector<128x20x128xf32>
    %reduce_max3A = arith.constant dense<0xFF800000> : vector<128x128xf32>
    %reduce_max3A_57 = vector.multi_reduction <maximumf>, %reshape3A_56, %reduce_max3A [1] : vector<128x20x128xf32> to vector<128x128xf32>
    %swap3A = arith.constant 0 : index
    %swap3A_58 = arith.constant 0 : index
    %swap3A_59 = arith.constant 0 : index
    %swap3A_60 = arith.constant 0 : index
    %swap3A_61 = vector.load %arg8[%swap3A, %swap3A_58, %swap3A_59, %swap3A_60] : memref<1x1x128x128xf32, #tpu.memory_space<vmem>>, vector<1x1x128x128xf32>
    %swap3A_62 = vector.shape_cast %swap3A_61 : vector<1x1x128x128xf32> to vector<128x128xf32>
    %swap3A_63 = vector.shape_cast %reduce_max3A_57 : vector<128x128xf32> to vector<1x1x128x128xf32>
    tpu.vector_store %arg8[%swap3A, %swap3A_58, %swap3A_59, %swap3A_60], %swap3A_63 {strides = array<i32>} : memref<1x1x128x128xf32, #tpu.memory_space<vmem>>, vector<1x1x128x128xf32>,
    return
  }
  func.func @transform_0(%arg0: i32, %arg1: i32) -> (i32, i32, i32, i32) {
    %c0_i32 = arith.constant 0 : i32
    %c0_i32_0 = arith.constant 0 : i32
    %c0_i32_1 = arith.constant 0 : i32
    return %arg0, %arg1, %c0_i32, %c0_i32_0 : i32, i32, i32, i32
  }
  func.func @transform_1(%arg0: i32, %arg1: i32) -> (i32, i32, i32, i32) {
    %c0_i32 = arith.constant 0 : i32
    %c0_i32_0 = arith.constant 0 : i32
    %c0_i32_1 = arith.constant 0 : i32
    return %arg0, %arg1, %c0_i32, %c0_i32_0 : i32, i32, i32, i32
  }
  func.func @transform_2(%arg0: i32, %arg1: i32) -> (i32, i32) {
    %c0_i32 = arith.constant 0 : i32
    %c0_i32_0 = arith.constant 0 : i32
    %c0_i32_1 = arith.constant 0 : i32
    return %c0_i32, %c0_i32_0 : i32, i32
  }
  func.func @transform_3(%arg0: i32, %arg1: i32) -> (i32, i32) {
    %c0_i32 = arith.constant 0 : i32
    %c0_i32_0 = arith.constant 0 : i32
    %c0_i32_1 = arith.constant 0 : i32
    return %c0_i32, %c0_i32_0 : i32, i32
  }
  func.func @transform_4(%arg0: i32, %arg1: i32) -> (i32, i32) {
    %c0_i32 = arith.constant 0 : i32
    %c0_i32_0 = arith.constant 0 : i32
    %c0_i32_1 = arith.constant 0 : i32
    return %c0_i32, %c0_i32_0 : i32, i32
  }
  func.func @transform_5(%arg0: i32, %arg1: i32) -> (i32, i32) {
    %c0_i32 = arith.constant 0 : i32
    %c0_i32_0 = arith.constant 0 : i32
    %c0_i32_1 = arith.constant 0 : i32
    return %c0_i32, %c0_i32_0 : i32, i32
  }
  func.func @transform_6(%arg0: i32, %arg1: i32) -> (i32, i32, i32, i32) {
    %c0_i32 = arith.constant 0 : i32
    %c0_i32_0 = arith.constant 0 : i32
    %c0_i32_1 = arith.constant 0 : i32
    return %arg0, %arg1, %c0_i32, %c0_i32_0 : i32, i32, i32, i32
  }
}

module attributes {stable_mosaic.version = 14 : i64} {
  func.func @_lin_max_body(%arg0: i32, %arg1: memref<1x2048x128xf32, #tpu.memory_space<vmem>>, %arg2: memref<1024x128xf32, #tpu.memory_space<vmem>>, %arg3: memref<8x1024xf32, #tpu.memory_space<vmem>>, %arg4: memref<8x1024xf32, #tpu.memory_space<vmem>>) attributes {dimension_semantics = [#tpu.dimension_semantics<arbitrary>], iteration_bounds = array<i64: 8>, scalar_prefetch = 0 : i64, scratch_operands = 0 : i64, tpu.core_type = #tpu.core_type<tc>, window_params = [{transform_indices = @transform_0, window_bounds = array<i64: 1, 2048, 128>}, {pipeline_mode = #tpu.pipeline_mode<synchronous>, transform_indices = @transform_1, window_bounds = array<i64: 1024, 128>}, {pipeline_mode = #tpu.pipeline_mode<synchronous>, transform_indices = @transform_2, window_bounds = array<i64: 8, 1024>}, {pipeline_mode = #tpu.pipeline_mode<synchronous>, transform_indices = @transform_3, window_bounds = array<i64: 8, 1024>}]} {
    %get3A = arith.constant 0 : index
    %get3A_0 = arith.constant 0 : index
    %get3A_1 = arith.constant 0 : index
    %get3A_2 = vector.load %arg1[%get3A, %get3A_0, %get3A_1] : memref<1x2048x128xf32, #tpu.memory_space<vmem>>, vector<1x2048x128xf32>
    %get3A_3 = vector.shape_cast %get3A_2 : vector<1x2048x128xf32> to vector<2048x128xf32>
    %get3A_4 = arith.constant 0 : index
    %get3A_5 = arith.constant 0 : index
    %get3A_6 = vector.load %arg2[%get3A_4, %get3A_5] : memref<1024x128xf32, #tpu.memory_space<vmem>>, vector<1024x128xf32>
    %convert_element_type3A = arith.truncf %get3A_3 : vector<2048x128xf32> to vector<2048x128xbf16>
    %convert_element_type3A_7 = arith.truncf %get3A_6 : vector<1024x128xf32> to vector<1024x128xbf16>
    %dot_general3A = arith.constant dense<0.000000e+00> : vector<2048x1024xf32>
    %dot_general3A_8 = tpu.matmul %convert_element_type3A, %convert_element_type3A_7, %dot_general3A {dimension_numbers = #tpu.dot_dimension_numbers<[1], [1], [0], [0], [0, 0, 1, 0], [], []>, transpose_lhs_hint = false} : vector<2048x128xbf16>, vector<1024x128xbf16>, vector<2048x1024xf32> -> vector<2048x1024xf32>
    %get3A_9 = arith.constant 0 : index
    %get3A_10 = arith.constant 0 : index
    %get3A_11 = vector.load %arg3[%get3A_9, %get3A_10] : memref<8x1024xf32, #tpu.memory_space<vmem>>, vector<1x1024xf32>
    %mul3A = vector.broadcast %get3A_11 : vector<1x1024xf32> to vector<2048x1024xf32>
    %mul3A_12 = arith.mulf %dot_general3A_8, %mul3A : vector<2048x1024xf32>
    %get3A_13 = arith.constant 1 : index
    %get3A_14 = arith.constant 0 : index
    %get3A_15 = vector.load %arg3[%get3A_13, %get3A_14] : memref<8x1024xf32, #tpu.memory_space<vmem>>, vector<1x1024xf32>
    %add3A = vector.broadcast %get3A_15 : vector<1x1024xf32> to vector<2048x1024xf32>
    %add3A_16 = arith.addf %mul3A_12, %add3A : vector<2048x1024xf32>
    %gt3A = arith.constant 0.000000e+00 : f32
    %gt3A_17 = vector.broadcast %gt3A : f32 to vector<2048x1024xf32>
    %gt3A_18 = arith.cmpf ogt, %add3A_16, %gt3A_17 : vector<2048x1024xf32>
    %mul3A_19 = arith.constant 2.000000e-01 : f32
    %mul3A_20 = vector.broadcast %mul3A_19 : f32 to vector<2048x1024xf32>
    %mul3A_21 = arith.mulf %mul3A_20, %add3A_16 : vector<2048x1024xf32>
    %select_n3A = arith.select %gt3A_18, %add3A_16, %mul3A_21 : vector<2048x1024xi1>, vector<2048x1024xf32>
    %reduce_max3A = arith.constant dense<0xFF800000> : vector<1024xf32>
    %reduce_max3A_22 = vector.multi_reduction <maximumf>, %select_n3A, %reduce_max3A [0] : vector<2048x1024xf32> to vector<1024xf32>
    %broadcast_in_dim3A = vector.shape_cast %reduce_max3A_22 : vector<1024xf32> to vector<1x1024xf32>
    %iota3A = tpu.iota {dimensions = array<i32: 0>} : vector<8x1024xi32>
    %eq3A = vector.broadcast %arg0 : i32 to vector<8x1024xi32>
    %eq3A_23 = arith.cmpi eq, %iota3A, %eq3A : vector<8x1024xi32>
    %broadcast_in_dim3A_24 = vector.shape_cast %broadcast_in_dim3A : vector<1x1024xf32> to vector<1x1024xf32>
    %broadcast_in_dim3A_25 = vector.broadcast %broadcast_in_dim3A_24 : vector<1x1024xf32> to vector<8x1024xf32>
    %get3A_26 = arith.constant 0 : index
    %get3A_27 = arith.constant 0 : index
    %get3A_28 = vector.load %arg4[%get3A_26, %get3A_27] : memref<8x1024xf32, #tpu.memory_space<vmem>>, vector<8x1024xf32>
    %select_n3A_29 = arith.select %eq3A_23, %broadcast_in_dim3A_25, %get3A_28 : vector<8x1024xi1>, vector<8x1024xf32>
    %swap3A = arith.constant 0 : index
    %swap3A_30 = arith.constant 0 : index
    %swap3A_31 = vector.load %arg4[%swap3A, %swap3A_30] : memref<8x1024xf32, #tpu.memory_space<vmem>>, vector<8x1024xf32>
    tpu.vector_store %arg4[%swap3A, %swap3A_30], %select_n3A_29 {strides = array<i32>} : memref<8x1024xf32, #tpu.memory_space<vmem>>, vector<8x1024xf32>,
    return
  }
  func.func @transform_0(%arg0: i32) -> (i32, i32, i32) {
    %c0_i32 = arith.constant 0 : i32
    %c0_i32_0 = arith.constant 0 : i32
    %c0_i32_1 = arith.constant 0 : i32
    return %arg0, %c0_i32, %c0_i32_0 : i32, i32, i32
  }
  func.func @transform_1(%arg0: i32) -> (i32, i32) {
    %c0_i32 = arith.constant 0 : i32
    %c0_i32_0 = arith.constant 0 : i32
    %c0_i32_1 = arith.constant 0 : i32
    return %c0_i32, %c0_i32_0 : i32, i32
  }
  func.func @transform_2(%arg0: i32) -> (i32, i32) {
    %c0_i32 = arith.constant 0 : i32
    %c0_i32_0 = arith.constant 0 : i32
    %c0_i32_1 = arith.constant 0 : i32
    return %c0_i32, %c0_i32_0 : i32, i32
  }
  func.func @transform_3(%arg0: i32) -> (i32, i32) {
    %c0_i32 = arith.constant 0 : i32
    %c0_i32_0 = arith.constant 0 : i32
    %c0_i32_1 = arith.constant 0 : i32
    return %c0_i32, %c0_i32_0 : i32, i32
  }
}

module attributes {stable_mosaic.version = 14 : i64} {
  func.func @_head_body(%arg0: memref<8x2048xf32, #tpu.memory_space<vmem>>, %arg1: memref<512x2048xf32, #tpu.memory_space<vmem>>, %arg2: memref<2x512xf32, #tpu.memory_space<vmem>>, %arg3: memref<256x512xf32, #tpu.memory_space<vmem>>, %arg4: memref<3x256xf32, #tpu.memory_space<vmem>>, %arg5: memref<15x256xf32, #tpu.memory_space<vmem>>, %arg6: memref<1x15xf32, #tpu.memory_space<vmem>>, %arg7: memref<8x15xf32, #tpu.memory_space<vmem>>, %arg8: memref<8x256xf32, #tpu.memory_space<vmem>>) attributes {dimension_semantics = [], scalar_prefetch = 0 : i64, scratch_operands = 0 : i64, tpu.core_type = #tpu.core_type<tc>} {
    %get3A = arith.constant 0 : index
    %get3A_0 = arith.constant 0 : index
    %get3A_1 = vector.load %arg0[%get3A, %get3A_0] : memref<8x2048xf32, #tpu.memory_space<vmem>>, vector<8x2048xf32>
    %get3A_2 = arith.constant 0 : index
    %get3A_3 = arith.constant 0 : index
    %get3A_4 = vector.load %arg1[%get3A_2, %get3A_3] : memref<512x2048xf32, #tpu.memory_space<vmem>>, vector<512x2048xf32>
    %convert_element_type3A = arith.truncf %get3A_1 : vector<8x2048xf32> to vector<8x2048xbf16>
    %convert_element_type3A_5 = arith.truncf %get3A_4 : vector<512x2048xf32> to vector<512x2048xbf16>
    %dot_general3A = arith.constant dense<0.000000e+00> : vector<8x512xf32>
    %dot_general3A_6 = tpu.matmul %convert_element_type3A, %convert_element_type3A_5, %dot_general3A {dimension_numbers = #tpu.dot_dimension_numbers<[1], [1], [0], [0], [0, 0, 1, 0], [], []>, transpose_lhs_hint = false} : vector<8x2048xbf16>, vector<512x2048xbf16>, vector<8x512xf32> -> vector<8x512xf32>
    %reduce_sum3A = arith.constant dense<0.000000e+00> : vector<512xf32>
    %reduce_sum3A_7 = vector.multi_reduction <add>, %dot_general3A_6, %reduce_sum3A [0] : vector<8x512xf32> to vector<512xf32>
    %broadcast_in_dim3A = vector.shape_cast %reduce_sum3A_7 : vector<512xf32> to vector<1x512xf32>
    %div3A = arith.constant 8.000000e+00 : f32
    %div3A_8 = vector.broadcast %div3A : f32 to vector<1x512xf32>
    %div3A_9 = arith.divf %broadcast_in_dim3A, %div3A_8 : vector<1x512xf32>
    %mul3A = arith.mulf %dot_general3A_6, %dot_general3A_6 : vector<8x512xf32>
    %reduce_sum3A_10 = arith.constant dense<0.000000e+00> : vector<512xf32>
    %reduce_sum3A_11 = vector.multi_reduction <add>, %mul3A, %reduce_sum3A_10 [0] : vector<8x512xf32> to vector<512xf32>
    %broadcast_in_dim3A_12 = vector.shape_cast %reduce_sum3A_11 : vector<512xf32> to vector<1x512xf32>
    %div3A_13 = arith.constant 8.000000e+00 : f32
    %div3A_14 = vector.broadcast %div3A_13 : f32 to vector<1x512xf32>
    %div3A_15 = arith.divf %broadcast_in_dim3A_12, %div3A_14 : vector<1x512xf32>
    %mul3A_16 = arith.mulf %div3A_9, %div3A_9 : vector<1x512xf32>
    %sub3A = arith.subf %div3A_15, %mul3A_16 : vector<1x512xf32>
    %sub3A_17 = vector.broadcast %div3A_9 : vector<1x512xf32> to vector<8x512xf32>
    %sub3A_18 = arith.subf %dot_general3A_6, %sub3A_17 : vector<8x512xf32>
    %add3A = arith.constant 9.99999974E-6 : f32
    %add3A_19 = vector.broadcast %add3A : f32 to vector<1x512xf32>
    %add3A_20 = arith.addf %sub3A, %add3A_19 : vector<1x512xf32>
    %sqrt3A = math.sqrt %add3A_20 : vector<1x512xf32>
    %div3A_21 = vector.broadcast %sqrt3A : vector<1x512xf32> to vector<8x512xf32>
    %div3A_22 = arith.divf %sub3A_18, %div3A_21 : vector<8x512xf32>
    %get3A_23 = arith.constant 0 : index
    %get3A_24 = arith.constant 0 : index
    %get3A_25 = vector.load %arg2[%get3A_23, %get3A_24] : memref<2x512xf32, #tpu.memory_space<vmem>>, vector<1x512xf32>
    %mul3A_26 = vector.broadcast %get3A_25 : vector<1x512xf32> to vector<8x512xf32>
    %mul3A_27 = arith.mulf %div3A_22, %mul3A_26 : vector<8x512xf32>
    %get3A_28 = arith.constant 1 : index
    %get3A_29 = arith.constant 0 : index
    %get3A_30 = vector.load %arg2[%get3A_28, %get3A_29] : memref<2x512xf32, #tpu.memory_space<vmem>>, vector<1x512xf32>
    %add3A_31 = vector.broadcast %get3A_30 : vector<1x512xf32> to vector<8x512xf32>
    %add3A_32 = arith.addf %mul3A_27, %add3A_31 : vector<8x512xf32>
    %gt3A = arith.constant 0.000000e+00 : f32
    %gt3A_33 = vector.broadcast %gt3A : f32 to vector<8x512xf32>
    %gt3A_34 = arith.cmpf ogt, %add3A_32, %gt3A_33 : vector<8x512xf32>
    %mul3A_35 = arith.constant 2.000000e-01 : f32
    %mul3A_36 = vector.broadcast %mul3A_35 : f32 to vector<8x512xf32>
    %mul3A_37 = arith.mulf %mul3A_36, %add3A_32 : vector<8x512xf32>
    %select_n3A = arith.select %gt3A_34, %add3A_32, %mul3A_37 : vector<8x512xi1>, vector<8x512xf32>
    %get3A_38 = arith.constant 0 : index
    %get3A_39 = arith.constant 0 : index
    %get3A_40 = vector.load %arg3[%get3A_38, %get3A_39] : memref<256x512xf32, #tpu.memory_space<vmem>>, vector<256x512xf32>
    %convert_element_type3A_41 = arith.truncf %select_n3A : vector<8x512xf32> to vector<8x512xbf16>
    %convert_element_type3A_42 = arith.truncf %get3A_40 : vector<256x512xf32> to vector<256x512xbf16>
    %dot_general3A_43 = arith.constant dense<0.000000e+00> : vector<8x256xf32>
    %dot_general3A_44 = tpu.matmul %convert_element_type3A_41, %convert_element_type3A_42, %dot_general3A_43 {dimension_numbers = #tpu.dot_dimension_numbers<[1], [1], [0], [0], [0, 0, 1, 0], [], []>, transpose_lhs_hint = false} : vector<8x512xbf16>, vector<256x512xbf16>, vector<8x256xf32> -> vector<8x256xf32>
    %get3A_45 = arith.constant 2 : index
    %get3A_46 = arith.constant 0 : index
    %get3A_47 = vector.load %arg4[%get3A_45, %get3A_46] : memref<3x256xf32, #tpu.memory_space<vmem>>, vector<1x256xf32>
    %add3A_48 = vector.broadcast %get3A_47 : vector<1x256xf32> to vector<8x256xf32>
    %add3A_49 = arith.addf %dot_general3A_44, %add3A_48 : vector<8x256xf32>
    %reduce_sum3A_50 = arith.constant dense<0.000000e+00> : vector<256xf32>
    %reduce_sum3A_51 = vector.multi_reduction <add>, %add3A_49, %reduce_sum3A_50 [0] : vector<8x256xf32> to vector<256xf32>
    %broadcast_in_dim3A_52 = vector.shape_cast %reduce_sum3A_51 : vector<256xf32> to vector<1x256xf32>
    %div3A_53 = arith.constant 8.000000e+00 : f32
    %div3A_54 = vector.broadcast %div3A_53 : f32 to vector<1x256xf32>
    %div3A_55 = arith.divf %broadcast_in_dim3A_52, %div3A_54 : vector<1x256xf32>
    %mul3A_56 = arith.mulf %add3A_49, %add3A_49 : vector<8x256xf32>
    %reduce_sum3A_57 = arith.constant dense<0.000000e+00> : vector<256xf32>
    %reduce_sum3A_58 = vector.multi_reduction <add>, %mul3A_56, %reduce_sum3A_57 [0] : vector<8x256xf32> to vector<256xf32>
    %broadcast_in_dim3A_59 = vector.shape_cast %reduce_sum3A_58 : vector<256xf32> to vector<1x256xf32>
    %div3A_60 = arith.constant 8.000000e+00 : f32
    %div3A_61 = vector.broadcast %div3A_60 : f32 to vector<1x256xf32>
    %div3A_62 = arith.divf %broadcast_in_dim3A_59, %div3A_61 : vector<1x256xf32>
    %mul3A_63 = arith.mulf %div3A_55, %div3A_55 : vector<1x256xf32>
    %sub3A_64 = arith.subf %div3A_62, %mul3A_63 : vector<1x256xf32>
    %sub3A_65 = vector.broadcast %div3A_55 : vector<1x256xf32> to vector<8x256xf32>
    %sub3A_66 = arith.subf %add3A_49, %sub3A_65 : vector<8x256xf32>
    %add3A_67 = arith.constant 9.99999974E-6 : f32
    %add3A_68 = vector.broadcast %add3A_67 : f32 to vector<1x256xf32>
    %add3A_69 = arith.addf %sub3A_64, %add3A_68 : vector<1x256xf32>
    %sqrt3A_70 = math.sqrt %add3A_69 : vector<1x256xf32>
    %div3A_71 = vector.broadcast %sqrt3A_70 : vector<1x256xf32> to vector<8x256xf32>
    %div3A_72 = arith.divf %sub3A_66, %div3A_71 : vector<8x256xf32>
    %get3A_73 = arith.constant 0 : index
    %get3A_74 = arith.constant 0 : index
    %get3A_75 = vector.load %arg4[%get3A_73, %get3A_74] : memref<3x256xf32, #tpu.memory_space<vmem>>, vector<1x256xf32>
    %mul3A_76 = vector.broadcast %get3A_75 : vector<1x256xf32> to vector<8x256xf32>
    %mul3A_77 = arith.mulf %div3A_72, %mul3A_76 : vector<8x256xf32>
    %get3A_78 = arith.constant 1 : index
    %get3A_79 = arith.constant 0 : index
    %get3A_80 = vector.load %arg4[%get3A_78, %get3A_79] : memref<3x256xf32, #tpu.memory_space<vmem>>, vector<1x256xf32>
    %add3A_81 = vector.broadcast %get3A_80 : vector<1x256xf32> to vector<8x256xf32>
    %add3A_82 = arith.addf %mul3A_77, %add3A_81 : vector<8x256xf32>
    %gt3A_83 = arith.constant 0.000000e+00 : f32
    %gt3A_84 = vector.broadcast %gt3A_83 : f32 to vector<8x256xf32>
    %gt3A_85 = arith.cmpf ogt, %add3A_82, %gt3A_84 : vector<8x256xf32>
    %mul3A_86 = arith.constant 2.000000e-01 : f32
    %mul3A_87 = vector.broadcast %mul3A_86 : f32 to vector<8x256xf32>
    %mul3A_88 = arith.mulf %mul3A_87, %add3A_82 : vector<8x256xf32>
    %select_n3A_89 = arith.select %gt3A_85, %add3A_82, %mul3A_88 : vector<8x256xi1>, vector<8x256xf32>
    %swap3A = arith.constant 0 : index
    %swap3A_90 = arith.constant 0 : index
    %swap3A_91 = vector.load %arg8[%swap3A, %swap3A_90] : memref<8x256xf32, #tpu.memory_space<vmem>>, vector<8x256xf32>
    tpu.vector_store %arg8[%swap3A, %swap3A_90], %select_n3A_89 {strides = array<i32>} : memref<8x256xf32, #tpu.memory_space<vmem>>, vector<8x256xf32>,
    %get3A_92 = arith.constant 0 : index
    %get3A_93 = arith.constant 0 : index
    %get3A_94 = vector.load %arg5[%get3A_92, %get3A_93] : memref<15x256xf32, #tpu.memory_space<vmem>>, vector<15x256xf32>
    %convert_element_type3A_95 = arith.truncf %select_n3A_89 : vector<8x256xf32> to vector<8x256xbf16>
    %convert_element_type3A_96 = arith.truncf %get3A_94 : vector<15x256xf32> to vector<15x256xbf16>
    %dot_general3A_97 = arith.constant dense<0.000000e+00> : vector<8x15xf32>
    %dot_general3A_98 = tpu.matmul %convert_element_type3A_95, %convert_element_type3A_96, %dot_general3A_97 {dimension_numbers = #tpu.dot_dimension_numbers<[1], [1], [0], [0], [0, 0, 1, 0], [], []>, transpose_lhs_hint = false} : vector<8x256xbf16>, vector<15x256xbf16>, vector<8x15xf32> -> vector<8x15xf32>
    %get3A_99 = arith.constant 0 : index
    %get3A_100 = arith.constant 0 : index
    %get3A_101 = vector.load %arg6[%get3A_99, %get3A_100] : memref<1x15xf32, #tpu.memory_space<vmem>>, vector<1x15xf32>
    %add3A_102 = vector.broadcast %get3A_101 : vector<1x15xf32> to vector<8x15xf32>
    %add3A_103 = arith.addf %dot_general3A_98, %add3A_102 : vector<8x15xf32>
    %swap3A_104 = arith.constant 0 : index
    %swap3A_105 = arith.constant 0 : index
    %swap3A_106 = vector.load %arg7[%swap3A_104, %swap3A_105] : memref<8x15xf32, #tpu.memory_space<vmem>>, vector<8x15xf32>
    tpu.vector_store %arg7[%swap3A_104, %swap3A_105], %add3A_103 {strides = array<i32>} : memref<8x15xf32, #tpu.memory_space<vmem>>, vector<8x15xf32>,
    return
  }
}

module attributes {stable_mosaic.version = 14 : i64} {
  func.func @_seg_stats_body(%arg0: i32, %arg1: memref<1x2048x128xf32, #tpu.memory_space<vmem>>, %arg2: memref<1x2048x128xf32, #tpu.memory_space<vmem>>, %arg3: memref<8x256xf32, #tpu.memory_space<vmem>>, %arg4: memref<128x128xf32, #tpu.memory_space<vmem>>, %arg5: memref<128x128xf32, #tpu.memory_space<vmem>>, %arg6: memref<128x256xf32, #tpu.memory_space<vmem>>, %arg7: memref<8x128xf32, #tpu.memory_space<vmem>>) attributes {dimension_semantics = [#tpu.dimension_semantics<arbitrary>], iteration_bounds = array<i64: 8>, scalar_prefetch = 0 : i64, scratch_operands = 0 : i64, tpu.core_type = #tpu.core_type<tc>, window_params = [{transform_indices = @transform_0, window_bounds = array<i64: 1, 2048, 128>}, {transform_indices = @transform_1, window_bounds = array<i64: 1, 2048, 128>}, {pipeline_mode = #tpu.pipeline_mode<synchronous>, transform_indices = @transform_2, window_bounds = array<i64: 8, 256>}, {pipeline_mode = #tpu.pipeline_mode<synchronous>, transform_indices = @transform_3, window_bounds = array<i64: 128, 128>}, {pipeline_mode = #tpu.pipeline_mode<synchronous>, transform_indices = @transform_4, window_bounds = array<i64: 128, 128>}, {pipeline_mode = #tpu.pipeline_mode<synchronous>, transform_indices = @transform_5, window_bounds = array<i64: 128, 256>}, {pipeline_mode = #tpu.pipeline_mode<synchronous>, transform_indices = @transform_6, window_bounds = array<i64: 8, 128>}]} {
    %eq3A = arith.constant 0 : i32
    %eq3A_0 = arith.cmpi eq, %arg0, %eq3A : i32
    %convert_element_type3A = arith.extui %eq3A_0 : i1 to i32
    %cond3A = arith.constant 0 : i32
    %cond3A_1 = arith.cmpi ne, %convert_element_type3A, %cond3A : i32
    scf.if %cond3A_1 {
      %broadcast_in_dim3A_70 = arith.constant 0.000000e+00 : f32
      %broadcast_in_dim3A_71 = vector.broadcast %broadcast_in_dim3A_70 : f32 to vector<8x128xf32>
      %swap3A_72 = arith.constant 0 : index
      %swap3A_73 = arith.constant 0 : index
      %swap3A_74 = vector.load %arg7[%swap3A_72, %swap3A_73] : memref<8x128xf32, #tpu.memory_space<vmem>>, vector<8x128xf32>
      tpu.vector_store %arg7[%swap3A_72, %swap3A_73], %broadcast_in_dim3A_71 {strides = array<i32>} : memref<8x128xf32, #tpu.memory_space<vmem>>, vector<8x128xf32>,
    } else {
    }
    %get3A = arith.constant 0 : index
    %get3A_2 = arith.constant 0 : index
    %get3A_3 = vector.load %arg3[%get3A, %get3A_2] : memref<8x256xf32, #tpu.memory_space<vmem>>, vector<8x256xf32>
    %get3A_4 = arith.constant 0 : index
    %get3A_5 = arith.constant 0 : index
    %get3A_6 = vector.load %arg6[%get3A_4, %get3A_5] : memref<128x256xf32, #tpu.memory_space<vmem>>, vector<128x256xf32>
    %convert_element_type3A_7 = arith.truncf %get3A_3 : vector<8x256xf32> to vector<8x256xbf16>
    %convert_element_type3A_8 = arith.truncf %get3A_6 : vector<128x256xf32> to vector<128x256xbf16>
    %dot_general3A = arith.constant dense<0.000000e+00> : vector<8x128xf32>
    %dot_general3A_9 = tpu.matmul %convert_element_type3A_7, %convert_element_type3A_8, %dot_general3A {dimension_numbers = #tpu.dot_dimension_numbers<[1], [1], [0], [0], [0, 0, 1, 0], [], []>, transpose_lhs_hint = false} : vector<8x256xbf16>, vector<128x256xbf16>, vector<8x128xf32> -> vector<8x128xf32>
    %iota3A = tpu.iota {dimensions = array<i32: 0>} : vector<8x128xi32>
    %eq3A_10 = vector.broadcast %arg0 : i32 to vector<8x128xi32>
    %eq3A_11 = arith.cmpi eq, %iota3A, %eq3A_10 : vector<8x128xi32>
    %jit3A = arith.constant 0.000000e+00 : f32
    %broadcast_in_dim3A = vector.broadcast %jit3A : f32 to vector<8x128xf32>
    %select_n3A = arith.select %eq3A_11, %dot_general3A_9, %broadcast_in_dim3A : vector<8x128xi1>, vector<8x128xf32>
    %reduce_sum3A = arith.constant dense<0.000000e+00> : vector<128xf32>
    %reduce_sum3A_12 = vector.multi_reduction <add>, %select_n3A, %reduce_sum3A [0] : vector<8x128xf32> to vector<128xf32>
    %broadcast_in_dim3A_13 = vector.shape_cast %reduce_sum3A_12 : vector<128xf32> to vector<1x128xf32>
    %get3A_14 = arith.constant 0 : index
    %get3A_15 = arith.constant 0 : index
    %get3A_16 = arith.constant 0 : index
    %get3A_17 = vector.load %arg1[%get3A_14, %get3A_15, %get3A_16] : memref<1x2048x128xf32, #tpu.memory_space<vmem>>, vector<1x2048x128xf32>
    %get3A_18 = vector.shape_cast %get3A_17 : vector<1x2048x128xf32> to vector<2048x128xf32>
    %get3A_19 = arith.constant 0 : index
    %get3A_20 = arith.constant 0 : index
    %get3A_21 = vector.load %arg4[%get3A_19, %get3A_20] : memref<128x128xf32, #tpu.memory_space<vmem>>, vector<128x128xf32>
    %convert_element_type3A_22 = arith.truncf %get3A_18 : vector<2048x128xf32> to vector<2048x128xbf16>
    %convert_element_type3A_23 = arith.truncf %get3A_21 : vector<128x128xf32> to vector<128x128xbf16>
    %dot_general3A_24 = arith.constant dense<0.000000e+00> : vector<2048x128xf32>
    %dot_general3A_25 = tpu.matmul %convert_element_type3A_22, %convert_element_type3A_23, %dot_general3A_24 {dimension_numbers = #tpu.dot_dimension_numbers<[1], [1], [0], [0], [0, 0, 1, 0], [], []>, transpose_lhs_hint = false} : vector<2048x128xbf16>, vector<128x128xbf16>, vector<2048x128xf32> -> vector<2048x128xf32>
    %get3A_26 = arith.constant 0 : index
    %get3A_27 = arith.constant 0 : index
    %get3A_28 = arith.constant 0 : index
    %get3A_29 = vector.load %arg2[%get3A_26, %get3A_27, %get3A_28] : memref<1x2048x128xf32, #tpu.memory_space<vmem>>, vector<1x2048x128xf32>
    %get3A_30 = vector.shape_cast %get3A_29 : vector<1x2048x128xf32> to vector<2048x128xf32>
    %get3A_31 = arith.constant 0 : index
    %get3A_32 = arith.constant 0 : index
    %get3A_33 = vector.load %arg5[%get3A_31, %get3A_32] : memref<128x128xf32, #tpu.memory_space<vmem>>, vector<128x128xf32>
    %convert_element_type3A_34 = arith.truncf %get3A_30 : vector<2048x128xf32> to vector<2048x128xbf16>
    %convert_element_type3A_35 = arith.truncf %get3A_33 : vector<128x128xf32> to vector<128x128xbf16>
    %dot_general3A_36 = arith.constant dense<0.000000e+00> : vector<2048x128xf32>
    %dot_general3A_37 = tpu.matmul %convert_element_type3A_34, %convert_element_type3A_35, %dot_general3A_36 {dimension_numbers = #tpu.dot_dimension_numbers<[1], [1], [0], [0], [0, 0, 1, 0], [], []>, transpose_lhs_hint = false} : vector<2048x128xbf16>, vector<128x128xbf16>, vector<2048x128xf32> -> vector<2048x128xf32>
    %add3A = arith.addf %dot_general3A_25, %dot_general3A_37 : vector<2048x128xf32>
    %add3A_38 = vector.broadcast %broadcast_in_dim3A_13 : vector<1x128xf32> to vector<2048x128xf32>
    %add3A_39 = arith.addf %add3A, %add3A_38 : vector<2048x128xf32>
    %reduce_sum3A_40 = arith.constant dense<0.000000e+00> : vector<128xf32>
    %reduce_sum3A_41 = vector.multi_reduction <add>, %add3A_39, %reduce_sum3A_40 [0] : vector<2048x128xf32> to vector<128xf32>
    %broadcast_in_dim3A_42 = vector.shape_cast %reduce_sum3A_41 : vector<128xf32> to vector<1x128xf32>
    %mul3A = arith.mulf %add3A_39, %add3A_39 : vector<2048x128xf32>
    %reduce_sum3A_43 = arith.constant dense<0.000000e+00> : vector<128xf32>
    %reduce_sum3A_44 = vector.multi_reduction <add>, %mul3A, %reduce_sum3A_43 [0] : vector<2048x128xf32> to vector<128xf32>
    %broadcast_in_dim3A_45 = vector.shape_cast %reduce_sum3A_44 : vector<128xf32> to vector<1x128xf32>
    %iota3A_46 = tpu.iota {dimensions = array<i32: 0>} : vector<8x128xi32>
    %eq3A_47 = arith.constant 0 : i32
    %eq3A_48 = vector.broadcast %eq3A_47 : i32 to vector<8x128xi32>
    %eq3A_49 = arith.cmpi eq, %iota3A_46, %eq3A_48 : vector<8x128xi32>
    %broadcast_in_dim3A_50 = vector.shape_cast %broadcast_in_dim3A_42 : vector<1x128xf32> to vector<1x128xf32>
    %broadcast_in_dim3A_51 = vector.broadcast %broadcast_in_dim3A_50 : vector<1x128xf32> to vector<8x128xf32>
    %jit3A_52 = arith.constant 0.000000e+00 : f32
    %broadcast_in_dim3A_53 = vector.broadcast %jit3A_52 : f32 to vector<8x128xf32>
    %select_n3A_54 = arith.select %eq3A_49, %broadcast_in_dim3A_51, %broadcast_in_dim3A_53 : vector<8x128xi1>, vector<8x128xf32>
    %eq3A_55 = arith.constant 1 : i32
    %eq3A_56 = vector.broadcast %eq3A_55 : i32 to vector<8x128xi32>
    %eq3A_57 = arith.cmpi eq, %iota3A_46, %eq3A_56 : vector<8x128xi32>
    %broadcast_in_dim3A_58 = vector.shape_cast %broadcast_in_dim3A_45 : vector<1x128xf32> to vector<1x128xf32>
    %broadcast_in_dim3A_59 = vector.broadcast %broadcast_in_dim3A_58 : vector<1x128xf32> to vector<8x128xf32>
    %jit3A_60 = arith.constant 0.000000e+00 : f32
    %broadcast_in_dim3A_61 = vector.broadcast %jit3A_60 : f32 to vector<8x128xf32>
    %select_n3A_62 = arith.select %eq3A_57, %broadcast_in_dim3A_59, %broadcast_in_dim3A_61 : vector<8x128xi1>, vector<8x128xf32>
    %add3A_63 = arith.addf %select_n3A_54, %select_n3A_62 : vector<8x128xf32>
    %get3A_64 = arith.constant 0 : index
    %get3A_65 = arith.constant 0 : index
    %get3A_66 = vector.load %arg7[%get3A_64, %get3A_65] : memref<8x128xf32, #tpu.memory_space<vmem>>, vector<8x128xf32>
    %add3A_67 = arith.addf %get3A_66, %add3A_63 : vector<8x128xf32>
    %swap3A = arith.constant 0 : index
    %swap3A_68 = arith.constant 0 : index
    %swap3A_69 = vector.load %arg7[%swap3A, %swap3A_68] : memref<8x128xf32, #tpu.memory_space<vmem>>, vector<8x128xf32>
    tpu.vector_store %arg7[%swap3A, %swap3A_68], %add3A_67 {strides = array<i32>} : memref<8x128xf32, #tpu.memory_space<vmem>>, vector<8x128xf32>,
    return
  }
  func.func @transform_0(%arg0: i32) -> (i32, i32, i32) {
    %c0_i32 = arith.constant 0 : i32
    %c0_i32_0 = arith.constant 0 : i32
    %c0_i32_1 = arith.constant 0 : i32
    return %arg0, %c0_i32, %c0_i32_0 : i32, i32, i32
  }
  func.func @transform_1(%arg0: i32) -> (i32, i32, i32) {
    %c0_i32 = arith.constant 0 : i32
    %c0_i32_0 = arith.constant 0 : i32
    %c0_i32_1 = arith.constant 0 : i32
    return %arg0, %c0_i32, %c0_i32_0 : i32, i32, i32
  }
  func.func @transform_2(%arg0: i32) -> (i32, i32) {
    %c0_i32 = arith.constant 0 : i32
    %c0_i32_0 = arith.constant 0 : i32
    %c0_i32_1 = arith.constant 0 : i32
    return %c0_i32, %c0_i32_0 : i32, i32
  }
  func.func @transform_3(%arg0: i32) -> (i32, i32) {
    %c0_i32 = arith.constant 0 : i32
    %c0_i32_0 = arith.constant 0 : i32
    %c0_i32_1 = arith.constant 0 : i32
    return %c0_i32, %c0_i32_0 : i32, i32
  }
  func.func @transform_4(%arg0: i32) -> (i32, i32) {
    %c0_i32 = arith.constant 0 : i32
    %c0_i32_0 = arith.constant 0 : i32
    %c0_i32_1 = arith.constant 0 : i32
    return %c0_i32, %c0_i32_0 : i32, i32
  }
  func.func @transform_5(%arg0: i32) -> (i32, i32) {
    %c0_i32 = arith.constant 0 : i32
    %c0_i32_0 = arith.constant 0 : i32
    %c0_i32_1 = arith.constant 0 : i32
    return %c0_i32, %c0_i32_0 : i32, i32
  }
  func.func @transform_6(%arg0: i32) -> (i32, i32) {
    %c0_i32 = arith.constant 0 : i32
    %c0_i32_0 = arith.constant 0 : i32
    %c0_i32_1 = arith.constant 0 : i32
    return %c0_i32, %c0_i32_0 : i32, i32
  }
}

module attributes {stable_mosaic.version = 14 : i64} {
  func.func @_seg_apply_body(%arg0: i32, %arg1: memref<1x2048x128xf32, #tpu.memory_space<vmem>>, %arg2: memref<1x2048x128xf32, #tpu.memory_space<vmem>>, %arg3: memref<8x256xf32, #tpu.memory_space<vmem>>, %arg4: memref<128x128xf32, #tpu.memory_space<vmem>>, %arg5: memref<128x128xf32, #tpu.memory_space<vmem>>, %arg6: memref<128x256xf32, #tpu.memory_space<vmem>>, %arg7: memref<8x128xf32, #tpu.memory_space<vmem>>, %arg8: memref<1x2048x128xf32, #tpu.memory_space<vmem>>) attributes {dimension_semantics = [#tpu.dimension_semantics<arbitrary>], iteration_bounds = array<i64: 8>, scalar_prefetch = 0 : i64, scratch_operands = 0 : i64, tpu.core_type = #tpu.core_type<tc>, window_params = [{transform_indices = @transform_0, window_bounds = array<i64: 1, 2048, 128>}, {transform_indices = @transform_1, window_bounds = array<i64: 1, 2048, 128>}, {pipeline_mode = #tpu.pipeline_mode<synchronous>, transform_indices = @transform_2, window_bounds = array<i64: 8, 256>}, {pipeline_mode = #tpu.pipeline_mode<synchronous>, transform_indices = @transform_3, window_bounds = array<i64: 128, 128>}, {pipeline_mode = #tpu.pipeline_mode<synchronous>, transform_indices = @transform_4, window_bounds = array<i64: 128, 128>}, {pipeline_mode = #tpu.pipeline_mode<synchronous>, transform_indices = @transform_5, window_bounds = array<i64: 128, 256>}, {pipeline_mode = #tpu.pipeline_mode<synchronous>, transform_indices = @transform_6, window_bounds = array<i64: 8, 128>}, {transform_indices = @transform_7, window_bounds = array<i64: 1, 2048, 128>}]} {
    %get3A = arith.constant 0 : index
    %get3A_0 = arith.constant 0 : index
    %get3A_1 = vector.load %arg3[%get3A, %get3A_0] : memref<8x256xf32, #tpu.memory_space<vmem>>, vector<8x256xf32>
    %get3A_2 = arith.constant 0 : index
    %get3A_3 = arith.constant 0 : index
    %get3A_4 = vector.load %arg6[%get3A_2, %get3A_3] : memref<128x256xf32, #tpu.memory_space<vmem>>, vector<128x256xf32>
    %convert_element_type3A = arith.truncf %get3A_1 : vector<8x256xf32> to vector<8x256xbf16>
    %convert_element_type3A_5 = arith.truncf %get3A_4 : vector<128x256xf32> to vector<128x256xbf16>
    %dot_general3A = arith.constant dense<0.000000e+00> : vector<8x128xf32>
    %dot_general3A_6 = tpu.matmul %convert_element_type3A, %convert_element_type3A_5, %dot_general3A {dimension_numbers = #tpu.dot_dimension_numbers<[1], [1], [0], [0], [0, 0, 1, 0], [], []>, transpose_lhs_hint = false} : vector<8x256xbf16>, vector<128x256xbf16>, vector<8x128xf32> -> vector<8x128xf32>
    %iota3A = tpu.iota {dimensions = array<i32: 0>} : vector<8x128xi32>
    %eq3A = vector.broadcast %arg0 : i32 to vector<8x128xi32>
    %eq3A_7 = arith.cmpi eq, %iota3A, %eq3A : vector<8x128xi32>
    %jit3A = arith.constant 0.000000e+00 : f32
    %broadcast_in_dim3A = vector.broadcast %jit3A : f32 to vector<8x128xf32>
    %select_n3A = arith.select %eq3A_7, %dot_general3A_6, %broadcast_in_dim3A : vector<8x128xi1>, vector<8x128xf32>
    %reduce_sum3A = arith.constant dense<0.000000e+00> : vector<128xf32>
    %reduce_sum3A_8 = vector.multi_reduction <add>, %select_n3A, %reduce_sum3A [0] : vector<8x128xf32> to vector<128xf32>
    %broadcast_in_dim3A_9 = vector.shape_cast %reduce_sum3A_8 : vector<128xf32> to vector<1x128xf32>
    %get3A_10 = arith.constant 0 : index
    %get3A_11 = arith.constant 0 : index
    %get3A_12 = arith.constant 0 : index
    %get3A_13 = vector.load %arg1[%get3A_10, %get3A_11, %get3A_12] : memref<1x2048x128xf32, #tpu.memory_space<vmem>>, vector<1x2048x128xf32>
    %get3A_14 = vector.shape_cast %get3A_13 : vector<1x2048x128xf32> to vector<2048x128xf32>
    %get3A_15 = arith.constant 0 : index
    %get3A_16 = arith.constant 0 : index
    %get3A_17 = vector.load %arg4[%get3A_15, %get3A_16] : memref<128x128xf32, #tpu.memory_space<vmem>>, vector<128x128xf32>
    %convert_element_type3A_18 = arith.truncf %get3A_14 : vector<2048x128xf32> to vector<2048x128xbf16>
    %convert_element_type3A_19 = arith.truncf %get3A_17 : vector<128x128xf32> to vector<128x128xbf16>
    %dot_general3A_20 = arith.constant dense<0.000000e+00> : vector<2048x128xf32>
    %dot_general3A_21 = tpu.matmul %convert_element_type3A_18, %convert_element_type3A_19, %dot_general3A_20 {dimension_numbers = #tpu.dot_dimension_numbers<[1], [1], [0], [0], [0, 0, 1, 0], [], []>, transpose_lhs_hint = false} : vector<2048x128xbf16>, vector<128x128xbf16>, vector<2048x128xf32> -> vector<2048x128xf32>
    %get3A_22 = arith.constant 0 : index
    %get3A_23 = arith.constant 0 : index
    %get3A_24 = arith.constant 0 : index
    %get3A_25 = vector.load %arg2[%get3A_22, %get3A_23, %get3A_24] : memref<1x2048x128xf32, #tpu.memory_space<vmem>>, vector<1x2048x128xf32>
    %get3A_26 = vector.shape_cast %get3A_25 : vector<1x2048x128xf32> to vector<2048x128xf32>
    %get3A_27 = arith.constant 0 : index
    %get3A_28 = arith.constant 0 : index
    %get3A_29 = vector.load %arg5[%get3A_27, %get3A_28] : memref<128x128xf32, #tpu.memory_space<vmem>>, vector<128x128xf32>
    %convert_element_type3A_30 = arith.truncf %get3A_26 : vector<2048x128xf32> to vector<2048x128xbf16>
    %convert_element_type3A_31 = arith.truncf %get3A_29 : vector<128x128xf32> to vector<128x128xbf16>
    %dot_general3A_32 = arith.constant dense<0.000000e+00> : vector<2048x128xf32>
    %dot_general3A_33 = tpu.matmul %convert_element_type3A_30, %convert_element_type3A_31, %dot_general3A_32 {dimension_numbers = #tpu.dot_dimension_numbers<[1], [1], [0], [0], [0, 0, 1, 0], [], []>, transpose_lhs_hint = false} : vector<2048x128xbf16>, vector<128x128xbf16>, vector<2048x128xf32> -> vector<2048x128xf32>
    %add3A = arith.addf %dot_general3A_21, %dot_general3A_33 : vector<2048x128xf32>
    %add3A_34 = vector.broadcast %broadcast_in_dim3A_9 : vector<1x128xf32> to vector<2048x128xf32>
    %add3A_35 = arith.addf %add3A, %add3A_34 : vector<2048x128xf32>
    %get3A_36 = arith.constant 0 : index
    %get3A_37 = arith.constant 0 : index
    %get3A_38 = vector.load %arg7[%get3A_36, %get3A_37] : memref<8x128xf32, #tpu.memory_space<vmem>>, vector<1x128xf32>
    %mul3A = vector.broadcast %get3A_38 : vector<1x128xf32> to vector<2048x128xf32>
    %mul3A_39 = arith.mulf %add3A_35, %mul3A : vector<2048x128xf32>
    %get3A_40 = arith.constant 1 : index
    %get3A_41 = arith.constant 0 : index
    %get3A_42 = vector.load %arg7[%get3A_40, %get3A_41] : memref<8x128xf32, #tpu.memory_space<vmem>>, vector<1x128xf32>
    %add3A_43 = vector.broadcast %get3A_42 : vector<1x128xf32> to vector<2048x128xf32>
    %add3A_44 = arith.addf %mul3A_39, %add3A_43 : vector<2048x128xf32>
    %gt3A = arith.constant 0.000000e+00 : f32
    %gt3A_45 = vector.broadcast %gt3A : f32 to vector<2048x128xf32>
    %gt3A_46 = arith.cmpf ogt, %add3A_44, %gt3A_45 : vector<2048x128xf32>
    %mul3A_47 = arith.constant 2.000000e-01 : f32
    %mul3A_48 = vector.broadcast %mul3A_47 : f32 to vector<2048x128xf32>
    %mul3A_49 = arith.mulf %mul3A_48, %add3A_44 : vector<2048x128xf32>
    %select_n3A_50 = arith.select %gt3A_46, %add3A_44, %mul3A_49 : vector<2048x128xi1>, vector<2048x128xf32>
    %swap3A = arith.constant 0 : index
    %swap3A_51 = arith.constant 0 : index
    %swap3A_52 = arith.constant 0 : index
    %swap3A_53 = vector.load %arg8[%swap3A, %swap3A_51, %swap3A_52] : memref<1x2048x128xf32, #tpu.memory_space<vmem>>, vector<1x2048x128xf32>
    %swap3A_54 = vector.shape_cast %swap3A_53 : vector<1x2048x128xf32> to vector<2048x128xf32>
    %swap3A_55 = vector.shape_cast %select_n3A_50 : vector<2048x128xf32> to vector<1x2048x128xf32>
    tpu.vector_store %arg8[%swap3A, %swap3A_51, %swap3A_52], %swap3A_55 {strides = array<i32>} : memref<1x2048x128xf32, #tpu.memory_space<vmem>>, vector<1x2048x128xf32>,
    return
  }
  func.func @transform_0(%arg0: i32) -> (i32, i32, i32) {
    %c0_i32 = arith.constant 0 : i32
    %c0_i32_0 = arith.constant 0 : i32
    %c0_i32_1 = arith.constant 0 : i32
    return %arg0, %c0_i32, %c0_i32_0 : i32, i32, i32
  }
  func.func @transform_1(%arg0: i32) -> (i32, i32, i32) {
    %c0_i32 = arith.constant 0 : i32
    %c0_i32_0 = arith.constant 0 : i32
    %c0_i32_1 = arith.constant 0 : i32
    return %arg0, %c0_i32, %c0_i32_0 : i32, i32, i32
  }
  func.func @transform_2(%arg0: i32) -> (i32, i32) {
    %c0_i32 = arith.constant 0 : i32
    %c0_i32_0 = arith.constant 0 : i32
    %c0_i32_1 = arith.constant 0 : i32
    return %c0_i32, %c0_i32_0 : i32, i32
  }
  func.func @transform_3(%arg0: i32) -> (i32, i32) {
    %c0_i32 = arith.constant 0 : i32
    %c0_i32_0 = arith.constant 0 : i32
    %c0_i32_1 = arith.constant 0 : i32
    return %c0_i32, %c0_i32_0 : i32, i32
  }
  func.func @transform_4(%arg0: i32) -> (i32, i32) {
    %c0_i32 = arith.constant 0 : i32
    %c0_i32_0 = arith.constant 0 : i32
    %c0_i32_1 = arith.constant 0 : i32
    return %c0_i32, %c0_i32_0 : i32, i32
  }
  func.func @transform_5(%arg0: i32) -> (i32, i32) {
    %c0_i32 = arith.constant 0 : i32
    %c0_i32_0 = arith.constant 0 : i32
    %c0_i32_1 = arith.constant 0 : i32
    return %c0_i32, %c0_i32_0 : i32, i32
  }
  func.func @transform_6(%arg0: i32) -> (i32, i32) {
    %c0_i32 = arith.constant 0 : i32
    %c0_i32_0 = arith.constant 0 : i32
    %c0_i32_1 = arith.constant 0 : i32
    return %c0_i32, %c0_i32_0 : i32, i32
  }
  func.func @transform_7(%arg0: i32) -> (i32, i32, i32) {
    %c0_i32 = arith.constant 0 : i32
    %c0_i32_0 = arith.constant 0 : i32
    %c0_i32_1 = arith.constant 0 : i32
    return %arg0, %c0_i32, %c0_i32_0 : i32, i32, i32
  }
}

module attributes {stable_mosaic.version = 14 : i64} {
  func.func @_bmm_body(%arg0: i32, %arg1: memref<1x2048x128xf32, #tpu.memory_space<vmem>>, %arg2: memref<8x128xf32, #tpu.memory_space<vmem>>, %arg3: memref<1x2048x8xf32, #tpu.memory_space<vmem>>) attributes {dimension_semantics = [#tpu.dimension_semantics<arbitrary>], iteration_bounds = array<i64: 8>, scalar_prefetch = 0 : i64, scratch_operands = 0 : i64, tpu.core_type = #tpu.core_type<tc>, window_params = [{transform_indices = @transform_0, window_bounds = array<i64: 1, 2048, 128>}, {pipeline_mode = #tpu.pipeline_mode<synchronous>, transform_indices = @transform_1, window_bounds = array<i64: 8, 128>}, {transform_indices = @transform_2, window_bounds = array<i64: 1, 2048, 8>}]} {
    %get3A = arith.constant 0 : index
    %get3A_0 = arith.constant 0 : index
    %get3A_1 = arith.constant 0 : index
    %get3A_2 = vector.load %arg1[%get3A, %get3A_0, %get3A_1] : memref<1x2048x128xf32, #tpu.memory_space<vmem>>, vector<1x2048x128xf32>
    %get3A_3 = vector.shape_cast %get3A_2 : vector<1x2048x128xf32> to vector<2048x128xf32>
    %get3A_4 = arith.constant 0 : index
    %get3A_5 = arith.constant 0 : index
    %get3A_6 = vector.load %arg2[%get3A_4, %get3A_5] : memref<8x128xf32, #tpu.memory_space<vmem>>, vector<8x128xf32>
    %convert_element_type3A = arith.truncf %get3A_3 : vector<2048x128xf32> to vector<2048x128xbf16>
    %convert_element_type3A_7 = arith.truncf %get3A_6 : vector<8x128xf32> to vector<8x128xbf16>
    %dot_general3A = arith.constant dense<0.000000e+00> : vector<2048x8xf32>
    %dot_general3A_8 = tpu.matmul %convert_element_type3A, %convert_element_type3A_7, %dot_general3A {dimension_numbers = #tpu.dot_dimension_numbers<[1], [1], [0], [0], [0, 0, 1, 0], [], []>, transpose_lhs_hint = false} : vector<2048x128xbf16>, vector<8x128xbf16>, vector<2048x8xf32> -> vector<2048x8xf32>
    %swap3A = arith.constant 0 : index
    %swap3A_9 = arith.constant 0 : index
    %swap3A_10 = arith.constant 0 : index
    %swap3A_11 = vector.load %arg3[%swap3A, %swap3A_9, %swap3A_10] : memref<1x2048x8xf32, #tpu.memory_space<vmem>>, vector<1x2048x8xf32>
    %swap3A_12 = vector.shape_cast %swap3A_11 : vector<1x2048x8xf32> to vector<2048x8xf32>
    %swap3A_13 = vector.shape_cast %dot_general3A_8 : vector<2048x8xf32> to vector<1x2048x8xf32>
    tpu.vector_store %arg3[%swap3A, %swap3A_9, %swap3A_10], %swap3A_13 {strides = array<i32>} : memref<1x2048x8xf32, #tpu.memory_space<vmem>>, vector<1x2048x8xf32>,
    return
  }
  func.func @transform_0(%arg0: i32) -> (i32, i32, i32) {
    %c0_i32 = arith.constant 0 : i32
    %c0_i32_0 = arith.constant 0 : i32
    %c0_i32_1 = arith.constant 0 : i32
    return %arg0, %c0_i32, %c0_i32_0 : i32, i32, i32
  }
  func.func @transform_1(%arg0: i32) -> (i32, i32) {
    %c0_i32 = arith.constant 0 : i32
    %c0_i32_0 = arith.constant 0 : i32
    %c0_i32_1 = arith.constant 0 : i32
    return %c0_i32, %c0_i32_0 : i32, i32
  }
  func.func @transform_2(%arg0: i32) -> (i32, i32, i32) {
    %c0_i32 = arith.constant 0 : i32
    %c0_i32_0 = arith.constant 0 : i32
    %c0_i32_1 = arith.constant 0 : i32
    return %arg0, %c0_i32, %c0_i32_0 : i32, i32, i32
  }
}

</mosaic_0001>

<sc_bundles>
// kernel: kernel.22.cloned.1.call-start
scs
__scs_entry_jumppad:
0x0: {  	(pc) =	sbr.rel $0x88, $3  }
0x1: {  	(tag) =	ssettag $0x0;
	lr =	simm.s32 $0x1  }
0x2: {  	[smem:$0x3F7E] =	sst lr;
	_ =	strace $0xD0000000  }
0x3: {  	_ = 	snop  }
0x4: {  	_ = 	snop  }
0x5: {  	_ = 	snop  }
0x6: {  	_ = 	snop  }
0x7: {  	_ = 	snop  }
__scs_overlays_trampoline_lowered:
0x8: {  	[smem:$0x3F8D] =	sst s0  }
0x9: {  	[smem:$0x3F8E] =	sst s1  }
0xa: {  	[smem:$0x3F8F] =	sst s2  }
0xb: {  	[smem:$0x3F90] =	sst s3  }
0xc: {  	[smem:$0x3F91] =	sst s4  }
0xd: {  	[smem:$0x3F92] =	sst s5  }
0xe: {  	[smem:$0x3F93] =	sst s6  }
0xf: {  	[smem:$0x3F94] =	sst s7  }
0x10: {  	[smem:$0x3F95] =	sst s8  }
0x11: {  	[smem:$0x3F96] =	sst s9;
	s0 =	simm.s32 @!p0 $0x0  }
0x12: {  	s1 =	sld [smem:$0x3F7C];
	s0 =	simm.s32 @p0 $0x1  }
0x13: {  	[smem:$0x3F97] =	sst s0;
	s0 =	simm.s32 @!p1 $0x0  }
0x14: {  	s2 =	sld [smem:$0x3F7B];
	s0 =	simm.s32 @p1 $0x1  }
0x15: {  	[smem:$0x3F98] =	sst s0;
	s0 =	simm.s32 @!p2 $0x0  }
0x16: {  	s3 =	sld [smem:$0x3FDB];
	s0 =	simm.s32 @p2 $0x1  }
0x17: {  	s4 =	simm.s32 $0x1BF5;
	[smem:$0x3F9A] =	sst s0  }
0x18: {  	s0 =	sld [smem:$0x3F7D];
	_ =	swait.ge [sflag:s4], $0x0  }
0x19: {  	s7 =	sld [smem:$0x3F7E]  }
0x1a: {  	s8 =	sadd.s32 $0xFFFFE003, lr  }
0x1b: {  	s9 =	sadd.s32 $0xFFFFFEF7, lr;
	s5 =	simm.s32 $0xFFFFFFFF;
	p2 =	slt.u32 s8, $0xFFFFF086  }
0x1c: {  	p1 =	slt.u32 s9, $0xF7A;
	s5 =	simm.s32 @!p2 $0x0  }
0x1d: {  	s5 =	simm.s32 @p1 $0x1;
	p0 =	seq.s32 s7, s2  }
0x1e: {  	s7 =	smul.u32 @!p0 $0xF7A, s2;
	p2 =	seq.s32 @!p0 s5, $0x0  }
0x1f: {  	s9 =	smul.u32 $0xF7A, s1;
	s8 =	simm.s32 @!p0 $0x1BF5;
	p2 =	por !p2, p0  }
0x20: {  	[sflag:s8] =	ssyncset.s32 @!p0 $0xFFFFF086;
	s6 =	sadd.s32 @!p0 s3, s7;
	s7 =	simm.s32 @!p0 $0x108  }
0x21: {  	s3 =	sadd.s32 s3, s9;
	s6 =	sadd.s32 @!p0 $0x88, s6;
	s7 =	simm.s32 @p2 $0x1082  }
0x22: {  	[simem:s7], [sflag:s8] =	dma.local @!p0 [hbm:s6], $0xF7A  }
0x23: {  	s9 =	sor.u32 $0xD0000000, s2;
	s6 =	simm.s32 $0x108;
	_ =	swait.ge @!p0 [sflag:s8], $0x0  }
0x24: {  	s3 =	sadd.s32 $0x88, s3;
	s6 =	simm.s32 @!p1 $0x1082;
	[sflag:s4] =	ssyncset.s32 $0xFFFFF086  }
0x25: {  	[simem:s6], [sflag:s4] =	dma.local [hbm:s3], $0xF7A  }
0x26: {  	[smem:$0x3F7E] =	sst s1;
	(tag) =	ssettag s2;
	_ =	strace s9  }
0x27: {  	s1 =	sld [smem:$0x3F8E]  }
0x28: {  	s2 =	sld [smem:$0x3F8F]  }
0x29: {  	s4 =	sld [smem:$0x3F91]  }
0x2a: {  	p0 =	seq.s32 s5, $0x0;
	s5 =	sld [smem:$0x3F92]  }
0x2b: {  	s6 =	sld [smem:$0x3F93]  }
0x2c: {  	s7 =	sld [smem:$0x3F94]  }
0x2d: {  	s3 =	simm.s32 $0x108;
	s8 =	sld [smem:$0x3F95]  }
0x2e: {  	s3 =	simm.s32 @!p0 $0x1082;
	s9 =	sld [smem:$0x3F96]  }
0x2f: {  	lr =	sadd.s32 s0, s3;
	s0 =	sld [smem:$0x3F8D]  }
0x30: {  	s3 =	sld [smem:$0x3F90]  }
0x31: {  	[smem:$0x3F99] =	sst s10  }
0x32: {  	s10 =	sld [smem:$0x3F97];
	_ =	sdelay $0x3  }
0x33: {  	p0 =	seq.s32 s10, $0x1;
	s10 =	sld [smem:$0x3F99];
	_ =	sdelay $0x3  }
0x34: {  	[smem:$0x3F99] =	sst s10  }
0x35: {  	s10 =	sld [smem:$0x3F98];
	_ =	sdelay $0x3  }
0x36: {  	p1 =	seq.s32 s10, $0x1;
	s10 =	sld [smem:$0x3F99];
	_ =	sdelay $0x3  }
0x37: {  	[smem:$0x3F99] =	sst s10  }
0x38: {  	s10 =	sld [smem:$0x3F9A]  }
0x39: {  	_ = 	snop;
	(pc) =	sbr.ind lr, $3  }
0x3a: {  	_ = 	snop  }
0x3b: {  	_ = 	snop  }
0x3c: {  	p2 =	seq.s32 s10, $0x1;
	s10 =	sld [smem:$0x3F99]  }
0x3d: {  	_ =	shalt  }
0x3e: {  	_ =	shalt  }
0x3f: {  	_ =	shalt  }
0x40: {  	_ =	shalt  }
0x41: {  	_ =	shalt  }
0x42: {  	_ =	shalt  }
0x43: {  	_ =	shalt  }
0x44: {  	_ =	shalt  }
0x45: {  	_ =	shalt  }
0x46: {  	_ =	shalt  }
0x47: {  	_ =	shalt  }
0x48: {  	_ =	shalt  }
0x49: {  	_ =	shalt  }
0x4a: {  	_ =	shalt  }
0x4b: {  	_ =	shalt  }
0x4c: {  	_ =	shalt  }
0x4d: {  	_ =	shalt  }
0x4e: {  	_ =	shalt  }
0x4f: {  	_ =	shalt  }
0x50: {  	_ =	shalt  }
0x51: {  	_ =	shalt  }
0x52: {  	_ =	shalt  }
0x53: {  	_ =	shalt  }
0x54: {  	_ =	shalt  }
0x55: {  	_ =	shalt  }
0x56: {  	_ =	shalt  }
0x57: {  	_ =	shalt  }
0x58: {  	_ =	shalt  }
0x59: {  	_ =	shalt  }
0x5a: {  	_ =	shalt  }
0x5b: {  	_ =	shalt  }
0x5c: {  	_ =	shalt  }
0x5d: {  	_ =	shalt  }
0x5e: {  	_ =	shalt  }
0x5f: {  	_ =	shalt  }
0x60: {  	_ =	shalt  }
0x61: {  	_ =	shalt  }
0x62: {  	_ =	shalt  }
0x63: {  	_ =	shalt  }
0x64: {  	_ =	shalt  }
0x65: {  	_ =	shalt  }
0x66: {  	_ =	shalt  }
0x67: {  	_ =	shalt  }
0x68: {  	_ =	shalt  }
0x69: {  	_ =	shalt  }
0x6a: {  	_ =	shalt  }
0x6b: {  	_ =	shalt  }
0x6c: {  	_ =	shalt  }
0x6d: {  	_ =	shalt  }
0x6e: {  	_ =	shalt  }
0x6f: {  	_ =	shalt  }
0x70: {  	_ =	shalt  }
0x71: {  	_ =	shalt  }
0x72: {  	_ =	shalt  }
0x73: {  	_ =	shalt  }
0x74: {  	_ =	shalt  }
0x75: {  	_ =	shalt  }
0x76: {  	_ =	shalt  }
0x77: {  	_ =	shalt  }
0x78: {  	_ =	shalt  }
0x79: {  	_ =	shalt  }
0x7a: {  	_ =	shalt  }
0x7b: {  	_ =	shalt  }
0x7c: {  	_ =	shalt  }
0x7d: {  	_ =	shalt  }
0x7e: {  	_ =	shalt  }
0x7f: {  	_ =	shalt  }
0x80: {  	_ =	shalt  }
0x81: {  	_ =	shalt  }
0x82: {  	_ =	shalt  }
0x83: {  	_ =	shalt  }
0x84: {  	_ =	shalt  }
0x85: {  	_ =	shalt  }
0x86: {  	_ =	shalt  }
0x87: {  	_ =	shalt  }
.Lfunc_end0:
.L_simem_size_0:
called_computation_lowered:
.L_overlay_start_0:
0x88: {  	s2 =	sld [smem:$0x3FD9]  }
0x89: {  	s3 =	sld [smem:$0x3FFE];
	_ =	sdelay $0x1  }
0x8a: {  	s1 =	srdreg.scid  }
0x8b: {  	s0 =	sand.u32 $0x1, s1  }
0x8c: {  	s16 =	sshll.u32 s0, $0xA;
	s2 =	sadd.s32 s3, s2  }
0x8d: {  	s2 =	sadd.s32 s2, s16  }
0x8e: {  	[smem:$0x3FA5] =	sst s2  }
0x8f: {  	_ = 	snop  }
0x90: {  	(tm) =	ssettm $0x1  }
0x91: {  	s17 =	sld [smem:$0x3FFB];
	_ =	sdelay $0x3  }
0x92: {  	_ =	strace s17  }
0x93: {  	s2 =	sld [smem:$0x3FFC];
	_ =	sdelay $0x3  }
0x94: {  	_ =	strace s2  }
0x95: {  	s2 =	sld [smem:$0x3FFD];
	_ =	sdelay $0x3  }
0x96: {  	_ =	strace s2  }
0x97: {  	_ =	strace $0x8FFFFFFF  }
0x98: {  	s18 =	sld [smem:$0x3FDB];
	_ =	sdelay $0x1  }
0x99: {  	s19 =	simm.s32 $_scs_section_size  }
0x9a: {  	s4 =	simm.s32 $_size__tile_overlayer_lowered;
	s5 =	simm.s32 $_tile_overlayer_lowered  }
0x9b: {  	s22 =	simm.s32 $0x1BFF;
	s21 =	sshll.u32 s5, $0x1;
	s2 =	sadd.s32 s19, s18  }
0x9c: {  	s6 =	simm.s32 $0x0;
	s20 =	sshll.u32 s4, $0x1;
	s4 =	sadd.s32 s21, s2  }
0x9d: {  	[timem:s6], [sflag:s22] =	dma.local [hbm:s4], s20  }
0x9e: {  	_ =	swait.ge [sflag:s22], s20  }
0x9f: {  	s3 =	ssub.s32 $0x0, s20;
	[sflag:s22] =	ssyncset.done $0x0  }
0xa0: {  	[sflag:s22] =	ssyncadd.s32 s3;
	_ =	sdelay $0x1  }
0xa1: {  	s23 =	simm.s32 $0x1B8B  }
0xa2: {  	_ =	swait.ge [sflag:s23], $0x1  }
0xa3: {  	[sflag:s23] =	ssyncset.done $0x0  }
0xa4: {  	s25 =	simm.s32 $0x1B8E;
	s24 =	sld [smem:$0x3FFE];
	[sflag:s23] =	ssyncadd.s32 $0xFFFFFFFF  }
0xa5: {  	s26 =	simm.s32 $execute0_lowered;
	[smem:$0x3FD2] =	sst s25  }
0xa6: {  	s4 =	sshll.u32 s26, $0x1;
	_ =	strace $0x80000046;
	[dreg:$0x1] =	wrdreg $0xFFFFFFFF  }
0xa7: {  	s28 =	simm.s32 $_size_execute0_lowered;
	s2 =	sadd.s32 s2, s4;
	[dreg:$0x0] =	wrdreg $0x0  }
0xa8: {  	s4 =	sshll.u32 s28, $0x1;
	[dreg:$0x2] =	wrdreg s2  }
0xa9: {  	[dreg:$0x3] =	wrdreg s4  }
0xaa: {  	[dreg:$0x4] =	wrdreg $0xC0  }
0xab: {  	_ =	task [dreg:s6], $0x5FFFF  }
0xac: {  	[dreg:$0x1] =	wrdreg $0xFFFFFFFF  }
0xad: {  	[dreg:$0x0] =	wrdreg $0x60  }
0xae: {  	[dreg:$0x2] =	wrdreg s24  }
0xaf: {  	[dreg:$0x3] =	wrdreg $0x9  }
0xb0: {  	_ =	task.clear_ibuf [dreg:s6], $0x4FFFF;
	_ =	strace $0x90000046  }
0xb1: {  	s29 =	simm.s32 $0x9;
	_ =	strace $0x80000048  }
0xb2: {  	_ =	swait.ge [sflag:s29], $0x1  }
0xb3: {  	[sflag:s29] =	ssyncadd.s32 $0xFFFFFFFF  }
0xb4: {  	_ =	strace $0x90000048  }
0xb5: {  	_ =	sfence  }
0xb6: {  	s30 =	sld [smem:$0x0];
	_ =	sdelay $0x2  }
0xb7: {  	s31 =	sshll.u32 s1, $0xD;
	s1 =	sshrl.u32 s1, $0x2  }
0xb8: {  	s3 =	sand.u32 $0x4000, s31;
	s1 =	sadd.s32 s1, s30  }
0xb9: {  	s0 =	sor.u32 s3, s0;
	s1 =	sshll.u32 s1, $0x11  }
0xba: {  	s0 =	sor.u32 s1, s0  }
0xbb: {  	s0 =	sadd.s32 $0x8F2B, s0  }
0xbc: {  	[sflag:s0] =	ssyncadd.remote.s32 $0x1  }
0xbd: {  	_ =	sfence.sel $0xFFFF  }
0xbe: {  	[dreg:$0x0] =	wrdreg $0xFFFFFFFF;
	(pc) =	sbr.abs _section_cstart, $3  }
0xbf: {  	[dreg:$0x1] =	wrdreg $0xFFFFFFFF  }
0xc0: {  	_ =	task.clear_ibuf [dreg:s6], $0x2FFFF;
	_ =	strace $0x9FFFFFFF  }
0xc1: {  	(tm) =	ssettm $0x7FFFFFFF  }
tec
execute0_lowered:
.L_overlay_start_1:
0x0: {  	(tag) =	ssettag $0x1  }
0x1: {  	s4 =	rddreg [dreg:$0x0]  }
0x2: {  	s0 =	rddreg [dreg:$0x1];
	s2 =	simm.s32 $0x0;
	s1 =	stileid.u32  }
0x3: {  	s3 =	srdreg.scid;
	s17 =	simm.s32 $0x1;
	s9 =	smul.u32 $0x280000, s1  }
0x4: {  	s18 =	simm.s32 $0x2;
	s19 =	simm.s32 $0x0;
	s14 =	smul.u32 $0x5000, s1  }
0x5: {  	[smem:$0x7FF] =	sst s2;
	s10 =	sand.u32 $0x1, s3;
	s28 =	smul.u32 $0x50000, s1  }
0x6: {  	s22 =	sshll.u32 s1, $0x1;
	s3 =	sadd.s32 $0x4B400, s4;
	s13 =	smul.u32 $0x140000, s10  }
0x7: {  	s12 =	sadd.s32 $0x8B400, s4;
	s11 =	sadd.s32 $0x95400, s4;
	s16 =	smul.u32 $0x2800, s10  }
0x8: {  	s5 =	sor.u32 s10, s22;
	s6 =	ssub.s32 $0x2, s10;
	s30 =	smul.u32 $0x28000, s10  }
0x9: {  	_ =	strace $0x80000047;
	s7 =	smul.u32 $0x2800, s5;
	s23 =	sshrl.u32 s6, $0x1  }
0xa: {  	s8 =	smul.u32 $0x140000, s5;
	s6 =	ssub.s32 s6, s23;
	s9 =	sadd.s32 s13, s9  }
0xb: {  	s26 =	sadd.s32 s16, s14;
	s14 =	simm.s32 $0x100;
	s16 =	simm.s32 $0x8200  }
0xc: {  	s24 =	sshrl.u32 s7, $0x3;
	s7 =	sadd.s32 $0x2700, s7;
	s5 =	smax.u32 s6, $0x1  }
0xd: {  	s8 =	sshrl.u32 s8, $0x3;
	s9 =	sshrl.u32 s9, $0x3;
	s29 =	sor.u32 $0x200, s26  }
0xe: {  	s13 =	sor.u32 $0x100, s26;
	s4 =	sadd.s32 s12, s24;
	s25 =	sshrl.u32 s7, $0x3  }
0xf: {  	s8 =	sadd.s32 s11, s8;
	s15 =	sshll.u32 s7, $0x4;
	s9 =	sadd.s32 s9, s11  }
0x10: {  	s31 =	sshrl.u32 s29, $0x3;
	s13 =	sshrl.u32 s13, $0x3;
	s6 =	sadd.s32 s12, s25  }
0x11: {  	s7 =	sadd.s32 $0x26000, s8;
	s8 =	sadd.s32 s11, s15;
	s11 =	sadd.s32 s28, s11  }
0x12: {  	s10 =	sadd.s32 s31, s12;
	s12 =	sadd.s32 s13, s12;
	s11 =	sadd.s32 s30, s11  }
0x13: {  	s13 =	simm.s32 $0x3;
	s15 =	simm.s32 $0x200;
	s11 =	sadd.s32 $0x1000, s11  }
.LBB2_1:
0x14: {  	[tilespmem:s2], [sflag:$0x3] =	stream.linear.gather [hbm4b:s4+s2], $0x100, $0x38;
	[tilespmem:$0x10200] =	vst v63  }
0x15: {  	_ =	swait.ge [sflag:s13], $0x100  }
0x16: {  	[sflag:s13] =	ssyncset.done $0x0  }
0x17: {  	[sflag:s13] =	ssyncadd.s32 $0xFFFFFF00  }
0x18: {  	[tilespmem:s15], [sflag:$0x1] =	stream.indirect.gather [hbm4b:s3+s14], $0x80, s2, s14, $0xb8;
	[tilespmem:$0x10200] =	vst v63  }
0x19: {  	s20 =	sadd.s32 $0x0, s12  }
0x1a: {  	[tilespmem:s14], [sflag:$0x3] =	stream.linear.gather [hbm4b:s20+s2], $0x100, $0x38;
	[tilespmem:$0x10200] =	vst v63  }
0x1b: {  	_ =	swait.ge [sflag:s13], $0x100  }
0x1c: {  	[sflag:s13] =	ssyncset.done $0x0  }
0x1d: {  	[sflag:s13] =	ssyncadd.s32 $0xFFFFFF00  }
0x1e: {  	[tilespmem:s16], [sflag:$0x2] =	stream.indirect.gather [hbm4b:s3+s14], $0x80, s14, s14, $0xb8;
	[tilespmem:$0x10200] =	vst v63  }
0x1f: {  	_ =	swait.ge [sflag:s17], $0x8000  }
0x20: {  	[sflag:s17] =	ssyncset.done $0x0  }
0x21: {  	[sflag:s17] =	ssyncadd.s32 $0xFFFF8000  }
0x22: {  	[hbm4b:s9+s2] =	stream.linear.scatter [tilespmem:s15], [sflag:$0x3], $0x8000, $0x38;
	[tilespmem:$0x10200] =	vst v63  }
0x23: {  	_ =	swait.ge [sflag:s13], $0x8000  }
0x24: {  	[sflag:s13] =	ssyncset.done $0x0  }
0x25: {  	s31 =	sadd.s32 $0x0, s10;
	[sflag:s13] =	ssyncadd.s32 $0xFFFF8000  }
0x26: {  	[tilespmem:s2], [sflag:$0x3] =	stream.linear.gather [hbm4b:s31+s2], $0x100, $0x38;
	[tilespmem:$0x10200] =	vst v63  }
0x27: {  	_ =	swait.ge [sflag:s13], $0x100  }
0x28: {  	[sflag:s13] =	ssyncset.done $0x0  }
0x29: {  	[sflag:s13] =	ssyncadd.s32 $0xFFFFFF00  }
0x2a: {  	[tilespmem:s15], [sflag:$0x1] =	stream.indirect.gather [hbm4b:s3+s14], $0x80, s2, s14, $0xb8;
	[tilespmem:$0x10200] =	vst v63  }
0x2b: {  	_ =	swait.ge [sflag:s18], $0x8000  }
0x2c: {  	[sflag:s18] =	ssyncset.done $0x0  }
0x2d: {  	[sflag:s18] =	ssyncadd.s32 $0xFFFF8000  }
0x2e: {  	[hbm4b:s11+s2] =	stream.linear.scatter [tilespmem:s16], [sflag:$0x3], $0x8000, $0x38;
	[tilespmem:$0x10200] =	vst v63  }
0x2f: {  	s21 =	simm.s32 $0x40;
	s23 =	simm.s32 $0x80;
	_ =	swait.ge [sflag:s13], $0x8000  }
0x30: {  	s22 =	sadd.s32 $0x2000, s9;
	s20 =	sadd.s32 $0x2000, s11;
	[sflag:s13] =	ssyncset.done $0x0  }
.LBB2_2:
0x31: {  	s24 =	sadd.s32 s21, s12  }
0x32: {  	[sflag:s13] =	ssyncadd.s32 $0xFFFF8000;
	s25 =	smov.u32 s23;
	s26 =	sadd.s32 $0x40, s23  }
0x33: {  	[tilespmem:s14], [sflag:$0x3] =	stream.linear.gather [hbm4b:s24+s2], $0x100, $0x38;
	[tilespmem:$0x10200] =	vst v63  }
0x34: {  	p0 =	sne.s32 s23, $0x480;
	_ =	swait.ge [sflag:s13], $0x100  }
0x35: {  	[sflag:s13] =	ssyncset.done $0x0  }
0x36: {  	[sflag:s13] =	ssyncadd.s32 $0xFFFFFF00  }
0x37: {  	[tilespmem:s16], [sflag:$0x2] =	stream.indirect.gather [hbm4b:s3+s14], $0x80, s14, s14, $0xb8;
	[tilespmem:$0x10200] =	vst v63  }
0x38: {  	_ =	swait.ge [sflag:s17], $0x8000  }
0x39: {  	[sflag:s17] =	ssyncset.done $0x0  }
0x3a: {  	[sflag:s17] =	ssyncadd.s32 $0xFFFF8000  }
0x3b: {  	[hbm4b:s22+s2] =	stream.linear.scatter [tilespmem:s15], [sflag:$0x3], $0x8000, $0x38;
	[tilespmem:$0x10200] =	vst v63  }
0x3c: {  	_ =	swait.ge [sflag:s13], $0x8000  }
0x3d: {  	[sflag:s13] =	ssyncset.done $0x0  }
0x3e: {  	s23 =	sadd.s32 s21, s10;
	s21 =	smov.u32 s25;
	[sflag:s13] =	ssyncadd.s32 $0xFFFF8000  }
0x3f: {  	[tilespmem:s2], [sflag:$0x3] =	stream.linear.gather [hbm4b:s23+s2], $0x100, $0x38;
	[tilespmem:$0x10200] =	vst v63  }
0x40: {  	_ =	swait.ge [sflag:s13], $0x100  }
0x41: {  	[sflag:s13] =	ssyncset.done $0x0  }
0x42: {  	[sflag:s13] =	ssyncadd.s32 $0xFFFFFF00  }
0x43: {  	[tilespmem:s15], [sflag:$0x1] =	stream.indirect.gather [hbm4b:s3+s14], $0x80, s2, s14, $0xb8;
	[tilespmem:$0x10200] =	vst v63  }
0x44: {  	_ =	swait.ge [sflag:s18], $0x8000  }
.Ltmp0:
0x45: {  	[sflag:s18] =	ssyncset.done $0x0;
	(pc) =	sbr.rel @p0 .LBB2_2-.Ltmp0, $4  }
0x46: {  	[sflag:s18] =	ssyncadd.s32 $0xFFFF8000  }
0x47: {  	[hbm4b:s20+s2] =	stream.linear.scatter [tilespmem:s16], [sflag:$0x3], $0x8000, $0x38;
	[tilespmem:$0x10200] =	vst v63  }
0x48: {  	s22 =	sadd.s32 $0x2000, s22;
	_ =	swait.ge [sflag:s13], $0x8000  }
0x49: {  	s23 =	smov.u32 s26;
	s20 =	sadd.s32 $0x2000, s20;
	[sflag:s13] =	ssyncset.done $0x0  }
0x4a: {  	s23 =	sadd.s32 s21, s12;
	[sflag:s13] =	ssyncadd.s32 $0xFFFF8000  }
0x4b: {  	[tilespmem:s14], [sflag:$0x3] =	stream.linear.gather [hbm4b:s23+s2], $0x100, $0x38;
	[tilespmem:$0x10200] =	vst v63  }
0x4c: {  	_ =	swait.ge [sflag:s13], $0x100  }
0x4d: {  	[sflag:s13] =	ssyncset.done $0x0  }
0x4e: {  	[sflag:s13] =	ssyncadd.s32 $0xFFFFFF00  }
0x4f: {  	[tilespmem:s16], [sflag:$0x2] =	stream.indirect.gather [hbm4b:s3+s14], $0x80, s14, s14, $0xb8;
	[tilespmem:$0x10200] =	vst v63  }
0x50: {  	_ =	swait.ge [sflag:s17], $0x8000  }
0x51: {  	[sflag:s17] =	ssyncset.done $0x0  }
0x52: {  	[sflag:s17] =	ssyncadd.s32 $0xFFFF8000  }
0x53: {  	[hbm4b:s22+s2] =	stream.linear.scatter [tilespmem:s15], [sflag:$0x3], $0x8000, $0x38;
	[tilespmem:$0x10200] =	vst v63  }
0x54: {  	_ =	swait.ge [sflag:s13], $0x8000  }
0x55: {  	[sflag:s13] =	ssyncset.done $0x0  }
0x56: {  	s31 =	sadd.s32 s21, s10;
	[sflag:s13] =	ssyncadd.s32 $0xFFFF8000  }
0x57: {  	[tilespmem:s2], [sflag:$0x3] =	stream.linear.gather [hbm4b:s31+s2], $0x100, $0x38;
	[tilespmem:$0x10200] =	vst v63  }
0x58: {  	_ =	swait.ge [sflag:s13], $0x100  }
0x59: {  	[sflag:s13] =	ssyncset.done $0x0  }
0x5a: {  	[sflag:s13] =	ssyncadd.s32 $0xFFFFFF00  }
0x5b: {  	[tilespmem:s15], [sflag:$0x1] =	stream.indirect.gather [hbm4b:s3+s14], $0x80, s2, s14, $0xb8;
	[tilespmem:$0x10200] =	vst v63  }
0x5c: {  	_ =	swait.ge [sflag:s18], $0x8000  }
0x5d: {  	[sflag:s18] =	ssyncset.done $0x0  }
0x5e: {  	[sflag:s18] =	ssyncadd.s32 $0xFFFF8000  }
0x5f: {  	[hbm4b:s20+s2] =	stream.linear.scatter [tilespmem:s16], [sflag:$0x3], $0x8000, $0x38;
	[tilespmem:$0x10200] =	vst v63  }
0x60: {  	_ =	swait.ge [sflag:s13], $0x8000  }
0x61: {  	[sflag:s13] =	ssyncset.done $0x0  }
0x62: {  	[sflag:s13] =	ssyncadd.s32 $0xFFFF8000  }
0x63: {  	[tilespmem:s14], [sflag:$0x3] =	stream.linear.gather [hbm4b:s6+s2], $0x100, $0x38;
	[tilespmem:$0x10200] =	vst v63  }
0x64: {  	_ =	swait.ge [sflag:s13], $0x100  }
0x65: {  	[sflag:s13] =	ssyncset.done $0x0  }
0x66: {  	[sflag:s13] =	ssyncadd.s32 $0xFFFFFF00  }
0x67: {  	[tilespmem:s16], [sflag:$0x2] =	stream.indirect.gather [hbm4b:s3+s14], $0x80, s14, s14, $0xb8;
	[tilespmem:$0x10200] =	vst v63  }
0x68: {  	_ =	swait.ge [sflag:s17], $0x8000  }
0x69: {  	[sflag:s17] =	ssyncset.done $0x0  }
0x6a: {  	[sflag:s17] =	ssyncadd.s32 $0xFFFF8000  }
0x6b: {  	[hbm4b:s7+s2] =	stream.linear.scatter [tilespmem:s15], [sflag:$0x3], $0x8000, $0x38;
	[tilespmem:$0x10200] =	vst v63  }
0x6c: {  	_ =	swait.ge [sflag:s13], $0x8000  }
0x6d: {  	[sflag:s13] =	ssyncset.done $0x0  }
0x6e: {  	[sflag:s13] =	ssyncadd.s32 $0xFFFF8000  }
0x6f: {  	s19 =	sadd.s32 $0x1, s19;
	_ =	swait.ge [sflag:s18], $0x8000  }
0x70: {  	p0 =	sne.s32 s19, s5;
	[sflag:s18] =	ssyncset.done $0x0  }
.Ltmp1:
0x71: {  	[sflag:s18] =	ssyncadd.s32 $0xFFFF8000;
	(pc) =	sbr.rel @p0 .LBB2_1-.Ltmp1, $4  }
0x72: {  	[hbm4b:s8+s2] =	stream.linear.scatter [tilespmem:s16], [sflag:$0x3], $0x8000, $0x38;
	[tilespmem:$0x10200] =	vst v63  }
0x73: {  	_ =	swait.ge [sflag:s13], $0x8000  }
0x74: {  	[sflag:s13] =	ssyncset.done $0x0  }
0x75: {  	[sflag:s13] =	ssyncadd.s32 $0xFFFF8000  }
0x76: {  	_ =	sfence.sel $0x180000  }
0x77: {  	[bflag:$0x0] =	sbarrier.arrive $0xFFFF  }
0x78: {  	p0 =	sne.s32 s1, $0x0;
	_ =	strace $0x90000047  }
0x79: {  	s0 =	sadd.s32 @!p0 $0x100000, s0;
	[bflag:$0x2] =	sbarrier.arrive $0xFFFF  }
0x7a: {  	[sflag:s0] =	ssyncadd.tile.s32 @!p0 $0x1;
	_ =	shalt  }
.Lfunc_end2:
_tile_overlayer_lowered:
.L_overlay_start_2:
0x7b: {  	(tag) =	ssettag $0x2  }
0x7c: {  	s0 =	rddreg [dreg:$0x0];
	s2 =	stileid.u32  }
0x7d: {  	s1 =	rddreg [dreg:$0x1];
	p0 =	sne.s32 s2, $0x0  }
0x7e: {  	s3 =	rddreg [dreg:$0x2];
	[bflag:$0x3] =	sbarrier.arrive $0xFFFF;
	s2 =	simm.s32 @!p0 $0x1C03  }
0x7f: {  	[timem:s3], [sflag:s2] =	dma.local @!p0 [hbm:s0], s1  }
0x80: {  	s0 =	simm.s32 @!p0 $0x3  }
0x81: {  	_ =	swait.ge @!p0 [sflag:s0], s1  }
0x82: {  	s1 =	ssub.s32 @!p0 $0x0, s1;
	[sflag:s0] =	ssyncset.done @!p0 $0x0  }
0x83: {  	[sflag:s0] =	ssyncadd.s32 @!p0 s1  }
0x84: {  	[bflag:$0x3] =	sbarrier.arrive $0xFFFF  }
0x85: {  	_ =	shalt  }

// kernel: kernel.25.cloned.1.call-start
scs
__scs_entry_jumppad:
0x0: {  	(pc) =	sbr.rel $0x88, $3  }
0x1: {  	(tag) =	ssettag $0x0;
	lr =	simm.s32 $0x1  }
0x2: {  	[smem:$0x3F7E] =	sst lr;
	_ =	strace $0xD0000000  }
0x3: {  	_ = 	snop  }
0x4: {  	_ = 	snop  }
0x5: {  	_ = 	snop  }
0x6: {  	_ = 	snop  }
0x7: {  	_ = 	snop  }
__scs_overlays_trampoline_lowered:
0x8: {  	[smem:$0x3F8D] =	sst s0  }
0x9: {  	[smem:$0x3F8E] =	sst s1  }
0xa: {  	[smem:$0x3F8F] =	sst s2  }
0xb: {  	[smem:$0x3F90] =	sst s3  }
0xc: {  	[smem:$0x3F91] =	sst s4  }
0xd: {  	[smem:$0x3F92] =	sst s5  }
0xe: {  	[smem:$0x3F93] =	sst s6  }
0xf: {  	[smem:$0x3F94] =	sst s7  }
0x10: {  	[smem:$0x3F95] =	sst s8  }
0x11: {  	[smem:$0x3F96] =	sst s9;
	s0 =	simm.s32 @!p0 $0x0  }
0x12: {  	s1 =	sld [smem:$0x3F7C];
	s0 =	simm.s32 @p0 $0x1  }
0x13: {  	[smem:$0x3F97] =	sst s0;
	s0 =	simm.s32 @!p1 $0x0  }
0x14: {  	s2 =	sld [smem:$0x3F7B];
	s0 =	simm.s32 @p1 $0x1  }
0x15: {  	[smem:$0x3F98] =	sst s0;
	s0 =	simm.s32 @!p2 $0x0  }
0x16: {  	s3 =	sld [smem:$0x3FDB];
	s0 =	simm.s32 @p2 $0x1  }
0x17: {  	s4 =	simm.s32 $0x1BF5;
	[smem:$0x3F9A] =	sst s0  }
0x18: {  	s0 =	sld [smem:$0x3F7D];
	_ =	swait.ge [sflag:s4], $0x0  }
0x19: {  	s7 =	sld [smem:$0x3F7E]  }
0x1a: {  	s8 =	sadd.s32 $0xFFFFE003, lr  }
0x1b: {  	s9 =	sadd.s32 $0xFFFFFEF7, lr;
	s5 =	simm.s32 $0xFFFFFFFF;
	p2 =	slt.u32 s8, $0xFFFFF086  }
0x1c: {  	p1 =	slt.u32 s9, $0xF7A;
	s5 =	simm.s32 @!p2 $0x0  }
0x1d: {  	s5 =	simm.s32 @p1 $0x1;
	p0 =	seq.s32 s7, s2  }
0x1e: {  	s7 =	smul.u32 @!p0 $0xF7A, s2;
	p2 =	seq.s32 @!p0 s5, $0x0  }
0x1f: {  	s9 =	smul.u32 $0xF7A, s1;
	s8 =	simm.s32 @!p0 $0x1BF5;
	p2 =	por !p2, p0  }
0x20: {  	[sflag:s8] =	ssyncset.s32 @!p0 $0xFFFFF086;
	s6 =	sadd.s32 @!p0 s3, s7;
	s7 =	simm.s32 @!p0 $0x108  }
0x21: {  	s3 =	sadd.s32 s3, s9;
	s6 =	sadd.s32 @!p0 $0x88, s6;
	s7 =	simm.s32 @p2 $0x1082  }
0x22: {  	[simem:s7], [sflag:s8] =	dma.local @!p0 [hbm:s6], $0xF7A  }
0x23: {  	s9 =	sor.u32 $0xD0000000, s2;
	s6 =	simm.s32 $0x108;
	_ =	swait.ge @!p0 [sflag:s8], $0x0  }
0x24: {  	s3 =	sadd.s32 $0x88, s3;
	s6 =	simm.s32 @!p1 $0x1082;
	[sflag:s4] =	ssyncset.s32 $0xFFFFF086  }
0x25: {  	[simem:s6], [sflag:s4] =	dma.local [hbm:s3], $0xF7A  }
0x26: {  	[smem:$0x3F7E] =	sst s1;
	(tag) =	ssettag s2;
	_ =	strace s9  }
0x27: {  	s1 =	sld [smem:$0x3F8E]  }
0x28: {  	s2 =	sld [smem:$0x3F8F]  }
0x29: {  	s4 =	sld [smem:$0x3F91]  }
0x2a: {  	p0 =	seq.s32 s5, $0x0;
	s5 =	sld [smem:$0x3F92]  }
0x2b: {  	s6 =	sld [smem:$0x3F93]  }
0x2c: {  	s7 =	sld [smem:$0x3F94]  }
0x2d: {  	s3 =	simm.s32 $0x108;
	s8 =	sld [smem:$0x3F95]  }
0x2e: {  	s3 =	simm.s32 @!p0 $0x1082;
	s9 =	sld [smem:$0x3F96]  }
0x2f: {  	lr =	sadd.s32 s0, s3;
	s0 =	sld [smem:$0x3F8D]  }
0x30: {  	s3 =	sld [smem:$0x3F90]  }
0x31: {  	[smem:$0x3F99] =	sst s10  }
0x32: {  	s10 =	sld [smem:$0x3F97];
	_ =	sdelay $0x3  }
0x33: {  	p0 =	seq.s32 s10, $0x1;
	s10 =	sld [smem:$0x3F99];
	_ =	sdelay $0x3  }
0x34: {  	[smem:$0x3F99] =	sst s10  }
0x35: {  	s10 =	sld [smem:$0x3F98];
	_ =	sdelay $0x3  }
0x36: {  	p1 =	seq.s32 s10, $0x1;
	s10 =	sld [smem:$0x3F99];
	_ =	sdelay $0x3  }
0x37: {  	[smem:$0x3F99] =	sst s10  }
0x38: {  	s10 =	sld [smem:$0x3F9A]  }
0x39: {  	_ = 	snop;
	(pc) =	sbr.ind lr, $3  }
0x3a: {  	_ = 	snop  }
0x3b: {  	_ = 	snop  }
0x3c: {  	p2 =	seq.s32 s10, $0x1;
	s10 =	sld [smem:$0x3F99]  }
0x3d: {  	_ =	shalt  }
0x3e: {  	_ =	shalt  }
0x3f: {  	_ =	shalt  }
0x40: {  	_ =	shalt  }
0x41: {  	_ =	shalt  }
0x42: {  	_ =	shalt  }
0x43: {  	_ =	shalt  }
0x44: {  	_ =	shalt  }
0x45: {  	_ =	shalt  }
0x46: {  	_ =	shalt  }
0x47: {  	_ =	shalt  }
0x48: {  	_ =	shalt  }
0x49: {  	_ =	shalt  }
0x4a: {  	_ =	shalt  }
0x4b: {  	_ =	shalt  }
0x4c: {  	_ =	shalt  }
0x4d: {  	_ =	shalt  }
0x4e: {  	_ =	shalt  }
0x4f: {  	_ =	shalt  }
0x50: {  	_ =	shalt  }
0x51: {  	_ =	shalt  }
0x52: {  	_ =	shalt  }
0x53: {  	_ =	shalt  }
0x54: {  	_ =	shalt  }
0x55: {  	_ =	shalt  }
0x56: {  	_ =	shalt  }
0x57: {  	_ =	shalt  }
0x58: {  	_ =	shalt  }
0x59: {  	_ =	shalt  }
0x5a: {  	_ =	shalt  }
0x5b: {  	_ =	shalt  }
0x5c: {  	_ =	shalt  }
0x5d: {  	_ =	shalt  }
0x5e: {  	_ =	shalt  }
0x5f: {  	_ =	shalt  }
0x60: {  	_ =	shalt  }
0x61: {  	_ =	shalt  }
0x62: {  	_ =	shalt  }
0x63: {  	_ =	shalt  }
0x64: {  	_ =	shalt  }
0x65: {  	_ =	shalt  }
0x66: {  	_ =	shalt  }
0x67: {  	_ =	shalt  }
0x68: {  	_ =	shalt  }
0x69: {  	_ =	shalt  }
0x6a: {  	_ =	shalt  }
0x6b: {  	_ =	shalt  }
0x6c: {  	_ =	shalt  }
0x6d: {  	_ =	shalt  }
0x6e: {  	_ =	shalt  }
0x6f: {  	_ =	shalt  }
0x70: {  	_ =	shalt  }
0x71: {  	_ =	shalt  }
0x72: {  	_ =	shalt  }
0x73: {  	_ =	shalt  }
0x74: {  	_ =	shalt  }
0x75: {  	_ =	shalt  }
0x76: {  	_ =	shalt  }
0x77: {  	_ =	shalt  }
0x78: {  	_ =	shalt  }
0x79: {  	_ =	shalt  }
0x7a: {  	_ =	shalt  }
0x7b: {  	_ =	shalt  }
0x7c: {  	_ =	shalt  }
0x7d: {  	_ =	shalt  }
0x7e: {  	_ =	shalt  }
0x7f: {  	_ =	shalt  }
0x80: {  	_ =	shalt  }
0x81: {  	_ =	shalt  }
0x82: {  	_ =	shalt  }
0x83: {  	_ =	shalt  }
0x84: {  	_ =	shalt  }
0x85: {  	_ =	shalt  }
0x86: {  	_ =	shalt  }
0x87: {  	_ =	shalt  }
.Lfunc_end0:
.L_simem_size_0:
called_computation.1_lowered:
.L_overlay_start_0:
0x88: {  	s2 =	sld [smem:$0x3FD9]  }
0x89: {  	s3 =	sld [smem:$0x3FFE];
	_ =	sdelay $0x1  }
0x8a: {  	s1 =	srdreg.scid  }
0x8b: {  	s0 =	sand.u32 $0x1, s1  }
0x8c: {  	s16 =	sshll.u32 s0, $0xA;
	s2 =	sadd.s32 s3, s2  }
0x8d: {  	s2 =	sadd.s32 s2, s16  }
0x8e: {  	[smem:$0x3FA5] =	sst s2  }
0x8f: {  	_ = 	snop  }
0x90: {  	(tm) =	ssettm $0x1  }
0x91: {  	s17 =	sld [smem:$0x3FFB];
	_ =	sdelay $0x3  }
0x92: {  	_ =	strace s17  }
0x93: {  	s2 =	sld [smem:$0x3FFC];
	_ =	sdelay $0x3  }
0x94: {  	_ =	strace s2  }
0x95: {  	s2 =	sld [smem:$0x3FFD];
	_ =	sdelay $0x3  }
0x96: {  	_ =	strace s2  }
0x97: {  	_ =	strace $0x8FFFFFFF  }
0x98: {  	s18 =	sld [smem:$0x3FDB];
	_ =	sdelay $0x1  }
0x99: {  	s19 =	simm.s32 $_scs_section_size  }
0x9a: {  	s4 =	simm.s32 $_size__tile_overlayer_lowered;
	s5 =	simm.s32 $_tile_overlayer_lowered  }
0x9b: {  	s22 =	simm.s32 $0x1BFF;
	s21 =	sshll.u32 s5, $0x1;
	s2 =	sadd.s32 s19, s18  }
0x9c: {  	s6 =	simm.s32 $0x0;
	s20 =	sshll.u32 s4, $0x1;
	s4 =	sadd.s32 s21, s2  }
0x9d: {  	[timem:s6], [sflag:s22] =	dma.local [hbm:s4], s20  }
0x9e: {  	_ =	swait.ge [sflag:s22], s20  }
0x9f: {  	s3 =	ssub.s32 $0x0, s20;
	[sflag:s22] =	ssyncset.done $0x0  }
0xa0: {  	[sflag:s22] =	ssyncadd.s32 s3;
	_ =	sdelay $0x1  }
0xa1: {  	s23 =	simm.s32 $0x1B8B  }
0xa2: {  	_ =	swait.ge [sflag:s23], $0x1  }
0xa3: {  	[sflag:s23] =	ssyncset.done $0x0  }
0xa4: {  	s25 =	simm.s32 $0x1B8E;
	s24 =	sld [smem:$0x3FFE];
	[sflag:s23] =	ssyncadd.s32 $0xFFFFFFFF  }
0xa5: {  	s26 =	simm.s32 $execute0_lowered;
	[smem:$0x3FD2] =	sst s25  }
0xa6: {  	s4 =	sshll.u32 s26, $0x1;
	_ =	strace $0x80000049;
	[dreg:$0x1] =	wrdreg $0xFFFFFFFF  }
0xa7: {  	s28 =	simm.s32 $_size_execute0_lowered;
	s2 =	sadd.s32 s2, s4;
	[dreg:$0x0] =	wrdreg $0x0  }
0xa8: {  	s4 =	sshll.u32 s28, $0x1;
	[dreg:$0x2] =	wrdreg s2  }
0xa9: {  	[dreg:$0x3] =	wrdreg s4  }
0xaa: {  	[dreg:$0x4] =	wrdreg $0xC0  }
0xab: {  	_ =	task [dreg:s6], $0x5FFFF  }
0xac: {  	[dreg:$0x1] =	wrdreg $0xFFFFFFFF  }
0xad: {  	[dreg:$0x0] =	wrdreg $0x60  }
0xae: {  	[dreg:$0x2] =	wrdreg s24  }
0xaf: {  	[dreg:$0x3] =	wrdreg $0x9  }
0xb0: {  	_ =	task.clear_ibuf [dreg:s6], $0x4FFFF;
	_ =	strace $0x90000049  }
0xb1: {  	s29 =	simm.s32 $0x9;
	_ =	strace $0x8000004B  }
0xb2: {  	_ =	swait.ge [sflag:s29], $0x1  }
0xb3: {  	[sflag:s29] =	ssyncadd.s32 $0xFFFFFFFF  }
0xb4: {  	_ =	strace $0x9000004B  }
0xb5: {  	_ =	sfence  }
0xb6: {  	s30 =	sld [smem:$0x0];
	_ =	sdelay $0x2  }
0xb7: {  	s31 =	sshll.u32 s1, $0xD;
	s1 =	sshrl.u32 s1, $0x2  }
0xb8: {  	s3 =	sand.u32 $0x4000, s31;
	s1 =	sadd.s32 s1, s30  }
0xb9: {  	s0 =	sor.u32 s3, s0;
	s1 =	sshll.u32 s1, $0x11  }
0xba: {  	s0 =	sor.u32 s1, s0  }
0xbb: {  	s0 =	sadd.s32 $0x8F2B, s0  }
0xbc: {  	[sflag:s0] =	ssyncadd.remote.s32 $0x1  }
0xbd: {  	_ =	sfence.sel $0xFFFF  }
0xbe: {  	[dreg:$0x0] =	wrdreg $0xFFFFFFFF;
	(pc) =	sbr.abs _section_cstart, $3  }
0xbf: {  	[dreg:$0x1] =	wrdreg $0xFFFFFFFF  }
0xc0: {  	_ =	task.clear_ibuf [dreg:s6], $0x2FFFF;
	_ =	strace $0x9FFFFFFF  }
0xc1: {  	(tm) =	ssettm $0x7FFFFFFF  }
tec
execute0_lowered:
.L_overlay_start_1:
0x0: {  	(tag) =	ssettag $0x1  }
0x1: {  	s4 =	rddreg [dreg:$0x0]  }
0x2: {  	s0 =	rddreg [dreg:$0x1];
	s2 =	simm.s32 $0x0;
	s1 =	stileid.u32  }
0x3: {  	s3 =	srdreg.scid;
	s17 =	simm.s32 $0x1;
	s9 =	smul.u32 $0x280000, s1  }
0x4: {  	s18 =	simm.s32 $0x2;
	s19 =	simm.s32 $0x0;
	s14 =	smul.u32 $0x5000, s1  }
0x5: {  	[smem:$0x7FF] =	sst s2;
	s10 =	sand.u32 $0x1, s3;
	s28 =	smul.u32 $0x50000, s1  }
0x6: {  	s22 =	sshll.u32 s1, $0x1;
	s3 =	sadd.s32 $0xB400, s4;
	s13 =	smul.u32 $0x140000, s10  }
0x7: {  	s12 =	sadd.s32 $0x4B400, s4;
	s11 =	sadd.s32 $0x55400, s4;
	s16 =	smul.u32 $0x2800, s10  }
0x8: {  	s5 =	sor.u32 s10, s22;
	s6 =	ssub.s32 $0x2, s10;
	s30 =	smul.u32 $0x28000, s10  }
0x9: {  	_ =	strace $0x8000004A;
	s7 =	smul.u32 $0x2800, s5;
	s23 =	sshrl.u32 s6, $0x1  }
0xa: {  	s8 =	smul.u32 $0x140000, s5;
	s6 =	ssub.s32 s6, s23;
	s9 =	sadd.s32 s13, s9  }
0xb: {  	s26 =	sadd.s32 s16, s14;
	s14 =	simm.s32 $0x100;
	s16 =	simm.s32 $0x8200  }
0xc: {  	s24 =	sshrl.u32 s7, $0x3;
	s7 =	sadd.s32 $0x2700, s7;
	s5 =	smax.u32 s6, $0x1  }
0xd: {  	s8 =	sshrl.u32 s8, $0x3;
	s9 =	sshrl.u32 s9, $0x3;
	s29 =	sor.u32 $0x200, s26  }
0xe: {  	s13 =	sor.u32 $0x100, s26;
	s4 =	sadd.s32 s12, s24;
	s25 =	sshrl.u32 s7, $0x3  }
0xf: {  	s8 =	sadd.s32 s11, s8;
	s15 =	sshll.u32 s7, $0x4;
	s9 =	sadd.s32 s9, s11  }
0x10: {  	s31 =	sshrl.u32 s29, $0x3;
	s13 =	sshrl.u32 s13, $0x3;
	s6 =	sadd.s32 s12, s25  }
0x11: {  	s7 =	sadd.s32 $0x26000, s8;
	s8 =	sadd.s32 s11, s15;
	s11 =	sadd.s32 s28, s11  }
0x12: {  	s10 =	sadd.s32 s31, s12;
	s12 =	sadd.s32 s13, s12;
	s11 =	sadd.s32 s30, s11  }
0x13: {  	s13 =	simm.s32 $0x3;
	s15 =	simm.s32 $0x200;
	s11 =	sadd.s32 $0x1000, s11  }
.LBB2_1:
0x14: {  	[tilespmem:s2], [sflag:$0x3] =	stream.linear.gather [hbm4b:s4+s2], $0x100, $0x38;
	[tilespmem:$0x10200] =	vst v63  }
0x15: {  	_ =	swait.ge [sflag:s13], $0x100  }
0x16: {  	[sflag:s13] =	ssyncset.done $0x0  }
0x17: {  	[sflag:s13] =	ssyncadd.s32 $0xFFFFFF00  }
0x18: {  	[tilespmem:s15], [sflag:$0x1] =	stream.indirect.gather [hbm4b:s3+s14], $0x80, s2, s14, $0xb8;
	[tilespmem:$0x10200] =	vst v63  }
0x19: {  	s20 =	sadd.s32 $0x0, s12  }
0x1a: {  	[tilespmem:s14], [sflag:$0x3] =	stream.linear.gather [hbm4b:s20+s2], $0x100, $0x38;
	[tilespmem:$0x10200] =	vst v63  }
0x1b: {  	_ =	swait.ge [sflag:s13], $0x100  }
0x1c: {  	[sflag:s13] =	ssyncset.done $0x0  }
0x1d: {  	[sflag:s13] =	ssyncadd.s32 $0xFFFFFF00  }
0x1e: {  	[tilespmem:s16], [sflag:$0x2] =	stream.indirect.gather [hbm4b:s3+s14], $0x80, s14, s14, $0xb8;
	[tilespmem:$0x10200] =	vst v63  }
0x1f: {  	_ =	swait.ge [sflag:s17], $0x8000  }
0x20: {  	[sflag:s17] =	ssyncset.done $0x0  }
0x21: {  	[sflag:s17] =	ssyncadd.s32 $0xFFFF8000  }
0x22: {  	[hbm4b:s9+s2] =	stream.linear.scatter [tilespmem:s15], [sflag:$0x3], $0x8000, $0x38;
	[tilespmem:$0x10200] =	vst v63  }
0x23: {  	_ =	swait.ge [sflag:s13], $0x8000  }
0x24: {  	[sflag:s13] =	ssyncset.done $0x0  }
0x25: {  	s31 =	sadd.s32 $0x0, s10;
	[sflag:s13] =	ssyncadd.s32 $0xFFFF8000  }
0x26: {  	[tilespmem:s2], [sflag:$0x3] =	stream.linear.gather [hbm4b:s31+s2], $0x100, $0x38;
	[tilespmem:$0x10200] =	vst v63  }
0x27: {  	_ =	swait.ge [sflag:s13], $0x100  }
0x28: {  	[sflag:s13] =	ssyncset.done $0x0  }
0x29: {  	[sflag:s13] =	ssyncadd.s32 $0xFFFFFF00  }
0x2a: {  	[tilespmem:s15], [sflag:$0x1] =	stream.indirect.gather [hbm4b:s3+s14], $0x80, s2, s14, $0xb8;
	[tilespmem:$0x10200] =	vst v63  }
0x2b: {  	_ =	swait.ge [sflag:s18], $0x8000  }
0x2c: {  	[sflag:s18] =	ssyncset.done $0x0  }
0x2d: {  	[sflag:s18] =	ssyncadd.s32 $0xFFFF8000  }
0x2e: {  	[hbm4b:s11+s2] =	stream.linear.scatter [tilespmem:s16], [sflag:$0x3], $0x8000, $0x38;
	[tilespmem:$0x10200] =	vst v63  }
0x2f: {  	s21 =	simm.s32 $0x40;
	s23 =	simm.s32 $0x80;
	_ =	swait.ge [sflag:s13], $0x8000  }
0x30: {  	s22 =	sadd.s32 $0x2000, s9;
	s20 =	sadd.s32 $0x2000, s11;
	[sflag:s13] =	ssyncset.done $0x0  }
.LBB2_2:
0x31: {  	s24 =	sadd.s32 s21, s12  }
0x32: {  	[sflag:s13] =	ssyncadd.s32 $0xFFFF8000;
	s25 =	smov.u32 s23;
	s26 =	sadd.s32 $0x40, s23  }
0x33: {  	[tilespmem:s14], [sflag:$0x3] =	stream.linear.gather [hbm4b:s24+s2], $0x100, $0x38;
	[tilespmem:$0x10200] =	vst v63  }
0x34: {  	p0 =	sne.s32 s23, $0x480;
	_ =	swait.ge [sflag:s13], $0x100  }
0x35: {  	[sflag:s13] =	ssyncset.done $0x0  }
0x36: {  	[sflag:s13] =	ssyncadd.s32 $0xFFFFFF00  }
0x37: {  	[tilespmem:s16], [sflag:$0x2] =	stream.indirect.gather [hbm4b:s3+s14], $0x80, s14, s14, $0xb8;
	[tilespmem:$0x10200] =	vst v63  }
0x38: {  	_ =	swait.ge [sflag:s17], $0x8000  }
0x39: {  	[sflag:s17] =	ssyncset.done $0x0  }
0x3a: {  	[sflag:s17] =	ssyncadd.s32 $0xFFFF8000  }
0x3b: {  	[hbm4b:s22+s2] =	stream.linear.scatter [tilespmem:s15], [sflag:$0x3], $0x8000, $0x38;
	[tilespmem:$0x10200] =	vst v63  }
0x3c: {  	_ =	swait.ge [sflag:s13], $0x8000  }
0x3d: {  	[sflag:s13] =	ssyncset.done $0x0  }
0x3e: {  	s23 =	sadd.s32 s21, s10;
	s21 =	smov.u32 s25;
	[sflag:s13] =	ssyncadd.s32 $0xFFFF8000  }
0x3f: {  	[tilespmem:s2], [sflag:$0x3] =	stream.linear.gather [hbm4b:s23+s2], $0x100, $0x38;
	[tilespmem:$0x10200] =	vst v63  }
0x40: {  	_ =	swait.ge [sflag:s13], $0x100  }
0x41: {  	[sflag:s13] =	ssyncset.done $0x0  }
0x42: {  	[sflag:s13] =	ssyncadd.s32 $0xFFFFFF00  }
0x43: {  	[tilespmem:s15], [sflag:$0x1] =	stream.indirect.gather [hbm4b:s3+s14], $0x80, s2, s14, $0xb8;
	[tilespmem:$0x10200] =	vst v63  }
0x44: {  	_ =	swait.ge [sflag:s18], $0x8000  }
.Ltmp0:
0x45: {  	[sflag:s18] =	ssyncset.done $0x0;
	(pc) =	sbr.rel @p0 .LBB2_2-.Ltmp0, $4  }
0x46: {  	[sflag:s18] =	ssyncadd.s32 $0xFFFF8000  }
0x47: {  	[hbm4b:s20+s2] =	stream.linear.scatter [tilespmem:s16], [sflag:$0x3], $0x8000, $0x38;
	[tilespmem:$0x10200] =	vst v63  }
0x48: {  	s22 =	sadd.s32 $0x2000, s22;
	_ =	swait.ge [sflag:s13], $0x8000  }
0x49: {  	s23 =	smov.u32 s26;
	s20 =	sadd.s32 $0x2000, s20;
	[sflag:s13] =	ssyncset.done $0x0  }
0x4a: {  	s23 =	sadd.s32 s21, s12;
	[sflag:s13] =	ssyncadd.s32 $0xFFFF8000  }
0x4b: {  	[tilespmem:s14], [sflag:$0x3] =	stream.linear.gather [hbm4b:s23+s2], $0x100, $0x38;
	[tilespmem:$0x10200] =	vst v63  }
0x4c: {  	_ =	swait.ge [sflag:s13], $0x100  }
0x4d: {  	[sflag:s13] =	ssyncset.done $0x0  }
0x4e: {  	[sflag:s13] =	ssyncadd.s32 $0xFFFFFF00  }
0x4f: {  	[tilespmem:s16], [sflag:$0x2] =	stream.indirect.gather [hbm4b:s3+s14], $0x80, s14, s14, $0xb8;
	[tilespmem:$0x10200] =	vst v63  }
0x50: {  	_ =	swait.ge [sflag:s17], $0x8000  }
0x51: {  	[sflag:s17] =	ssyncset.done $0x0  }
0x52: {  	[sflag:s17] =	ssyncadd.s32 $0xFFFF8000  }
0x53: {  	[hbm4b:s22+s2] =	stream.linear.scatter [tilespmem:s15], [sflag:$0x3], $0x8000, $0x38;
	[tilespmem:$0x10200] =	vst v63  }
0x54: {  	_ =	swait.ge [sflag:s13], $0x8000  }
0x55: {  	[sflag:s13] =	ssyncset.done $0x0  }
0x56: {  	s31 =	sadd.s32 s21, s10;
	[sflag:s13] =	ssyncadd.s32 $0xFFFF8000  }
0x57: {  	[tilespmem:s2], [sflag:$0x3] =	stream.linear.gather [hbm4b:s31+s2], $0x100, $0x38;
	[tilespmem:$0x10200] =	vst v63  }
0x58: {  	_ =	swait.ge [sflag:s13], $0x100  }
0x59: {  	[sflag:s13] =	ssyncset.done $0x0  }
0x5a: {  	[sflag:s13] =	ssyncadd.s32 $0xFFFFFF00  }
0x5b: {  	[tilespmem:s15], [sflag:$0x1] =	stream.indirect.gather [hbm4b:s3+s14], $0x80, s2, s14, $0xb8;
	[tilespmem:$0x10200] =	vst v63  }
0x5c: {  	_ =	swait.ge [sflag:s18], $0x8000  }
0x5d: {  	[sflag:s18] =	ssyncset.done $0x0  }
0x5e: {  	[sflag:s18] =	ssyncadd.s32 $0xFFFF8000  }
0x5f: {  	[hbm4b:s20+s2] =	stream.linear.scatter [tilespmem:s16], [sflag:$0x3], $0x8000, $0x38;
	[tilespmem:$0x10200] =	vst v63  }
0x60: {  	_ =	swait.ge [sflag:s13], $0x8000  }
0x61: {  	[sflag:s13] =	ssyncset.done $0x0  }
0x62: {  	[sflag:s13] =	ssyncadd.s32 $0xFFFF8000  }
0x63: {  	[tilespmem:s14], [sflag:$0x3] =	stream.linear.gather [hbm4b:s6+s2], $0x100, $0x38;
	[tilespmem:$0x10200] =	vst v63  }
0x64: {  	_ =	swait.ge [sflag:s13], $0x100  }
0x65: {  	[sflag:s13] =	ssyncset.done $0x0  }
0x66: {  	[sflag:s13] =	ssyncadd.s32 $0xFFFFFF00  }
0x67: {  	[tilespmem:s16], [sflag:$0x2] =	stream.indirect.gather [hbm4b:s3+s14], $0x80, s14, s14, $0xb8;
	[tilespmem:$0x10200] =	vst v63  }
0x68: {  	_ =	swait.ge [sflag:s17], $0x8000  }
0x69: {  	[sflag:s17] =	ssyncset.done $0x0  }
0x6a: {  	[sflag:s17] =	ssyncadd.s32 $0xFFFF8000  }
0x6b: {  	[hbm4b:s7+s2] =	stream.linear.scatter [tilespmem:s15], [sflag:$0x3], $0x8000, $0x38;
	[tilespmem:$0x10200] =	vst v63  }
0x6c: {  	_ =	swait.ge [sflag:s13], $0x8000  }
0x6d: {  	[sflag:s13] =	ssyncset.done $0x0  }
0x6e: {  	[sflag:s13] =	ssyncadd.s32 $0xFFFF8000  }
0x6f: {  	s19 =	sadd.s32 $0x1, s19;
	_ =	swait.ge [sflag:s18], $0x8000  }
0x70: {  	p0 =	sne.s32 s19, s5;
	[sflag:s18] =	ssyncset.done $0x0  }
.Ltmp1:
0x71: {  	[sflag:s18] =	ssyncadd.s32 $0xFFFF8000;
	(pc) =	sbr.rel @p0 .LBB2_1-.Ltmp1, $4  }
0x72: {  	[hbm4b:s8+s2] =	stream.linear.scatter [tilespmem:s16], [sflag:$0x3], $0x8000, $0x38;
	[tilespmem:$0x10200] =	vst v63  }
0x73: {  	_ =	swait.ge [sflag:s13], $0x8000  }
0x74: {  	[sflag:s13] =	ssyncset.done $0x0  }
0x75: {  	[sflag:s13] =	ssyncadd.s32 $0xFFFF8000  }
0x76: {  	_ =	sfence.sel $0x180000  }
0x77: {  	[bflag:$0x0] =	sbarrier.arrive $0xFFFF  }
0x78: {  	p0 =	sne.s32 s1, $0x0;
	_ =	strace $0x9000004A  }
0x79: {  	s0 =	sadd.s32 @!p0 $0x100000, s0;
	[bflag:$0x2] =	sbarrier.arrive $0xFFFF  }
0x7a: {  	[sflag:s0] =	ssyncadd.tile.s32 @!p0 $0x1;
	_ =	shalt  }
.Lfunc_end2:
_tile_overlayer_lowered:
.L_overlay_start_2:
0x7b: {  	(tag) =	ssettag $0x2  }
0x7c: {  	s0 =	rddreg [dreg:$0x0];
	s2 =	stileid.u32  }
0x7d: {  	s1 =	rddreg [dreg:$0x1];
	p0 =	sne.s32 s2, $0x0  }
0x7e: {  	s3 =	rddreg [dreg:$0x2];
	[bflag:$0x3] =	sbarrier.arrive $0xFFFF;
	s2 =	simm.s32 @!p0 $0x1C03  }
0x7f: {  	[timem:s3], [sflag:s2] =	dma.local @!p0 [hbm:s0], s1  }
0x80: {  	s0 =	simm.s32 @!p0 $0x3  }
0x81: {  	_ =	swait.ge @!p0 [sflag:s0], s1  }
0x82: {  	s1 =	ssub.s32 @!p0 $0x0, s1;
	[sflag:s0] =	ssyncset.done @!p0 $0x0  }
0x83: {  	[sflag:s0] =	ssyncadd.s32 @!p0 s1  }
0x84: {  	[bflag:$0x3] =	sbarrier.arrive $0xFFFF  }
0x85: {  	_ =	shalt  }

</sc_bundles>
